<compile_context>
chip_gen: v7x
topology: tpu7x:2x2x1
jax: 0.10.2.dev20260603
libtpu: 0.0.44.dev20260713+nightly
codegen_flags: <defaults>
</compile_context>

<pallas_src>
import functools

import jax
import jax.numpy as jnp
from jax import lax
from jax.experimental import pallas as pl
from jax.experimental.pallas import tpu as pltpu
from jax.experimental.pallas import tpu_sc as plsc

BATCH = 16384
HIST = 200
DIM = 16
VOCAB = 1000000
NUM_WORKERS = 32
BW = BATCH // NUM_WORKERS
LANES = 128
SUBL = 8
TPW = BW // LANES
QW = TPW * SUBL * LANES
PADW = LANES + 1

VPAD = 1 << 20
TC4 = VPAD // LANES
NTC = -(-VOCAB // LANES)
TCH = 8
ROWS1 = TCH * LANES
NCH1 = -(-NTC // TCH)
K1 = -(-NCH1 // 16)
PADT = DIM + 1
LPAD = LANES + 9


def _make_gather():
    mesh = plsc.VectorSubcoreMesh(core_axis_name="c", subcore_axis_name="s")

    @functools.partial(
        pl.kernel,
        mesh=mesh,
        out_type=[
            jax.ShapeDtypeStruct((HIST, 2, BATCH // LANES * SUBL, LANES),
                                 jnp.float32),
            jax.ShapeDtypeStruct((2 * VPAD, DIM), jnp.float32),
        ],
        scratch_types=[
            pltpu.VMEM((2, BW), jnp.int32),
            pltpu.VMEM((2, BW, DIM), jnp.float32),
            pltpu.VMEM((2, 2 * TPW * SUBL, PADW), jnp.float32),
            pltpu.VMEM((2, 2, TCH, SUBL, LPAD), jnp.float32),
            pltpu.VMEM((2, ROWS1, DIM), jnp.float32),
            pltpu.SemaphoreType.DMA,
            pltpu.SemaphoreType.DMA,
            pltpu.SemaphoreType.DMA,
            pltpu.SemaphoreType.DMA,
            pltpu.SemaphoreType.DMA,
            pltpu.SemaphoreType.DMA,
        ],
        compiler_params=pltpu.CompilerParams(use_tc_tiling_on_sc=False,
                                             needs_layout_passes=False),
    )
    def gather_kernel(idx_hbm, tab4_hbm, out_hbm, tbl_hbm,
                      idx_v, rows_v, tiles_v, slab_v, stage_v,
                      si0, si1, sg0, sg1, ss0, ss1):
        cid = lax.axis_index("c")
        sid = lax.axis_index("s")
        wid = sid * 2 + cid
        tbase = cid * VPAD
        si = (si0, si1)
        sg = (sg0, sg1)
        ss = (ss0, ss1)
        d_iota = lax.iota(jnp.int32, DIM)

        def p1_in(q, b):
            return pltpu.make_async_copy(
                tab4_hbm.at[:, pl.ds(q * TCH, TCH)],
                slab_v.at[b, :, :, :, pl.ds(0, LANES)], si[b])

        def p1_out(q, b):
            return pltpu.make_async_copy(
                stage_v.at[b], tbl_hbm.at[pl.ds(tbase + q * ROWS1, ROWS1)],
                ss[b])

        def p1_transpose(b):
            @plsc.parallel_loop(0, TCH * LANES, unroll=8, carry=d_iota)
            def p1_body(t, iot):
                tcl = t // LANES
                l = t % LANES
                i_tr = iot // SUBL
                i_s = iot % SUBL
                i_tc = iot * 0 + tcl
                i_l = iot * 0 + l
                v = plsc.load_gather(slab_v.at[b], [i_tr, i_tc, i_s, i_l])
                stage_v[b, t] = v
                return iot

        def p1_q(k):
            return sid + 16 * k

        p1_in(p1_q(0), 0).start()

        def p1_body_k(k, carry):
            for b in (0, 1):
                kk = 2 * k + b
                q = p1_q(kk)

                @pl.when(q < NCH1)
                def _():
                    p1_in(q, b).wait()

                    @pl.when(p1_q(kk + 1) < NCH1)
                    def _():
                        p1_in(p1_q(kk + 1), 1 - b).start()

                    @pl.when(kk >= 2)
                    def _():
                        p1_out(p1_q(kk - 2), b).wait()

                    p1_transpose(b)
                    p1_out(q, b).start()

            return carry

        lax.fori_loop(0, (K1 + 1) // 2, p1_body_k, 0)
        for tail in (K1 - 2, K1 - 1):
            @pl.when(p1_q(tail) < NCH1)
            def _(tail=tail):
                p1_out(p1_q(tail), tail % 2).wait()

        plsc.subcore_barrier()

        N = HIST
        pat0 = (d_iota // SUBL) * (TPW * SUBL) + d_iota % SUBL
        rows_per_td = TPW * SUBL

        def idx_copies(h, b):
            return [pltpu.make_async_copy(
                        idx_hbm.at[h // SUBL, TPW * wid + j, h % SUBL],
                        idx_v.at[b, pl.ds(j * LANES, LANES)], si[b])
                    for j in range(TPW)]

        def idx_start(h, b):
            for cp in idx_copies(h, b):
                cp.start()

        def idx_wait(h, b):
            for cp in idx_copies(h, b):
                cp.wait()

        def idx_adjust(b):
            @plsc.parallel_loop(0, BW // DIM, unroll=8)
            def adj_body(i):
                sl = pl.ds(i * DIM, DIM)
                idx_v[b, sl] = idx_v[b, sl] + tbase

        def gat_copy(h, b):
            return pltpu.make_async_copy(
                tbl_hbm.at[idx_v.at[b]], rows_v.at[b], sg[b])

        def st_copies(h, b):
            return [pltpu.make_async_copy(
                        tiles_v.at[b, pl.ds(td * rows_per_td, rows_per_td),
                                   pl.ds(0, LANES)],
                        out_hbm.at[h, td, pl.ds(wid * rows_per_td,
                                                rows_per_td)],
                        ss[b])
                    for td in range(2)]

        def transpose(b):
            @plsc.parallel_loop(0, BW, unroll=8, carry=pat0)
            def tr_body(r, pat):
                v = rows_v[b, r]
                i_row = pat + (r // LANES) * SUBL
                i_col = jnp.zeros((DIM,), jnp.int32) + r % LANES
                plsc.store_scatter(tiles_v.at[b], [i_row, i_col], v)
                return pat

        idx_start(0, 0)
        idx_start(1, 1)
        idx_wait(0, 0)
        idx_adjust(0)
        gat_copy(0, 0).start()

        def body(g, carry):
            for b in (0, 1):
                h = 2 * g + b
                other = 1 - b

                @pl.when(h + 1 < N)
                def _():
                    idx_wait(h + 1, other)
                    idx_adjust(other)
                    gat_copy(h + 1, other).start()

                gat_copy(h, b).wait()

                @pl.when(h + 2 < N)
                def _():
                    idx_start(h + 2, b)

                @pl.when(h >= 2)
                def _():
                    for cp in st_copies(h - 2, b):
                        cp.wait()

                transpose(b)
                for cp in st_copies(h, b):
                    cp.start()

            return carry

        lax.fori_loop(0, N // 2, body, 0)
        for cp in st_copies(N - 2, 0):
            cp.wait()
        for cp in st_copies(N - 1, 1):
            cp.wait()

    return gather_kernel


_gather = _make_gather()


def kernel(indices, table):
    idx4 = (indices.astype(jnp.int32)
            .reshape(LANES, LANES, HIST // SUBL, SUBL)
            .transpose(2, 0, 3, 1))
    tpad = jnp.pad(table, ((0, VPAD - VOCAB), (0, 0)))
    tab4 = tpad.reshape(TC4, LANES, 2, SUBL).transpose(2, 0, 3, 1)
    out4, _ = _gather(idx4, tab4)
    return (out4.reshape(HIST, 2, BATCH // LANES, SUBL, LANES)
                .transpose(2, 4, 0, 1, 3)
                .reshape(BATCH, HIST, DIM))

# --- scband reference (transcript-rebuilt; emitter-appended) ---
"""Pipeline reference for scband-embedding-module-1494648619159 (READ-ONLY COPY).

The authoritative reference and input builder live on the scoring server;
editing this copy changes nothing except your own understanding.
"""

import jax, jax.numpy as jnp
import numpy as np

NUM_EMBEDDINGS = 1000000
EMBEDDING_DIM = 16
BATCH = 16384
HIST = 200

def setup_inputs(seed: int = 0) -> dict:
    key = jax.random.key(seed)
    k_idx, k_tab = jax.random.split(key)
    indices = jax.random.randint(k_idx, (BATCH, HIST), 0, NUM_EMBEDDINGS, dtype=jnp.int64 if jax.config.jax_enable_x64 else jnp.int32)
    table = jax.random.normal(k_tab, (NUM_EMBEDDINGS, EMBEDDING_DIM), dtype=jnp.float32) * 0.02
    return {"indices": indices, "table": table}

def reference(indices, table):
    # nn.Embedding forward: gather rows of the embedding table
    return jnp.take(table, indices, axis=0)

if __name__ == "__main__":
    import jax
    _d = setup_inputs()
    print(jax.jit(kernel)(*tuple(_d.values())))

</pallas_src>

<mosaic_0001>
#map = affine_map<(d0, d1) -> (0, 0, 0, 0)>
#map1 = affine_map<(d0, d1) -> (0, 0)>
module attributes {stable_mosaic.version = 14 : i64} {
  func.func @gather_kernel(%arg0: i32, %arg1: i32, %arg2: memref<25x128x8x128xi32, #tpu.memory_space<hbm>>, %arg3: memref<2x8192x8x128xf32, #tpu.memory_space<hbm>>, %arg4: memref<200x2x1024x128xf32, #tpu.memory_space<hbm>>, %arg5: memref<2097152x16xf32, #tpu.memory_space<hbm>>, %arg6: memref<2x512xi32, #tpu.memory_space<vmem>>, %arg7: memref<2x512x16xf32, #tpu.memory_space<vmem>>, %arg8: memref<2x64x129xf32, #tpu.memory_space<vmem>>, %arg9: memref<2x2x8x8x137xf32, #tpu.memory_space<vmem>>, %arg10: memref<2x1024x16xf32, #tpu.memory_space<vmem>>, %arg11: memref<!tpu.dma_semaphore, #tpu.memory_space<semaphore_mem>>, %arg12: memref<!tpu.dma_semaphore, #tpu.memory_space<semaphore_mem>>, %arg13: memref<!tpu.dma_semaphore, #tpu.memory_space<semaphore_mem>>, %arg14: memref<!tpu.dma_semaphore, #tpu.memory_space<semaphore_mem>>, %arg15: memref<!tpu.dma_semaphore, #tpu.memory_space<semaphore_mem>>, %arg16: memref<!tpu.dma_semaphore, #tpu.memory_space<semaphore_mem>>) attributes {dimension_semantics = [#tpu.dimension_semantics<core_parallel>, #tpu.dimension_semantics<subcore_parallel>], iteration_bounds = array<i64: 2, 16>, scalar_prefetch = 0 : i64, scratch_operands = 11 : i64, tpu.core_type = #tpu.core_type<sc_vector_subcore>, window_params = [{transform_indices = #map}, {transform_indices = #map}, {transform_indices = #map}, {transform_indices = #map1}]} {
    %mul3A = arith.constant 2 : i32
    %mul3A_0 = arith.muli %arg1, %mul3A : i32
    %add3A = arith.addi %mul3A_0, %arg0 : i32
    %mul3A_1 = arith.constant 1048576 : i32
    %mul3A_2 = arith.muli %arg0, %mul3A_1 : i32
    %iota3A = tpu.iota {dimensions = array<i32: 0>} : vector<16xi32>
    %add3A_3 = arith.constant 0 : i32
    %add3A_4 = arith.addi %arg1, %add3A_3 : i32
    %mul3A_5 = arith.constant 8 : i32
    %mul3A_6 = arith.muli %add3A_4, %mul3A_5 : i32
    %dma_start3A = arith.constant 0 : i32
    %dma_start3A_7 = arith.constant 0 : i32
    %dma_start3A_8 = arith.constant 0 : i32
    %dma_start3A_9 = arith.constant 0 : i32
    %dma_start3A_10 = arith.constant 0 : i32
    %dma_start3A_11 = tpu.memref_slice %arg9[%dma_start3A, %dma_start3A_7, %dma_start3A_8, %dma_start3A_9, %dma_start3A_10] : memref<2x2x8x8x137xf32, #tpu.memory_space<vmem>> -> memref<1x2x8x8x128xf32, #tpu.memory_space<vmem>>
    %dma_start3A_12 = tpu.memref_squeeze %dma_start3A_11 : memref<1x2x8x8x128xf32, #tpu.memory_space<vmem>> -> memref<2x8x8x128xf32, #tpu.memory_space<vmem>>
    %dma_start3A_13 = arith.constant 0 : i32
    %dma_start3A_14 = arith.constant 0 : i32
    %dma_start3A_15 = arith.constant 0 : i32
    %dma_start3A_16 = tpu.memref_slice %arg3[%dma_start3A_13, %mul3A_6, %dma_start3A_14, %dma_start3A_15] : memref<2x8192x8x128xf32, #tpu.memory_space<hbm>> -> memref<2x8x8x128xf32, #tpu.memory_space<hbm>>
    %dma_start3A_17 = arith.constant 0 : i32
    %dma_start3A_18 = arith.constant 0 : i32
    %dma_start3A_19 = arith.constant 0 : i32
    %dma_start3A_20 = arith.constant 0 : i32
    %dma_start3A_21 = tpu.memref_slice %arg9[%dma_start3A, %dma_start3A_17, %dma_start3A_18, %dma_start3A_19, %dma_start3A_20] : memref<2x2x8x8x137xf32, #tpu.memory_space<vmem>> -> memref<1x2x8x8x128xf32, #tpu.memory_space<vmem>>
    %dma_start3A_22 = tpu.memref_squeeze %dma_start3A_21 : memref<1x2x8x8x128xf32, #tpu.memory_space<vmem>> -> memref<2x8x8x128xf32, #tpu.memory_space<vmem>>
    %dma_start3A_23 = arith.constant 0 : i32
    %dma_start3A_24 = arith.constant 0 : i32
    %dma_start3A_25 = arith.constant 0 : i32
    %dma_start3A_26 = tpu.memref_slice %arg3[%dma_start3A_23, %mul3A_6, %dma_start3A_24, %dma_start3A_25] : memref<2x8192x8x128xf32, #tpu.memory_space<hbm>> -> memref<2x8x8x128xf32, #tpu.memory_space<hbm>>
    tpu.enqueue_dma source(%dma_start3A_26 : memref<2x8x8x128xf32, #tpu.memory_space<hbm>>) target(%dma_start3A_22 : memref<2x8x8x128xf32, #tpu.memory_space<vmem>>) target_semaphore(%arg11 : memref<!tpu.dma_semaphore, #tpu.memory_space<semaphore_mem>>)
    %scan3A = arith.constant 0 : i32
    %scan3A_27 = arith.constant 0 : i32
    %scan3A_28 = arith.constant 31 : i32
    %scan3A_29 = arith.addi %scan3A_27, %scan3A_28 : i32
    %scan3A_30 = arith.constant 1 : i32
    scf.for %scan3A_414 = %scan3A_27 to %scan3A_29 step %scan3A_30  : i32 {
      %mul3A_415 = arith.constant 2 : i32
      %mul3A_416 = arith.muli %mul3A_415, %scan3A_414 : i32
      %add3A_417 = arith.constant 0 : i32
      %add3A_418 = arith.addi %mul3A_416, %add3A_417 : i32
      %mul3A_419 = arith.constant 16 : i32
      %mul3A_420 = arith.muli %mul3A_419, %add3A_418 : i32
      %add3A_421 = arith.addi %arg1, %mul3A_420 : i32
      %lt3A_422 = arith.constant 977 : i32
      %lt3A_423 = arith.cmpi slt, %add3A_421, %lt3A_422 : i32
      %convert_element_type3A_424 = arith.extui %lt3A_423 : i1 to i32
      %cond3A_425 = arith.constant 0 : i32
      %cond3A_426 = arith.cmpi ne, %convert_element_type3A_424, %cond3A_425 : i32
      scf.if %cond3A_426 {
        %mul3A_439 = arith.constant 8 : i32
        %mul3A_440 = arith.muli %add3A_421, %mul3A_439 : i32
        %dma_wait3A_441 = arith.constant 0 : i32
        %dma_wait3A_442 = arith.constant 0 : i32
        %dma_wait3A_443 = arith.constant 0 : i32
        %dma_wait3A_444 = arith.constant 0 : i32
        %dma_wait3A_445 = arith.constant 0 : i32
        %dma_wait3A_446 = tpu.memref_slice %arg9[%dma_wait3A_441, %dma_wait3A_442, %dma_wait3A_443, %dma_wait3A_444, %dma_wait3A_445] : memref<2x2x8x8x137xf32, #tpu.memory_space<vmem>> -> memref<1x2x8x8x128xf32, #tpu.memory_space<vmem>>
        %dma_wait3A_447 = tpu.memref_squeeze %dma_wait3A_446 : memref<1x2x8x8x128xf32, #tpu.memory_space<vmem>> -> memref<2x8x8x128xf32, #tpu.memory_space<vmem>>
        %dma_wait3A_448 = arith.constant 0 : i32
        %dma_wait3A_449 = arith.constant 0 : i32
        %dma_wait3A_450 = arith.constant 0 : i32
        %dma_wait3A_451 = tpu.memref_slice %arg3[%dma_wait3A_448, %mul3A_440, %dma_wait3A_449, %dma_wait3A_450] : memref<2x8192x8x128xf32, #tpu.memory_space<hbm>> -> memref<2x8x8x128xf32, #tpu.memory_space<hbm>>
        %dma_wait3A_452 = arith.constant 0 : i32
        %dma_wait3A_453 = arith.constant 0 : i32
        %dma_wait3A_454 = arith.constant 0 : i32
        %dma_wait3A_455 = arith.constant 0 : i32
        %dma_wait3A_456 = tpu.memref_slice %arg9[%dma_wait3A_441, %dma_wait3A_452, %dma_wait3A_453, %dma_wait3A_454, %dma_wait3A_455] : memref<2x2x8x8x137xf32, #tpu.memory_space<vmem>> -> memref<1x2x8x8x128xf32, #tpu.memory_space<vmem>>
        %dma_wait3A_457 = tpu.memref_squeeze %dma_wait3A_456 : memref<1x2x8x8x128xf32, #tpu.memory_space<vmem>> -> memref<2x8x8x128xf32, #tpu.memory_space<vmem>>
        %dma_wait3A_458 = arith.constant 0 : i32
        %dma_wait3A_459 = arith.constant 0 : i32
        %dma_wait3A_460 = arith.constant 0 : i32
        %dma_wait3A_461 = tpu.memref_slice %arg3[%dma_wait3A_458, %mul3A_440, %dma_wait3A_459, %dma_wait3A_460] : memref<2x8192x8x128xf32, #tpu.memory_space<hbm>> -> memref<2x8x8x128xf32, #tpu.memory_space<hbm>>
        tpu.wait_dma2 semaphore(%arg11 : memref<!tpu.dma_semaphore, #tpu.memory_space<semaphore_mem>>) src(%dma_wait3A_461 : memref<2x8x8x128xf32, #tpu.memory_space<hbm>>) dst(%dma_wait3A_457 : memref<2x8x8x128xf32, #tpu.memory_space<vmem>>)
        %add3A_462 = arith.constant 1 : i32
        %add3A_463 = arith.addi %add3A_418, %add3A_462 : i32
        %mul3A_464 = arith.constant 16 : i32
        %mul3A_465 = arith.muli %mul3A_464, %add3A_463 : i32
        %add3A_466 = arith.addi %arg1, %mul3A_465 : i32
        %lt3A_467 = arith.constant 977 : i32
        %lt3A_468 = arith.cmpi slt, %add3A_466, %lt3A_467 : i32
        %convert_element_type3A_469 = arith.extui %lt3A_468 : i1 to i32
        %cond3A_470 = arith.constant 0 : i32
        %cond3A_471 = arith.cmpi ne, %convert_element_type3A_469, %cond3A_470 : i32
        scf.if %cond3A_471 {
          %add3A_496 = arith.constant 1 : i32
          %add3A_497 = arith.addi %add3A_418, %add3A_496 : i32
          %mul3A_498 = arith.constant 16 : i32
          %mul3A_499 = arith.muli %mul3A_498, %add3A_497 : i32
          %add3A_500 = arith.addi %arg1, %mul3A_499 : i32
          %mul3A_501 = arith.constant 8 : i32
          %mul3A_502 = arith.muli %add3A_500, %mul3A_501 : i32
          %dma_start3A_503 = arith.constant 1 : i32
          %dma_start3A_504 = arith.constant 0 : i32
          %dma_start3A_505 = arith.constant 0 : i32
          %dma_start3A_506 = arith.constant 0 : i32
          %dma_start3A_507 = arith.constant 0 : i32
          %dma_start3A_508 = tpu.memref_slice %arg9[%dma_start3A_503, %dma_start3A_504, %dma_start3A_505, %dma_start3A_506, %dma_start3A_507] : memref<2x2x8x8x137xf32, #tpu.memory_space<vmem>> -> memref<1x2x8x8x128xf32, #tpu.memory_space<vmem>>
          %dma_start3A_509 = tpu.memref_squeeze %dma_start3A_508 : memref<1x2x8x8x128xf32, #tpu.memory_space<vmem>> -> memref<2x8x8x128xf32, #tpu.memory_space<vmem>>
          %dma_start3A_510 = arith.constant 0 : i32
          %dma_start3A_511 = arith.constant 0 : i32
          %dma_start3A_512 = arith.constant 0 : i32
          %dma_start3A_513 = tpu.memref_slice %arg3[%dma_start3A_510, %mul3A_502, %dma_start3A_511, %dma_start3A_512] : memref<2x8192x8x128xf32, #tpu.memory_space<hbm>> -> memref<2x8x8x128xf32, #tpu.memory_space<hbm>>
          %dma_start3A_514 = arith.constant 0 : i32
          %dma_start3A_515 = arith.constant 0 : i32
          %dma_start3A_516 = arith.constant 0 : i32
          %dma_start3A_517 = arith.constant 0 : i32
          %dma_start3A_518 = tpu.memref_slice %arg9[%dma_start3A_503, %dma_start3A_514, %dma_start3A_515, %dma_start3A_516, %dma_start3A_517] : memref<2x2x8x8x137xf32, #tpu.memory_space<vmem>> -> memref<1x2x8x8x128xf32, #tpu.memory_space<vmem>>
          %dma_start3A_519 = tpu.memref_squeeze %dma_start3A_518 : memref<1x2x8x8x128xf32, #tpu.memory_space<vmem>> -> memref<2x8x8x128xf32, #tpu.memory_space<vmem>>
          %dma_start3A_520 = arith.constant 0 : i32
          %dma_start3A_521 = arith.constant 0 : i32
          %dma_start3A_522 = arith.constant 0 : i32
          %dma_start3A_523 = tpu.memref_slice %arg3[%dma_start3A_520, %mul3A_502, %dma_start3A_521, %dma_start3A_522] : memref<2x8192x8x128xf32, #tpu.memory_space<hbm>> -> memref<2x8x8x128xf32, #tpu.memory_space<hbm>>
          tpu.enqueue_dma source(%dma_start3A_523 : memref<2x8x8x128xf32, #tpu.memory_space<hbm>>) target(%dma_start3A_519 : memref<2x8x8x128xf32, #tpu.memory_space<vmem>>) target_semaphore(%arg12 : memref<!tpu.dma_semaphore, #tpu.memory_space<semaphore_mem>>)
        } else {
        }
        %ge3A = arith.constant 2 : i32
        %ge3A_472 = arith.cmpi sge, %add3A_418, %ge3A : i32
        %convert_element_type3A_473 = arith.extui %ge3A_472 : i1 to i32
        %cond3A_474 = arith.constant 0 : i32
        %cond3A_475 = arith.cmpi ne, %convert_element_type3A_473, %cond3A_474 : i32
        scf.if %cond3A_475 {
          %sub3A_496 = arith.constant 2 : i32
          %sub3A_497 = arith.subi %add3A_418, %sub3A_496 : i32
          %mul3A_498 = arith.constant 16 : i32
          %mul3A_499 = arith.muli %mul3A_498, %sub3A_497 : i32
          %add3A_500 = arith.addi %arg1, %mul3A_499 : i32
          %mul3A_501 = arith.constant 1024 : i32
          %mul3A_502 = arith.muli %add3A_500, %mul3A_501 : i32
          %add3A_503 = arith.addi %mul3A_2, %mul3A_502 : i32
          %dma_wait3A_504 = arith.constant 0 : i32
          %dma_wait3A_505 = arith.constant 0 : i32
          %dma_wait3A_506 = arith.constant 0 : i32
          %dma_wait3A_507 = tpu.memref_slice %arg10[%dma_wait3A_504, %dma_wait3A_505, %dma_wait3A_506] : memref<2x1024x16xf32, #tpu.memory_space<vmem>> -> memref<1x1024x16xf32, #tpu.memory_space<vmem>>
          %dma_wait3A_508 = tpu.memref_squeeze %dma_wait3A_507 : memref<1x1024x16xf32, #tpu.memory_space<vmem>> -> memref<1024x16xf32, #tpu.memory_space<vmem>>
          %dma_wait3A_509 = arith.constant 0 : i32
          %dma_wait3A_510 = tpu.memref_slice %arg5[%add3A_503, %dma_wait3A_509] : memref<2097152x16xf32, #tpu.memory_space<hbm>> -> memref<1024x16xf32, #tpu.memory_space<hbm>>
          %dma_wait3A_511 = arith.constant 0 : i32
          %dma_wait3A_512 = tpu.memref_slice %arg5[%add3A_503, %dma_wait3A_511] : memref<2097152x16xf32, #tpu.memory_space<hbm>> -> memref<1024x16xf32, #tpu.memory_space<hbm>>
          %dma_wait3A_513 = arith.constant 0 : i32
          %dma_wait3A_514 = arith.constant 0 : i32
          %dma_wait3A_515 = tpu.memref_slice %arg10[%dma_wait3A_504, %dma_wait3A_513, %dma_wait3A_514] : memref<2x1024x16xf32, #tpu.memory_space<vmem>> -> memref<1x1024x16xf32, #tpu.memory_space<vmem>>
          %dma_wait3A_516 = tpu.memref_squeeze %dma_wait3A_515 : memref<1x1024x16xf32, #tpu.memory_space<vmem>> -> memref<1024x16xf32, #tpu.memory_space<vmem>>
          tpu.wait_dma2 semaphore(%arg15 : memref<!tpu.dma_semaphore, #tpu.memory_space<semaphore_mem>>) src(%dma_wait3A_516 : memref<1024x16xf32, #tpu.memory_space<vmem>>) dst(%dma_wait3A_512 : memref<1024x16xf32, #tpu.memory_space<hbm>>)
        } else {
        }
        %parallel_loop3A_476 = arith.constant 0 : i32
        %parallel_loop3A_477 = arith.constant 1024 : i32
        %parallel_loop3A_478 = arith.constant 1 : i32
        %parallel_loop3A_479 = scf.for %parallel_loop3A_496 = %parallel_loop3A_476 to %parallel_loop3A_477 step %parallel_loop3A_478 iter_args(%parallel_loop3A_497 = %iota3A) -> (vector<16xi32>)  : i32 {
          %parallel_loop3A_498 = arith.constant 128 : i32
          %parallel_loop3A_499 = arith.divsi %parallel_loop3A_496, %parallel_loop3A_498 : i32
          %parallel_loop3A_500 = arith.constant 0 : i32
          %parallel_loop3A_501 = arith.cmpi sgt, %parallel_loop3A_496, %parallel_loop3A_500 : i32
          %parallel_loop3A_502 = arith.extui %parallel_loop3A_501 : i1 to i32
          %parallel_loop3A_503 = arith.constant 0 : i32
          %parallel_loop3A_504 = arith.cmpi slt, %parallel_loop3A_496, %parallel_loop3A_503 : i32
          %parallel_loop3A_505 = arith.extui %parallel_loop3A_504 : i1 to i32
          %parallel_loop3A_506 = arith.subi %parallel_loop3A_502, %parallel_loop3A_505 : i32
          %parallel_loop3A_507 = arith.constant 0 : i32
          %parallel_loop3A_508 = arith.cmpi sgt, %parallel_loop3A_498, %parallel_loop3A_507 : i32
          %parallel_loop3A_509 = arith.extui %parallel_loop3A_508 : i1 to i32
          %parallel_loop3A_510 = arith.constant 0 : i32
          %parallel_loop3A_511 = arith.cmpi slt, %parallel_loop3A_498, %parallel_loop3A_510 : i32
          %parallel_loop3A_512 = arith.extui %parallel_loop3A_511 : i1 to i32
          %parallel_loop3A_513 = arith.subi %parallel_loop3A_509, %parallel_loop3A_512 : i32
          %parallel_loop3A_514 = arith.cmpi ne, %parallel_loop3A_506, %parallel_loop3A_513 : i32
          %parallel_loop3A_515 = arith.remsi %parallel_loop3A_496, %parallel_loop3A_498 : i32
          %parallel_loop3A_516 = arith.constant 0 : i32
          %parallel_loop3A_517 = arith.cmpi ne, %parallel_loop3A_515, %parallel_loop3A_516 : i32
          %parallel_loop3A_518 = arith.andi %parallel_loop3A_514, %parallel_loop3A_517 : i1
          %parallel_loop3A_519 = arith.constant 1 : i32
          %parallel_loop3A_520 = arith.subi %parallel_loop3A_499, %parallel_loop3A_519 : i32
          %parallel_loop3A_521 = arith.select %parallel_loop3A_518, %parallel_loop3A_520, %parallel_loop3A_499 : i32
          %parallel_loop3A_522 = arith.constant 128 : i32
          %parallel_loop3A_523 = arith.constant 0 : i32
          %parallel_loop3A_524 = arith.cmpi eq, %parallel_loop3A_522, %parallel_loop3A_523 : i32
          %parallel_loop3A_525 = arith.constant 1 : i32
          %parallel_loop3A_526 = arith.select %parallel_loop3A_524, %parallel_loop3A_525, %parallel_loop3A_522 : i32
          %parallel_loop3A_527 = arith.remsi %parallel_loop3A_496, %parallel_loop3A_526 : i32
          %parallel_loop3A_528 = arith.constant 0 : i32
          %parallel_loop3A_529 = arith.cmpi ne, %parallel_loop3A_527, %parallel_loop3A_528 : i32
          %parallel_loop3A_530 = arith.constant 0 : i32
          %parallel_loop3A_531 = arith.cmpi slt, %parallel_loop3A_527, %parallel_loop3A_530 : i32
          %parallel_loop3A_532 = arith.constant 0 : i32
          %parallel_loop3A_533 = arith.cmpi slt, %parallel_loop3A_526, %parallel_loop3A_532 : i32
          %parallel_loop3A_534 = arith.xori %parallel_loop3A_531, %parallel_loop3A_533 : i1
          %parallel_loop3A_535 = arith.andi %parallel_loop3A_534, %parallel_loop3A_529 : i1
          %parallel_loop3A_536 = arith.addi %parallel_loop3A_527, %parallel_loop3A_526 : i32
          %parallel_loop3A_537 = arith.select %parallel_loop3A_535, %parallel_loop3A_536, %parallel_loop3A_527 : i32
          %parallel_loop3A_538 = arith.constant 8 : i32
          %parallel_loop3A_539 = vector.broadcast %parallel_loop3A_538 : i32 to vector<16xi32>
          %parallel_loop3A_540 = arith.divsi %parallel_loop3A_497, %parallel_loop3A_539 : vector<16xi32>
          %parallel_loop3A_541 = arith.constant 0 : i32
          %parallel_loop3A_542 = vector.broadcast %parallel_loop3A_541 : i32 to vector<16xi32>
          %parallel_loop3A_543 = arith.cmpi sgt, %parallel_loop3A_497, %parallel_loop3A_542 : vector<16xi32>
          %parallel_loop3A_544 = arith.extui %parallel_loop3A_543 : vector<16xi1> to vector<16xi32>
          %parallel_loop3A_545 = arith.constant 0 : i32
          %parallel_loop3A_546 = vector.broadcast %parallel_loop3A_545 : i32 to vector<16xi32>
          %parallel_loop3A_547 = arith.cmpi slt, %parallel_loop3A_497, %parallel_loop3A_546 : vector<16xi32>
          %parallel_loop3A_548 = arith.extui %parallel_loop3A_547 : vector<16xi1> to vector<16xi32>
          %parallel_loop3A_549 = arith.subi %parallel_loop3A_544, %parallel_loop3A_548 : vector<16xi32>
          %parallel_loop3A_550 = arith.constant 0 : i32
          %parallel_loop3A_551 = arith.cmpi sgt, %parallel_loop3A_538, %parallel_loop3A_550 : i32
          %parallel_loop3A_552 = arith.extui %parallel_loop3A_551 : i1 to i32
          %parallel_loop3A_553 = arith.constant 0 : i32
          %parallel_loop3A_554 = arith.cmpi slt, %parallel_loop3A_538, %parallel_loop3A_553 : i32
          %parallel_loop3A_555 = arith.extui %parallel_loop3A_554 : i1 to i32
          %parallel_loop3A_556 = arith.subi %parallel_loop3A_552, %parallel_loop3A_555 : i32
          %parallel_loop3A_557 = vector.broadcast %parallel_loop3A_556 : i32 to vector<16xi32>
          %parallel_loop3A_558 = arith.cmpi ne, %parallel_loop3A_549, %parallel_loop3A_557 : vector<16xi32>
          %parallel_loop3A_559 = vector.broadcast %parallel_loop3A_538 : i32 to vector<16xi32>
          %parallel_loop3A_560 = arith.remsi %parallel_loop3A_497, %parallel_loop3A_559 : vector<16xi32>
          %parallel_loop3A_561 = arith.constant 0 : i32
          %parallel_loop3A_562 = vector.broadcast %parallel_loop3A_561 : i32 to vector<16xi32>
          %parallel_loop3A_563 = arith.cmpi ne, %parallel_loop3A_560, %parallel_loop3A_562 : vector<16xi32>
          %parallel_loop3A_564 = arith.andi %parallel_loop3A_558, %parallel_loop3A_563 : vector<16xi1>
          %parallel_loop3A_565 = arith.constant 1 : i32
          %parallel_loop3A_566 = vector.broadcast %parallel_loop3A_565 : i32 to vector<16xi32>
          %parallel_loop3A_567 = arith.subi %parallel_loop3A_540, %parallel_loop3A_566 : vector<16xi32>
          %parallel_loop3A_568 = arith.select %parallel_loop3A_564, %parallel_loop3A_567, %parallel_loop3A_540 : vector<16xi1>, vector<16xi32>
          %parallel_loop3A_569 = arith.constant 8 : i32
          %parallel_loop3A_570 = arith.constant 0 : i32
          %parallel_loop3A_571 = arith.cmpi eq, %parallel_loop3A_569, %parallel_loop3A_570 : i32
          %parallel_loop3A_572 = arith.constant 1 : i32
          %parallel_loop3A_573 = arith.select %parallel_loop3A_571, %parallel_loop3A_572, %parallel_loop3A_569 : i32
          %parallel_loop3A_574 = vector.broadcast %parallel_loop3A_573 : i32 to vector<16xi32>
          %parallel_loop3A_575 = arith.remsi %parallel_loop3A_497, %parallel_loop3A_574 : vector<16xi32>
          %parallel_loop3A_576 = arith.constant 0 : i32
          %parallel_loop3A_577 = vector.broadcast %parallel_loop3A_576 : i32 to vector<16xi32>
          %parallel_loop3A_578 = arith.cmpi ne, %parallel_loop3A_575, %parallel_loop3A_577 : vector<16xi32>
          %parallel_loop3A_579 = arith.constant 0 : i32
          %parallel_loop3A_580 = vector.broadcast %parallel_loop3A_579 : i32 to vector<16xi32>
          %parallel_loop3A_581 = arith.cmpi slt, %parallel_loop3A_575, %parallel_loop3A_580 : vector<16xi32>
          %parallel_loop3A_582 = arith.constant 0 : i32
          %parallel_loop3A_583 = arith.cmpi slt, %parallel_loop3A_573, %parallel_loop3A_582 : i32
          %parallel_loop3A_584 = vector.broadcast %parallel_loop3A_583 : i1 to vector<16xi1>
          %parallel_loop3A_585 = vector.broadcast %parallel_loop3A_584 : vector<16xi1> to vector<16xi1>
          %parallel_loop3A_586 = arith.xori %parallel_loop3A_581, %parallel_loop3A_585 : vector<16xi1>
          %parallel_loop3A_587 = arith.andi %parallel_loop3A_586, %parallel_loop3A_578 : vector<16xi1>
          %parallel_loop3A_588 = vector.broadcast %parallel_loop3A_573 : i32 to vector<16xi32>
          %parallel_loop3A_589 = arith.addi %parallel_loop3A_575, %parallel_loop3A_588 : vector<16xi32>
          %parallel_loop3A_590 = arith.select %parallel_loop3A_587, %parallel_loop3A_589, %parallel_loop3A_575 : vector<16xi1>, vector<16xi32>
          %parallel_loop3A_591 = arith.constant 0 : i32
          %parallel_loop3A_592 = vector.broadcast %parallel_loop3A_591 : i32 to vector<16xi32>
          %parallel_loop3A_593 = arith.muli %parallel_loop3A_497, %parallel_loop3A_592 : vector<16xi32>
          %parallel_loop3A_594 = vector.broadcast %parallel_loop3A_521 : i32 to vector<16xi32>
          %parallel_loop3A_595 = arith.addi %parallel_loop3A_593, %parallel_loop3A_594 : vector<16xi32>
          %parallel_loop3A_596 = arith.constant 0 : i32
          %parallel_loop3A_597 = vector.broadcast %parallel_loop3A_596 : i32 to vector<16xi32>
          %parallel_loop3A_598 = arith.muli %parallel_loop3A_497, %parallel_loop3A_597 : vector<16xi32>
          %parallel_loop3A_599 = vector.broadcast %parallel_loop3A_537 : i32 to vector<16xi32>
          %parallel_loop3A_600 = arith.addi %parallel_loop3A_598, %parallel_loop3A_599 : vector<16xi32>
          %parallel_loop3A_601 = arith.constant 0 : i32
          %parallel_loop3A_602 = arith.constant 0 : i32
          %parallel_loop3A_603 = arith.constant 0 : i32
          %parallel_loop3A_604 = arith.constant 0 : i32
          %parallel_loop3A_605 = arith.constant 0 : i32
          %parallel_loop3A_606 = tpu.memref_slice %arg9[%parallel_loop3A_601, %parallel_loop3A_602, %parallel_loop3A_603, %parallel_loop3A_604, %parallel_loop3A_605] : memref<2x2x8x8x137xf32, #tpu.memory_space<vmem>> -> memref<1x2x8x8x137xf32, #tpu.memory_space<vmem>>
          %parallel_loop3A_607 = tpu.memref_squeeze %parallel_loop3A_606 : memref<1x2x8x8x137xf32, #tpu.memory_space<vmem>> -> memref<2x8x8x137xf32, #tpu.memory_space<vmem>>
          %parallel_loop3A_608 = tpu.vector_load_idx %parallel_loop3A_607[%parallel_loop3A_568, %parallel_loop3A_595, %parallel_loop3A_590, %parallel_loop3A_600] : memref<2x8x8x137xf32, #tpu.memory_space<vmem>>[vector<16xi32>, vector<16xi32>, vector<16xi32>, vector<16xi32>], vector<16xf32>,
          %parallel_loop3A_609 = arith.constant 0 : i32
          %parallel_loop3A_610 = arith.index_cast %parallel_loop3A_609 : i32 to index
          %parallel_loop3A_611 = arith.index_cast %parallel_loop3A_496 : i32 to index
          %parallel_loop3A_612 = arith.constant 0 : index
          %parallel_loop3A_613 = tpu.vector_load %arg10[%parallel_loop3A_610, %parallel_loop3A_611, %parallel_loop3A_612] {strides = array<i32>} : memref<2x1024x16xf32, #tpu.memory_space<vmem>>, vector<16xf32>,
          tpu.vector_store %arg10[%parallel_loop3A_610, %parallel_loop3A_611, %parallel_loop3A_612], %parallel_loop3A_608 {strides = array<i32>} : memref<2x1024x16xf32, #tpu.memory_space<vmem>>, vector<16xf32>,
          scf.yield %parallel_loop3A_497 : vector<16xi32>
        } {sc.loop_unroll_factor = 8 : i64, sc.parallel_access}
        %mul3A_480 = arith.constant 1024 : i32
        %mul3A_481 = arith.muli %add3A_421, %mul3A_480 : i32
        %add3A_482 = arith.addi %mul3A_2, %mul3A_481 : i32
        %dma_start3A_483 = arith.constant 0 : i32
        %dma_start3A_484 = arith.constant 0 : i32
        %dma_start3A_485 = arith.constant 0 : i32
        %dma_start3A_486 = tpu.memref_slice %arg10[%dma_start3A_483, %dma_start3A_484, %dma_start3A_485] : memref<2x1024x16xf32, #tpu.memory_space<vmem>> -> memref<1x1024x16xf32, #tpu.memory_space<vmem>>
        %dma_start3A_487 = tpu.memref_squeeze %dma_start3A_486 : memref<1x1024x16xf32, #tpu.memory_space<vmem>> -> memref<1024x16xf32, #tpu.memory_space<vmem>>
        %dma_start3A_488 = arith.constant 0 : i32
        %dma_start3A_489 = tpu.memref_slice %arg5[%add3A_482, %dma_start3A_488] : memref<2097152x16xf32, #tpu.memory_space<hbm>> -> memref<1024x16xf32, #tpu.memory_space<hbm>>
        %dma_start3A_490 = arith.constant 0 : i32
        %dma_start3A_491 = tpu.memref_slice %arg5[%add3A_482, %dma_start3A_490] : memref<2097152x16xf32, #tpu.memory_space<hbm>> -> memref<1024x16xf32, #tpu.memory_space<hbm>>
        %dma_start3A_492 = arith.constant 0 : i32
        %dma_start3A_493 = arith.constant 0 : i32
        %dma_start3A_494 = tpu.memref_slice %arg10[%dma_start3A_483, %dma_start3A_492, %dma_start3A_493] : memref<2x1024x16xf32, #tpu.memory_space<vmem>> -> memref<1x1024x16xf32, #tpu.memory_space<vmem>>
        %dma_start3A_495 = tpu.memref_squeeze %dma_start3A_494 : memref<1x1024x16xf32, #tpu.memory_space<vmem>> -> memref<1024x16xf32, #tpu.memory_space<vmem>>
        tpu.enqueue_dma source(%dma_start3A_495 : memref<1024x16xf32, #tpu.memory_space<vmem>>) target(%dma_start3A_491 : memref<1024x16xf32, #tpu.memory_space<hbm>>) target_semaphore(%arg15 : memref<!tpu.dma_semaphore, #tpu.memory_space<semaphore_mem>>)
      } else {
      }
      %mul3A_427 = arith.constant 2 : i32
      %mul3A_428 = arith.muli %mul3A_427, %scan3A_414 : i32
      %add3A_429 = arith.constant 1 : i32
      %add3A_430 = arith.addi %mul3A_428, %add3A_429 : i32
      %mul3A_431 = arith.constant 16 : i32
      %mul3A_432 = arith.muli %mul3A_431, %add3A_430 : i32
      %add3A_433 = arith.addi %arg1, %mul3A_432 : i32
      %lt3A_434 = arith.constant 977 : i32
      %lt3A_435 = arith.cmpi slt, %add3A_433, %lt3A_434 : i32
      %convert_element_type3A_436 = arith.extui %lt3A_435 : i1 to i32
      %cond3A_437 = arith.constant 0 : i32
      %cond3A_438 = arith.cmpi ne, %convert_element_type3A_436, %cond3A_437 : i32
      scf.if %cond3A_438 {
        %mul3A_439 = arith.constant 8 : i32
        %mul3A_440 = arith.muli %add3A_433, %mul3A_439 : i32
        %dma_wait3A_441 = arith.constant 1 : i32
        %dma_wait3A_442 = arith.constant 0 : i32
        %dma_wait3A_443 = arith.constant 0 : i32
        %dma_wait3A_444 = arith.constant 0 : i32
        %dma_wait3A_445 = arith.constant 0 : i32
        %dma_wait3A_446 = tpu.memref_slice %arg9[%dma_wait3A_441, %dma_wait3A_442, %dma_wait3A_443, %dma_wait3A_444, %dma_wait3A_445] : memref<2x2x8x8x137xf32, #tpu.memory_space<vmem>> -> memref<1x2x8x8x128xf32, #tpu.memory_space<vmem>>
        %dma_wait3A_447 = tpu.memref_squeeze %dma_wait3A_446 : memref<1x2x8x8x128xf32, #tpu.memory_space<vmem>> -> memref<2x8x8x128xf32, #tpu.memory_space<vmem>>
        %dma_wait3A_448 = arith.constant 0 : i32
        %dma_wait3A_449 = arith.constant 0 : i32
        %dma_wait3A_450 = arith.constant 0 : i32
        %dma_wait3A_451 = tpu.memref_slice %arg3[%dma_wait3A_448, %mul3A_440, %dma_wait3A_449, %dma_wait3A_450] : memref<2x8192x8x128xf32, #tpu.memory_space<hbm>> -> memref<2x8x8x128xf32, #tpu.memory_space<hbm>>
        %dma_wait3A_452 = arith.constant 0 : i32
        %dma_wait3A_453 = arith.constant 0 : i32
        %dma_wait3A_454 = arith.constant 0 : i32
        %dma_wait3A_455 = arith.constant 0 : i32
        %dma_wait3A_456 = tpu.memref_slice %arg9[%dma_wait3A_441, %dma_wait3A_452, %dma_wait3A_453, %dma_wait3A_454, %dma_wait3A_455] : memref<2x2x8x8x137xf32, #tpu.memory_space<vmem>> -> memref<1x2x8x8x128xf32, #tpu.memory_space<vmem>>
        %dma_wait3A_457 = tpu.memref_squeeze %dma_wait3A_456 : memref<1x2x8x8x128xf32, #tpu.memory_space<vmem>> -> memref<2x8x8x128xf32, #tpu.memory_space<vmem>>
        %dma_wait3A_458 = arith.constant 0 : i32
        %dma_wait3A_459 = arith.constant 0 : i32
        %dma_wait3A_460 = arith.constant 0 : i32
        %dma_wait3A_461 = tpu.memref_slice %arg3[%dma_wait3A_458, %mul3A_440, %dma_wait3A_459, %dma_wait3A_460] : memref<2x8192x8x128xf32, #tpu.memory_space<hbm>> -> memref<2x8x8x128xf32, #tpu.memory_space<hbm>>
        tpu.wait_dma2 semaphore(%arg12 : memref<!tpu.dma_semaphore, #tpu.memory_space<semaphore_mem>>) src(%dma_wait3A_461 : memref<2x8x8x128xf32, #tpu.memory_space<hbm>>) dst(%dma_wait3A_457 : memref<2x8x8x128xf32, #tpu.memory_space<vmem>>)
        %add3A_462 = arith.constant 1 : i32
        %add3A_463 = arith.addi %add3A_430, %add3A_462 : i32
        %mul3A_464 = arith.constant 16 : i32
        %mul3A_465 = arith.muli %mul3A_464, %add3A_463 : i32
        %add3A_466 = arith.addi %arg1, %mul3A_465 : i32
        %lt3A_467 = arith.constant 977 : i32
        %lt3A_468 = arith.cmpi slt, %add3A_466, %lt3A_467 : i32
        %convert_element_type3A_469 = arith.extui %lt3A_468 : i1 to i32
        %cond3A_470 = arith.constant 0 : i32
        %cond3A_471 = arith.cmpi ne, %convert_element_type3A_469, %cond3A_470 : i32
        scf.if %cond3A_471 {
          %add3A_496 = arith.constant 1 : i32
          %add3A_497 = arith.addi %add3A_430, %add3A_496 : i32
          %mul3A_498 = arith.constant 16 : i32
          %mul3A_499 = arith.muli %mul3A_498, %add3A_497 : i32
          %add3A_500 = arith.addi %arg1, %mul3A_499 : i32
          %mul3A_501 = arith.constant 8 : i32
          %mul3A_502 = arith.muli %add3A_500, %mul3A_501 : i32
          %dma_start3A_503 = arith.constant 0 : i32
          %dma_start3A_504 = arith.constant 0 : i32
          %dma_start3A_505 = arith.constant 0 : i32
          %dma_start3A_506 = arith.constant 0 : i32
          %dma_start3A_507 = arith.constant 0 : i32
          %dma_start3A_508 = tpu.memref_slice %arg9[%dma_start3A_503, %dma_start3A_504, %dma_start3A_505, %dma_start3A_506, %dma_start3A_507] : memref<2x2x8x8x137xf32, #tpu.memory_space<vmem>> -> memref<1x2x8x8x128xf32, #tpu.memory_space<vmem>>
          %dma_start3A_509 = tpu.memref_squeeze %dma_start3A_508 : memref<1x2x8x8x128xf32, #tpu.memory_space<vmem>> -> memref<2x8x8x128xf32, #tpu.memory_space<vmem>>
          %dma_start3A_510 = arith.constant 0 : i32
          %dma_start3A_511 = arith.constant 0 : i32
          %dma_start3A_512 = arith.constant 0 : i32
          %dma_start3A_513 = tpu.memref_slice %arg3[%dma_start3A_510, %mul3A_502, %dma_start3A_511, %dma_start3A_512] : memref<2x8192x8x128xf32, #tpu.memory_space<hbm>> -> memref<2x8x8x128xf32, #tpu.memory_space<hbm>>
          %dma_start3A_514 = arith.constant 0 : i32
          %dma_start3A_515 = arith.constant 0 : i32
          %dma_start3A_516 = arith.constant 0 : i32
          %dma_start3A_517 = arith.constant 0 : i32
          %dma_start3A_518 = tpu.memref_slice %arg9[%dma_start3A_503, %dma_start3A_514, %dma_start3A_515, %dma_start3A_516, %dma_start3A_517] : memref<2x2x8x8x137xf32, #tpu.memory_space<vmem>> -> memref<1x2x8x8x128xf32, #tpu.memory_space<vmem>>
          %dma_start3A_519 = tpu.memref_squeeze %dma_start3A_518 : memref<1x2x8x8x128xf32, #tpu.memory_space<vmem>> -> memref<2x8x8x128xf32, #tpu.memory_space<vmem>>
          %dma_start3A_520 = arith.constant 0 : i32
          %dma_start3A_521 = arith.constant 0 : i32
          %dma_start3A_522 = arith.constant 0 : i32
          %dma_start3A_523 = tpu.memref_slice %arg3[%dma_start3A_520, %mul3A_502, %dma_start3A_521, %dma_start3A_522] : memref<2x8192x8x128xf32, #tpu.memory_space<hbm>> -> memref<2x8x8x128xf32, #tpu.memory_space<hbm>>
          tpu.enqueue_dma source(%dma_start3A_523 : memref<2x8x8x128xf32, #tpu.memory_space<hbm>>) target(%dma_start3A_519 : memref<2x8x8x128xf32, #tpu.memory_space<vmem>>) target_semaphore(%arg11 : memref<!tpu.dma_semaphore, #tpu.memory_space<semaphore_mem>>)
        } else {
        }
        %ge3A = arith.constant 2 : i32
        %ge3A_472 = arith.cmpi sge, %add3A_430, %ge3A : i32
        %convert_element_type3A_473 = arith.extui %ge3A_472 : i1 to i32
        %cond3A_474 = arith.constant 0 : i32
        %cond3A_475 = arith.cmpi ne, %convert_element_type3A_473, %cond3A_474 : i32
        scf.if %cond3A_475 {
          %sub3A_496 = arith.constant 2 : i32
          %sub3A_497 = arith.subi %add3A_430, %sub3A_496 : i32
          %mul3A_498 = arith.constant 16 : i32
          %mul3A_499 = arith.muli %mul3A_498, %sub3A_497 : i32
          %add3A_500 = arith.addi %arg1, %mul3A_499 : i32
          %mul3A_501 = arith.constant 1024 : i32
          %mul3A_502 = arith.muli %add3A_500, %mul3A_501 : i32
          %add3A_503 = arith.addi %mul3A_2, %mul3A_502 : i32
          %dma_wait3A_504 = arith.constant 1 : i32
          %dma_wait3A_505 = arith.constant 0 : i32
          %dma_wait3A_506 = arith.constant 0 : i32
          %dma_wait3A_507 = tpu.memref_slice %arg10[%dma_wait3A_504, %dma_wait3A_505, %dma_wait3A_506] : memref<2x1024x16xf32, #tpu.memory_space<vmem>> -> memref<1x1024x16xf32, #tpu.memory_space<vmem>>
          %dma_wait3A_508 = tpu.memref_squeeze %dma_wait3A_507 : memref<1x1024x16xf32, #tpu.memory_space<vmem>> -> memref<1024x16xf32, #tpu.memory_space<vmem>>
          %dma_wait3A_509 = arith.constant 0 : i32
          %dma_wait3A_510 = tpu.memref_slice %arg5[%add3A_503, %dma_wait3A_509] : memref<2097152x16xf32, #tpu.memory_space<hbm>> -> memref<1024x16xf32, #tpu.memory_space<hbm>>
          %dma_wait3A_511 = arith.constant 0 : i32
          %dma_wait3A_512 = tpu.memref_slice %arg5[%add3A_503, %dma_wait3A_511] : memref<2097152x16xf32, #tpu.memory_space<hbm>> -> memref<1024x16xf32, #tpu.memory_space<hbm>>
          %dma_wait3A_513 = arith.constant 0 : i32
          %dma_wait3A_514 = arith.constant 0 : i32
          %dma_wait3A_515 = tpu.memref_slice %arg10[%dma_wait3A_504, %dma_wait3A_513, %dma_wait3A_514] : memref<2x1024x16xf32, #tpu.memory_space<vmem>> -> memref<1x1024x16xf32, #tpu.memory_space<vmem>>
          %dma_wait3A_516 = tpu.memref_squeeze %dma_wait3A_515 : memref<1x1024x16xf32, #tpu.memory_space<vmem>> -> memref<1024x16xf32, #tpu.memory_space<vmem>>
          tpu.wait_dma2 semaphore(%arg16 : memref<!tpu.dma_semaphore, #tpu.memory_space<semaphore_mem>>) src(%dma_wait3A_516 : memref<1024x16xf32, #tpu.memory_space<vmem>>) dst(%dma_wait3A_512 : memref<1024x16xf32, #tpu.memory_space<hbm>>)
        } else {
        }
        %parallel_loop3A_476 = arith.constant 0 : i32
        %parallel_loop3A_477 = arith.constant 1024 : i32
        %parallel_loop3A_478 = arith.constant 1 : i32
        %parallel_loop3A_479 = scf.for %parallel_loop3A_496 = %parallel_loop3A_476 to %parallel_loop3A_477 step %parallel_loop3A_478 iter_args(%parallel_loop3A_497 = %iota3A) -> (vector<16xi32>)  : i32 {
          %parallel_loop3A_498 = arith.constant 128 : i32
          %parallel_loop3A_499 = arith.divsi %parallel_loop3A_496, %parallel_loop3A_498 : i32
          %parallel_loop3A_500 = arith.constant 0 : i32
          %parallel_loop3A_501 = arith.cmpi sgt, %parallel_loop3A_496, %parallel_loop3A_500 : i32
          %parallel_loop3A_502 = arith.extui %parallel_loop3A_501 : i1 to i32
          %parallel_loop3A_503 = arith.constant 0 : i32
          %parallel_loop3A_504 = arith.cmpi slt, %parallel_loop3A_496, %parallel_loop3A_503 : i32
          %parallel_loop3A_505 = arith.extui %parallel_loop3A_504 : i1 to i32
          %parallel_loop3A_506 = arith.subi %parallel_loop3A_502, %parallel_loop3A_505 : i32
          %parallel_loop3A_507 = arith.constant 0 : i32
          %parallel_loop3A_508 = arith.cmpi sgt, %parallel_loop3A_498, %parallel_loop3A_507 : i32
          %parallel_loop3A_509 = arith.extui %parallel_loop3A_508 : i1 to i32
          %parallel_loop3A_510 = arith.constant 0 : i32
          %parallel_loop3A_511 = arith.cmpi slt, %parallel_loop3A_498, %parallel_loop3A_510 : i32
          %parallel_loop3A_512 = arith.extui %parallel_loop3A_511 : i1 to i32
          %parallel_loop3A_513 = arith.subi %parallel_loop3A_509, %parallel_loop3A_512 : i32
          %parallel_loop3A_514 = arith.cmpi ne, %parallel_loop3A_506, %parallel_loop3A_513 : i32
          %parallel_loop3A_515 = arith.remsi %parallel_loop3A_496, %parallel_loop3A_498 : i32
          %parallel_loop3A_516 = arith.constant 0 : i32
          %parallel_loop3A_517 = arith.cmpi ne, %parallel_loop3A_515, %parallel_loop3A_516 : i32
          %parallel_loop3A_518 = arith.andi %parallel_loop3A_514, %parallel_loop3A_517 : i1
          %parallel_loop3A_519 = arith.constant 1 : i32
          %parallel_loop3A_520 = arith.subi %parallel_loop3A_499, %parallel_loop3A_519 : i32
          %parallel_loop3A_521 = arith.select %parallel_loop3A_518, %parallel_loop3A_520, %parallel_loop3A_499 : i32
          %parallel_loop3A_522 = arith.constant 128 : i32
          %parallel_loop3A_523 = arith.constant 0 : i32
          %parallel_loop3A_524 = arith.cmpi eq, %parallel_loop3A_522, %parallel_loop3A_523 : i32
          %parallel_loop3A_525 = arith.constant 1 : i32
          %parallel_loop3A_526 = arith.select %parallel_loop3A_524, %parallel_loop3A_525, %parallel_loop3A_522 : i32
          %parallel_loop3A_527 = arith.remsi %parallel_loop3A_496, %parallel_loop3A_526 : i32
          %parallel_loop3A_528 = arith.constant 0 : i32
          %parallel_loop3A_529 = arith.cmpi ne, %parallel_loop3A_527, %parallel_loop3A_528 : i32
          %parallel_loop3A_530 = arith.constant 0 : i32
          %parallel_loop3A_531 = arith.cmpi slt, %parallel_loop3A_527, %parallel_loop3A_530 : i32
          %parallel_loop3A_532 = arith.constant 0 : i32
          %parallel_loop3A_533 = arith.cmpi slt, %parallel_loop3A_526, %parallel_loop3A_532 : i32
          %parallel_loop3A_534 = arith.xori %parallel_loop3A_531, %parallel_loop3A_533 : i1
          %parallel_loop3A_535 = arith.andi %parallel_loop3A_534, %parallel_loop3A_529 : i1
          %parallel_loop3A_536 = arith.addi %parallel_loop3A_527, %parallel_loop3A_526 : i32
          %parallel_loop3A_537 = arith.select %parallel_loop3A_535, %parallel_loop3A_536, %parallel_loop3A_527 : i32
          %parallel_loop3A_538 = arith.constant 8 : i32
          %parallel_loop3A_539 = vector.broadcast %parallel_loop3A_538 : i32 to vector<16xi32>
          %parallel_loop3A_540 = arith.divsi %parallel_loop3A_497, %parallel_loop3A_539 : vector<16xi32>
          %parallel_loop3A_541 = arith.constant 0 : i32
          %parallel_loop3A_542 = vector.broadcast %parallel_loop3A_541 : i32 to vector<16xi32>
          %parallel_loop3A_543 = arith.cmpi sgt, %parallel_loop3A_497, %parallel_loop3A_542 : vector<16xi32>
          %parallel_loop3A_544 = arith.extui %parallel_loop3A_543 : vector<16xi1> to vector<16xi32>
          %parallel_loop3A_545 = arith.constant 0 : i32
          %parallel_loop3A_546 = vector.broadcast %parallel_loop3A_545 : i32 to vector<16xi32>
          %parallel_loop3A_547 = arith.cmpi slt, %parallel_loop3A_497, %parallel_loop3A_546 : vector<16xi32>
          %parallel_loop3A_548 = arith.extui %parallel_loop3A_547 : vector<16xi1> to vector<16xi32>
          %parallel_loop3A_549 = arith.subi %parallel_loop3A_544, %parallel_loop3A_548 : vector<16xi32>
          %parallel_loop3A_550 = arith.constant 0 : i32
          %parallel_loop3A_551 = arith.cmpi sgt, %parallel_loop3A_538, %parallel_loop3A_550 : i32
          %parallel_loop3A_552 = arith.extui %parallel_loop3A_551 : i1 to i32
          %parallel_loop3A_553 = arith.constant 0 : i32
          %parallel_loop3A_554 = arith.cmpi slt, %parallel_loop3A_538, %parallel_loop3A_553 : i32
          %parallel_loop3A_555 = arith.extui %parallel_loop3A_554 : i1 to i32
          %parallel_loop3A_556 = arith.subi %parallel_loop3A_552, %parallel_loop3A_555 : i32
          %parallel_loop3A_557 = vector.broadcast %parallel_loop3A_556 : i32 to vector<16xi32>
          %parallel_loop3A_558 = arith.cmpi ne, %parallel_loop3A_549, %parallel_loop3A_557 : vector<16xi32>
          %parallel_loop3A_559 = vector.broadcast %parallel_loop3A_538 : i32 to vector<16xi32>
          %parallel_loop3A_560 = arith.remsi %parallel_loop3A_497, %parallel_loop3A_559 : vector<16xi32>
          %parallel_loop3A_561 = arith.constant 0 : i32
          %parallel_loop3A_562 = vector.broadcast %parallel_loop3A_561 : i32 to vector<16xi32>
          %parallel_loop3A_563 = arith.cmpi ne, %parallel_loop3A_560, %parallel_loop3A_562 : vector<16xi32>
          %parallel_loop3A_564 = arith.andi %parallel_loop3A_558, %parallel_loop3A_563 : vector<16xi1>
          %parallel_loop3A_565 = arith.constant 1 : i32
          %parallel_loop3A_566 = vector.broadcast %parallel_loop3A_565 : i32 to vector<16xi32>
          %parallel_loop3A_567 = arith.subi %parallel_loop3A_540, %parallel_loop3A_566 : vector<16xi32>
          %parallel_loop3A_568 = arith.select %parallel_loop3A_564, %parallel_loop3A_567, %parallel_loop3A_540 : vector<16xi1>, vector<16xi32>
          %parallel_loop3A_569 = arith.constant 8 : i32
          %parallel_loop3A_570 = arith.constant 0 : i32
          %parallel_loop3A_571 = arith.cmpi eq, %parallel_loop3A_569, %parallel_loop3A_570 : i32
          %parallel_loop3A_572 = arith.constant 1 : i32
          %parallel_loop3A_573 = arith.select %parallel_loop3A_571, %parallel_loop3A_572, %parallel_loop3A_569 : i32
          %parallel_loop3A_574 = vector.broadcast %parallel_loop3A_573 : i32 to vector<16xi32>
          %parallel_loop3A_575 = arith.remsi %parallel_loop3A_497, %parallel_loop3A_574 : vector<16xi32>
          %parallel_loop3A_576 = arith.constant 0 : i32
          %parallel_loop3A_577 = vector.broadcast %parallel_loop3A_576 : i32 to vector<16xi32>
          %parallel_loop3A_578 = arith.cmpi ne, %parallel_loop3A_575, %parallel_loop3A_577 : vector<16xi32>
          %parallel_loop3A_579 = arith.constant 0 : i32
          %parallel_loop3A_580 = vector.broadcast %parallel_loop3A_579 : i32 to vector<16xi32>
          %parallel_loop3A_581 = arith.cmpi slt, %parallel_loop3A_575, %parallel_loop3A_580 : vector<16xi32>
          %parallel_loop3A_582 = arith.constant 0 : i32
          %parallel_loop3A_583 = arith.cmpi slt, %parallel_loop3A_573, %parallel_loop3A_582 : i32
          %parallel_loop3A_584 = vector.broadcast %parallel_loop3A_583 : i1 to vector<16xi1>
          %parallel_loop3A_585 = vector.broadcast %parallel_loop3A_584 : vector<16xi1> to vector<16xi1>
          %parallel_loop3A_586 = arith.xori %parallel_loop3A_581, %parallel_loop3A_585 : vector<16xi1>
          %parallel_loop3A_587 = arith.andi %parallel_loop3A_586, %parallel_loop3A_578 : vector<16xi1>
          %parallel_loop3A_588 = vector.broadcast %parallel_loop3A_573 : i32 to vector<16xi32>
          %parallel_loop3A_589 = arith.addi %parallel_loop3A_575, %parallel_loop3A_588 : vector<16xi32>
          %parallel_loop3A_590 = arith.select %parallel_loop3A_587, %parallel_loop3A_589, %parallel_loop3A_575 : vector<16xi1>, vector<16xi32>
          %parallel_loop3A_591 = arith.constant 0 : i32
          %parallel_loop3A_592 = vector.broadcast %parallel_loop3A_591 : i32 to vector<16xi32>
          %parallel_loop3A_593 = arith.muli %parallel_loop3A_497, %parallel_loop3A_592 : vector<16xi32>
          %parallel_loop3A_594 = vector.broadcast %parallel_loop3A_521 : i32 to vector<16xi32>
          %parallel_loop3A_595 = arith.addi %parallel_loop3A_593, %parallel_loop3A_594 : vector<16xi32>
          %parallel_loop3A_596 = arith.constant 0 : i32
          %parallel_loop3A_597 = vector.broadcast %parallel_loop3A_596 : i32 to vector<16xi32>
          %parallel_loop3A_598 = arith.muli %parallel_loop3A_497, %parallel_loop3A_597 : vector<16xi32>
          %parallel_loop3A_599 = vector.broadcast %parallel_loop3A_537 : i32 to vector<16xi32>
          %parallel_loop3A_600 = arith.addi %parallel_loop3A_598, %parallel_loop3A_599 : vector<16xi32>
          %parallel_loop3A_601 = arith.constant 1 : i32
          %parallel_loop3A_602 = arith.constant 0 : i32
          %parallel_loop3A_603 = arith.constant 0 : i32
          %parallel_loop3A_604 = arith.constant 0 : i32
          %parallel_loop3A_605 = arith.constant 0 : i32
          %parallel_loop3A_606 = tpu.memref_slice %arg9[%parallel_loop3A_601, %parallel_loop3A_602, %parallel_loop3A_603, %parallel_loop3A_604, %parallel_loop3A_605] : memref<2x2x8x8x137xf32, #tpu.memory_space<vmem>> -> memref<1x2x8x8x137xf32, #tpu.memory_space<vmem>>
          %parallel_loop3A_607 = tpu.memref_squeeze %parallel_loop3A_606 : memref<1x2x8x8x137xf32, #tpu.memory_space<vmem>> -> memref<2x8x8x137xf32, #tpu.memory_space<vmem>>
          %parallel_loop3A_608 = tpu.vector_load_idx %parallel_loop3A_607[%parallel_loop3A_568, %parallel_loop3A_595, %parallel_loop3A_590, %parallel_loop3A_600] : memref<2x8x8x137xf32, #tpu.memory_space<vmem>>[vector<16xi32>, vector<16xi32>, vector<16xi32>, vector<16xi32>], vector<16xf32>,
          %parallel_loop3A_609 = arith.constant 1 : i32
          %parallel_loop3A_610 = arith.index_cast %parallel_loop3A_609 : i32 to index
          %parallel_loop3A_611 = arith.index_cast %parallel_loop3A_496 : i32 to index
          %parallel_loop3A_612 = arith.constant 0 : index
          %parallel_loop3A_613 = tpu.vector_load %arg10[%parallel_loop3A_610, %parallel_loop3A_611, %parallel_loop3A_612] {strides = array<i32>} : memref<2x1024x16xf32, #tpu.memory_space<vmem>>, vector<16xf32>,
          tpu.vector_store %arg10[%parallel_loop3A_610, %parallel_loop3A_611, %parallel_loop3A_612], %parallel_loop3A_608 {strides = array<i32>} : memref<2x1024x16xf32, #tpu.memory_space<vmem>>, vector<16xf32>,
          scf.yield %parallel_loop3A_497 : vector<16xi32>
        } {sc.loop_unroll_factor = 8 : i64, sc.parallel_access}
        %mul3A_480 = arith.constant 1024 : i32
        %mul3A_481 = arith.muli %add3A_433, %mul3A_480 : i32
        %add3A_482 = arith.addi %mul3A_2, %mul3A_481 : i32
        %dma_start3A_483 = arith.constant 1 : i32
        %dma_start3A_484 = arith.constant 0 : i32
        %dma_start3A_485 = arith.constant 0 : i32
        %dma_start3A_486 = tpu.memref_slice %arg10[%dma_start3A_483, %dma_start3A_484, %dma_start3A_485] : memref<2x1024x16xf32, #tpu.memory_space<vmem>> -> memref<1x1024x16xf32, #tpu.memory_space<vmem>>
        %dma_start3A_487 = tpu.memref_squeeze %dma_start3A_486 : memref<1x1024x16xf32, #tpu.memory_space<vmem>> -> memref<1024x16xf32, #tpu.memory_space<vmem>>
        %dma_start3A_488 = arith.constant 0 : i32
        %dma_start3A_489 = tpu.memref_slice %arg5[%add3A_482, %dma_start3A_488] : memref<2097152x16xf32, #tpu.memory_space<hbm>> -> memref<1024x16xf32, #tpu.memory_space<hbm>>
        %dma_start3A_490 = arith.constant 0 : i32
        %dma_start3A_491 = tpu.memref_slice %arg5[%add3A_482, %dma_start3A_490] : memref<2097152x16xf32, #tpu.memory_space<hbm>> -> memref<1024x16xf32, #tpu.memory_space<hbm>>
        %dma_start3A_492 = arith.constant 0 : i32
        %dma_start3A_493 = arith.constant 0 : i32
        %dma_start3A_494 = tpu.memref_slice %arg10[%dma_start3A_483, %dma_start3A_492, %dma_start3A_493] : memref<2x1024x16xf32, #tpu.memory_space<vmem>> -> memref<1x1024x16xf32, #tpu.memory_space<vmem>>
        %dma_start3A_495 = tpu.memref_squeeze %dma_start3A_494 : memref<1x1024x16xf32, #tpu.memory_space<vmem>> -> memref<1024x16xf32, #tpu.memory_space<vmem>>
        tpu.enqueue_dma source(%dma_start3A_495 : memref<1024x16xf32, #tpu.memory_space<vmem>>) target(%dma_start3A_491 : memref<1024x16xf32, #tpu.memory_space<hbm>>) target_semaphore(%arg16 : memref<!tpu.dma_semaphore, #tpu.memory_space<semaphore_mem>>)
      } else {
      }
    }
    %scan3A_31 = arith.constant 31 : i32
    %add3A_32 = arith.constant 960 : i32
    %add3A_33 = arith.addi %arg1, %add3A_32 : i32
    %lt3A = arith.constant 977 : i32
    %lt3A_34 = arith.cmpi slt, %add3A_33, %lt3A : i32
    %convert_element_type3A = arith.extui %lt3A_34 : i1 to i32
    %cond3A = arith.constant 0 : i32
    %cond3A_35 = arith.cmpi ne, %convert_element_type3A, %cond3A : i32
    scf.if %cond3A_35 {
      %add3A_414 = arith.constant 960 : i32
      %add3A_415 = arith.addi %arg1, %add3A_414 : i32
      %mul3A_416 = arith.constant 1024 : i32
      %mul3A_417 = arith.muli %add3A_415, %mul3A_416 : i32
      %add3A_418 = arith.addi %mul3A_2, %mul3A_417 : i32
      %dma_wait3A_419 = arith.constant 0 : i32
      %dma_wait3A_420 = arith.constant 0 : i32
      %dma_wait3A_421 = arith.constant 0 : i32
      %dma_wait3A_422 = tpu.memref_slice %arg10[%dma_wait3A_419, %dma_wait3A_420, %dma_wait3A_421] : memref<2x1024x16xf32, #tpu.memory_space<vmem>> -> memref<1x1024x16xf32, #tpu.memory_space<vmem>>
      %dma_wait3A_423 = tpu.memref_squeeze %dma_wait3A_422 : memref<1x1024x16xf32, #tpu.memory_space<vmem>> -> memref<1024x16xf32, #tpu.memory_space<vmem>>
      %dma_wait3A_424 = arith.constant 0 : i32
      %dma_wait3A_425 = tpu.memref_slice %arg5[%add3A_418, %dma_wait3A_424] : memref<2097152x16xf32, #tpu.memory_space<hbm>> -> memref<1024x16xf32, #tpu.memory_space<hbm>>
      %dma_wait3A_426 = arith.constant 0 : i32
      %dma_wait3A_427 = tpu.memref_slice %arg5[%add3A_418, %dma_wait3A_426] : memref<2097152x16xf32, #tpu.memory_space<hbm>> -> memref<1024x16xf32, #tpu.memory_space<hbm>>
      %dma_wait3A_428 = arith.constant 0 : i32
      %dma_wait3A_429 = arith.constant 0 : i32
      %dma_wait3A_430 = tpu.memref_slice %arg10[%dma_wait3A_419, %dma_wait3A_428, %dma_wait3A_429] : memref<2x1024x16xf32, #tpu.memory_space<vmem>> -> memref<1x1024x16xf32, #tpu.memory_space<vmem>>
      %dma_wait3A_431 = tpu.memref_squeeze %dma_wait3A_430 : memref<1x1024x16xf32, #tpu.memory_space<vmem>> -> memref<1024x16xf32, #tpu.memory_space<vmem>>
      tpu.wait_dma2 semaphore(%arg15 : memref<!tpu.dma_semaphore, #tpu.memory_space<semaphore_mem>>) src(%dma_wait3A_431 : memref<1024x16xf32, #tpu.memory_space<vmem>>) dst(%dma_wait3A_427 : memref<1024x16xf32, #tpu.memory_space<hbm>>)
    } else {
    }
    %add3A_36 = arith.constant 976 : i32
    %add3A_37 = arith.addi %arg1, %add3A_36 : i32
    %lt3A_38 = arith.constant 977 : i32
    %lt3A_39 = arith.cmpi slt, %add3A_37, %lt3A_38 : i32
    %convert_element_type3A_40 = arith.extui %lt3A_39 : i1 to i32
    %cond3A_41 = arith.constant 0 : i32
    %cond3A_42 = arith.cmpi ne, %convert_element_type3A_40, %cond3A_41 : i32
    scf.if %cond3A_42 {
      %add3A_414 = arith.constant 976 : i32
      %add3A_415 = arith.addi %arg1, %add3A_414 : i32
      %mul3A_416 = arith.constant 1024 : i32
      %mul3A_417 = arith.muli %add3A_415, %mul3A_416 : i32
      %add3A_418 = arith.addi %mul3A_2, %mul3A_417 : i32
      %dma_wait3A_419 = arith.constant 1 : i32
      %dma_wait3A_420 = arith.constant 0 : i32
      %dma_wait3A_421 = arith.constant 0 : i32
      %dma_wait3A_422 = tpu.memref_slice %arg10[%dma_wait3A_419, %dma_wait3A_420, %dma_wait3A_421] : memref<2x1024x16xf32, #tpu.memory_space<vmem>> -> memref<1x1024x16xf32, #tpu.memory_space<vmem>>
      %dma_wait3A_423 = tpu.memref_squeeze %dma_wait3A_422 : memref<1x1024x16xf32, #tpu.memory_space<vmem>> -> memref<1024x16xf32, #tpu.memory_space<vmem>>
      %dma_wait3A_424 = arith.constant 0 : i32
      %dma_wait3A_425 = tpu.memref_slice %arg5[%add3A_418, %dma_wait3A_424] : memref<2097152x16xf32, #tpu.memory_space<hbm>> -> memref<1024x16xf32, #tpu.memory_space<hbm>>
      %dma_wait3A_426 = arith.constant 0 : i32
      %dma_wait3A_427 = tpu.memref_slice %arg5[%add3A_418, %dma_wait3A_426] : memref<2097152x16xf32, #tpu.memory_space<hbm>> -> memref<1024x16xf32, #tpu.memory_space<hbm>>
      %dma_wait3A_428 = arith.constant 0 : i32
      %dma_wait3A_429 = arith.constant 0 : i32
      %dma_wait3A_430 = tpu.memref_slice %arg10[%dma_wait3A_419, %dma_wait3A_428, %dma_wait3A_429] : memref<2x1024x16xf32, #tpu.memory_space<vmem>> -> memref<1x1024x16xf32, #tpu.memory_space<vmem>>
      %dma_wait3A_431 = tpu.memref_squeeze %dma_wait3A_430 : memref<1x1024x16xf32, #tpu.memory_space<vmem>> -> memref<1024x16xf32, #tpu.memory_space<vmem>>
      tpu.wait_dma2 semaphore(%arg16 : memref<!tpu.dma_semaphore, #tpu.memory_space<semaphore_mem>>) src(%dma_wait3A_431 : memref<1024x16xf32, #tpu.memory_space<vmem>>) dst(%dma_wait3A_427 : memref<1024x16xf32, #tpu.memory_space<hbm>>)
    } else {
    }
    %barrier3A = arith.constant 0 : index
    tpu.barrier barrier_id(%barrier3A)
    %jit3A = arith.constant 8 : i32
    %div3A = vector.broadcast %jit3A : i32 to vector<16xi32>
    %div3A_43 = arith.divsi %iota3A, %div3A : vector<16xi32>
    %sign3A = arith.constant 0 : i32
    %sign3A_44 = vector.broadcast %sign3A : i32 to vector<16xi32>
    %sign3A_45 = arith.cmpi sgt, %iota3A, %sign3A_44 : vector<16xi32>
    %sign3A_46 = arith.extui %sign3A_45 : vector<16xi1> to vector<16xi32>
    %sign3A_47 = arith.constant 0 : i32
    %sign3A_48 = vector.broadcast %sign3A_47 : i32 to vector<16xi32>
    %sign3A_49 = arith.cmpi slt, %iota3A, %sign3A_48 : vector<16xi32>
    %sign3A_50 = arith.extui %sign3A_49 : vector<16xi1> to vector<16xi32>
    %sign3A_51 = arith.subi %sign3A_46, %sign3A_50 : vector<16xi32>
    %sign3A_52 = arith.constant 0 : i32
    %sign3A_53 = arith.cmpi sgt, %jit3A, %sign3A_52 : i32
    %sign3A_54 = arith.extui %sign3A_53 : i1 to i32
    %sign3A_55 = arith.constant 0 : i32
    %sign3A_56 = arith.cmpi slt, %jit3A, %sign3A_55 : i32
    %sign3A_57 = arith.extui %sign3A_56 : i1 to i32
    %sign3A_58 = arith.subi %sign3A_54, %sign3A_57 : i32
    %ne3A = vector.broadcast %sign3A_58 : i32 to vector<16xi32>
    %ne3A_59 = arith.cmpi ne, %sign3A_51, %ne3A : vector<16xi32>
    %rem3A = vector.broadcast %jit3A : i32 to vector<16xi32>
    %rem3A_60 = arith.remsi %iota3A, %rem3A : vector<16xi32>
    %ne3A_61 = arith.constant 0 : i32
    %ne3A_62 = vector.broadcast %ne3A_61 : i32 to vector<16xi32>
    %ne3A_63 = arith.cmpi ne, %rem3A_60, %ne3A_62 : vector<16xi32>
    %and3A = arith.andi %ne3A_59, %ne3A_63 : vector<16xi1>
    %sub3A = arith.constant 1 : i32
    %sub3A_64 = vector.broadcast %sub3A : i32 to vector<16xi32>
    %sub3A_65 = arith.subi %div3A_43, %sub3A_64 : vector<16xi32>
    %select_n3A = arith.select %and3A, %sub3A_65, %div3A_43 : vector<16xi1>, vector<16xi32>
    %mul3A_66 = arith.constant 32 : i32
    %mul3A_67 = vector.broadcast %mul3A_66 : i32 to vector<16xi32>
    %mul3A_68 = arith.muli %select_n3A, %mul3A_67 : vector<16xi32>
    %jit3A_69 = arith.constant 8 : i32
    %eq3A = arith.constant 0 : i32
    %eq3A_70 = arith.cmpi eq, %jit3A_69, %eq3A : i32
    %jit3A_71 = arith.constant 1 : i32
    %select_n3A_72 = arith.select %eq3A_70, %jit3A_71, %jit3A_69 : i32
    %rem3A_73 = vector.broadcast %select_n3A_72 : i32 to vector<16xi32>
    %rem3A_74 = arith.remsi %iota3A, %rem3A_73 : vector<16xi32>
    %ne3A_75 = arith.constant 0 : i32
    %ne3A_76 = vector.broadcast %ne3A_75 : i32 to vector<16xi32>
    %ne3A_77 = arith.cmpi ne, %rem3A_74, %ne3A_76 : vector<16xi32>
    %lt3A_78 = arith.constant 0 : i32
    %lt3A_79 = vector.broadcast %lt3A_78 : i32 to vector<16xi32>
    %lt3A_80 = arith.cmpi slt, %rem3A_74, %lt3A_79 : vector<16xi32>
    %lt3A_81 = arith.constant 0 : i32
    %lt3A_82 = arith.cmpi slt, %select_n3A_72, %lt3A_81 : i32
    %ne3A_83 = vector.broadcast %lt3A_82 : i1 to vector<16xi1>
    %ne3A_84 = vector.broadcast %ne3A_83 : vector<16xi1> to vector<16xi1>
    %ne3A_85 = arith.xori %lt3A_80, %ne3A_84 : vector<16xi1>
    %and3A_86 = arith.andi %ne3A_85, %ne3A_77 : vector<16xi1>
    %add3A_87 = vector.broadcast %select_n3A_72 : i32 to vector<16xi32>
    %add3A_88 = arith.addi %rem3A_74, %add3A_87 : vector<16xi32>
    %select_n3A_89 = arith.select %and3A_86, %add3A_88, %rem3A_74 : vector<16xi1>, vector<16xi32>
    %add3A_90 = arith.addi %mul3A_68, %select_n3A_89 : vector<16xi32>
    %mul3A_91 = arith.constant 4 : i32
    %mul3A_92 = arith.muli %mul3A_91, %add3A : i32
    %add3A_93 = arith.constant 0 : i32
    %add3A_94 = arith.addi %mul3A_92, %add3A_93 : i32
    %mul3A_95 = arith.constant 4 : i32
    %mul3A_96 = arith.muli %mul3A_95, %add3A : i32
    %add3A_97 = arith.constant 1 : i32
    %add3A_98 = arith.addi %mul3A_96, %add3A_97 : i32
    %mul3A_99 = arith.constant 4 : i32
    %mul3A_100 = arith.muli %mul3A_99, %add3A : i32
    %add3A_101 = arith.constant 2 : i32
    %add3A_102 = arith.addi %mul3A_100, %add3A_101 : i32
    %mul3A_103 = arith.constant 4 : i32
    %mul3A_104 = arith.muli %mul3A_103, %add3A : i32
    %add3A_105 = arith.constant 3 : i32
    %add3A_106 = arith.addi %mul3A_104, %add3A_105 : i32
    %dma_start3A_107 = arith.constant 0 : i32
    %dma_start3A_108 = arith.constant 0 : i32
    %dma_start3A_109 = arith.constant 0 : i32
    %dma_start3A_110 = arith.constant 0 : i32
    %dma_start3A_111 = tpu.memref_slice %arg6[%dma_start3A_109, %dma_start3A_110] : memref<2x512xi32, #tpu.memory_space<vmem>> -> memref<1x128xi32, #tpu.memory_space<vmem>>
    %dma_start3A_112 = tpu.memref_squeeze %dma_start3A_111 : memref<1x128xi32, #tpu.memory_space<vmem>> -> memref<128xi32, #tpu.memory_space<vmem>>
    %dma_start3A_113 = arith.constant 0 : i32
    %dma_start3A_114 = tpu.memref_slice %arg2[%dma_start3A_107, %add3A_94, %dma_start3A_108, %dma_start3A_113] : memref<25x128x8x128xi32, #tpu.memory_space<hbm>> -> memref<1x1x1x128xi32, #tpu.memory_space<hbm>>
    %dma_start3A_115 = tpu.memref_squeeze %dma_start3A_114 : memref<1x1x1x128xi32, #tpu.memory_space<hbm>> -> memref<128xi32, #tpu.memory_space<hbm>>
    %dma_start3A_116 = arith.constant 0 : i32
    %dma_start3A_117 = tpu.memref_slice %arg6[%dma_start3A_109, %dma_start3A_116] : memref<2x512xi32, #tpu.memory_space<vmem>> -> memref<1x128xi32, #tpu.memory_space<vmem>>
    %dma_start3A_118 = tpu.memref_squeeze %dma_start3A_117 : memref<1x128xi32, #tpu.memory_space<vmem>> -> memref<128xi32, #tpu.memory_space<vmem>>
    %dma_start3A_119 = arith.constant 0 : i32
    %dma_start3A_120 = tpu.memref_slice %arg2[%dma_start3A_107, %add3A_94, %dma_start3A_108, %dma_start3A_119] : memref<25x128x8x128xi32, #tpu.memory_space<hbm>> -> memref<1x1x1x128xi32, #tpu.memory_space<hbm>>
    %dma_start3A_121 = tpu.memref_squeeze %dma_start3A_120 : memref<1x1x1x128xi32, #tpu.memory_space<hbm>> -> memref<128xi32, #tpu.memory_space<hbm>>
    tpu.enqueue_dma source(%dma_start3A_121 : memref<128xi32, #tpu.memory_space<hbm>>) target(%dma_start3A_118 : memref<128xi32, #tpu.memory_space<vmem>>) target_semaphore(%arg11 : memref<!tpu.dma_semaphore, #tpu.memory_space<semaphore_mem>>)
    %dma_start3A_122 = arith.constant 0 : i32
    %dma_start3A_123 = arith.constant 0 : i32
    %dma_start3A_124 = arith.constant 0 : i32
    %dma_start3A_125 = arith.constant 128 : i32
    %dma_start3A_126 = tpu.memref_slice %arg6[%dma_start3A_124, %dma_start3A_125] : memref<2x512xi32, #tpu.memory_space<vmem>> -> memref<1x128xi32, #tpu.memory_space<vmem>>
    %dma_start3A_127 = tpu.memref_squeeze %dma_start3A_126 : memref<1x128xi32, #tpu.memory_space<vmem>> -> memref<128xi32, #tpu.memory_space<vmem>>
    %dma_start3A_128 = arith.constant 0 : i32
    %dma_start3A_129 = tpu.memref_slice %arg2[%dma_start3A_122, %add3A_98, %dma_start3A_123, %dma_start3A_128] : memref<25x128x8x128xi32, #tpu.memory_space<hbm>> -> memref<1x1x1x128xi32, #tpu.memory_space<hbm>>
    %dma_start3A_130 = tpu.memref_squeeze %dma_start3A_129 : memref<1x1x1x128xi32, #tpu.memory_space<hbm>> -> memref<128xi32, #tpu.memory_space<hbm>>
    %dma_start3A_131 = arith.constant 128 : i32
    %dma_start3A_132 = tpu.memref_slice %arg6[%dma_start3A_124, %dma_start3A_131] : memref<2x512xi32, #tpu.memory_space<vmem>> -> memref<1x128xi32, #tpu.memory_space<vmem>>
    %dma_start3A_133 = tpu.memref_squeeze %dma_start3A_132 : memref<1x128xi32, #tpu.memory_space<vmem>> -> memref<128xi32, #tpu.memory_space<vmem>>
    %dma_start3A_134 = arith.constant 0 : i32
    %dma_start3A_135 = tpu.memref_slice %arg2[%dma_start3A_122, %add3A_98, %dma_start3A_123, %dma_start3A_134] : memref<25x128x8x128xi32, #tpu.memory_space<hbm>> -> memref<1x1x1x128xi32, #tpu.memory_space<hbm>>
    %dma_start3A_136 = tpu.memref_squeeze %dma_start3A_135 : memref<1x1x1x128xi32, #tpu.memory_space<hbm>> -> memref<128xi32, #tpu.memory_space<hbm>>
    tpu.enqueue_dma source(%dma_start3A_136 : memref<128xi32, #tpu.memory_space<hbm>>) target(%dma_start3A_133 : memref<128xi32, #tpu.memory_space<vmem>>) target_semaphore(%arg11 : memref<!tpu.dma_semaphore, #tpu.memory_space<semaphore_mem>>)
    %dma_start3A_137 = arith.constant 0 : i32
    %dma_start3A_138 = arith.constant 0 : i32
    %dma_start3A_139 = arith.constant 0 : i32
    %dma_start3A_140 = arith.constant 256 : i32
    %dma_start3A_141 = tpu.memref_slice %arg6[%dma_start3A_139, %dma_start3A_140] : memref<2x512xi32, #tpu.memory_space<vmem>> -> memref<1x128xi32, #tpu.memory_space<vmem>>
    %dma_start3A_142 = tpu.memref_squeeze %dma_start3A_141 : memref<1x128xi32, #tpu.memory_space<vmem>> -> memref<128xi32, #tpu.memory_space<vmem>>
    %dma_start3A_143 = arith.constant 0 : i32
    %dma_start3A_144 = tpu.memref_slice %arg2[%dma_start3A_137, %add3A_102, %dma_start3A_138, %dma_start3A_143] : memref<25x128x8x128xi32, #tpu.memory_space<hbm>> -> memref<1x1x1x128xi32, #tpu.memory_space<hbm>>
    %dma_start3A_145 = tpu.memref_squeeze %dma_start3A_144 : memref<1x1x1x128xi32, #tpu.memory_space<hbm>> -> memref<128xi32, #tpu.memory_space<hbm>>
    %dma_start3A_146 = arith.constant 256 : i32
    %dma_start3A_147 = tpu.memref_slice %arg6[%dma_start3A_139, %dma_start3A_146] : memref<2x512xi32, #tpu.memory_space<vmem>> -> memref<1x128xi32, #tpu.memory_space<vmem>>
    %dma_start3A_148 = tpu.memref_squeeze %dma_start3A_147 : memref<1x128xi32, #tpu.memory_space<vmem>> -> memref<128xi32, #tpu.memory_space<vmem>>
    %dma_start3A_149 = arith.constant 0 : i32
    %dma_start3A_150 = tpu.memref_slice %arg2[%dma_start3A_137, %add3A_102, %dma_start3A_138, %dma_start3A_149] : memref<25x128x8x128xi32, #tpu.memory_space<hbm>> -> memref<1x1x1x128xi32, #tpu.memory_space<hbm>>
    %dma_start3A_151 = tpu.memref_squeeze %dma_start3A_150 : memref<1x1x1x128xi32, #tpu.memory_space<hbm>> -> memref<128xi32, #tpu.memory_space<hbm>>
    tpu.enqueue_dma source(%dma_start3A_151 : memref<128xi32, #tpu.memory_space<hbm>>) target(%dma_start3A_148 : memref<128xi32, #tpu.memory_space<vmem>>) target_semaphore(%arg11 : memref<!tpu.dma_semaphore, #tpu.memory_space<semaphore_mem>>)
    %dma_start3A_152 = arith.constant 0 : i32
    %dma_start3A_153 = arith.constant 0 : i32
    %dma_start3A_154 = arith.constant 0 : i32
    %dma_start3A_155 = arith.constant 384 : i32
    %dma_start3A_156 = tpu.memref_slice %arg6[%dma_start3A_154, %dma_start3A_155] : memref<2x512xi32, #tpu.memory_space<vmem>> -> memref<1x128xi32, #tpu.memory_space<vmem>>
    %dma_start3A_157 = tpu.memref_squeeze %dma_start3A_156 : memref<1x128xi32, #tpu.memory_space<vmem>> -> memref<128xi32, #tpu.memory_space<vmem>>
    %dma_start3A_158 = arith.constant 0 : i32
    %dma_start3A_159 = tpu.memref_slice %arg2[%dma_start3A_152, %add3A_106, %dma_start3A_153, %dma_start3A_158] : memref<25x128x8x128xi32, #tpu.memory_space<hbm>> -> memref<1x1x1x128xi32, #tpu.memory_space<hbm>>
    %dma_start3A_160 = tpu.memref_squeeze %dma_start3A_159 : memref<1x1x1x128xi32, #tpu.memory_space<hbm>> -> memref<128xi32, #tpu.memory_space<hbm>>
    %dma_start3A_161 = arith.constant 384 : i32
    %dma_start3A_162 = tpu.memref_slice %arg6[%dma_start3A_154, %dma_start3A_161] : memref<2x512xi32, #tpu.memory_space<vmem>> -> memref<1x128xi32, #tpu.memory_space<vmem>>
    %dma_start3A_163 = tpu.memref_squeeze %dma_start3A_162 : memref<1x128xi32, #tpu.memory_space<vmem>> -> memref<128xi32, #tpu.memory_space<vmem>>
    %dma_start3A_164 = arith.constant 0 : i32
    %dma_start3A_165 = tpu.memref_slice %arg2[%dma_start3A_152, %add3A_106, %dma_start3A_153, %dma_start3A_164] : memref<25x128x8x128xi32, #tpu.memory_space<hbm>> -> memref<1x1x1x128xi32, #tpu.memory_space<hbm>>
    %dma_start3A_166 = tpu.memref_squeeze %dma_start3A_165 : memref<1x1x1x128xi32, #tpu.memory_space<hbm>> -> memref<128xi32, #tpu.memory_space<hbm>>
    tpu.enqueue_dma source(%dma_start3A_166 : memref<128xi32, #tpu.memory_space<hbm>>) target(%dma_start3A_163 : memref<128xi32, #tpu.memory_space<vmem>>) target_semaphore(%arg11 : memref<!tpu.dma_semaphore, #tpu.memory_space<semaphore_mem>>)
    %mul3A_167 = arith.constant 4 : i32
    %mul3A_168 = arith.muli %mul3A_167, %add3A : i32
    %add3A_169 = arith.constant 0 : i32
    %add3A_170 = arith.addi %mul3A_168, %add3A_169 : i32
    %mul3A_171 = arith.constant 4 : i32
    %mul3A_172 = arith.muli %mul3A_171, %add3A : i32
    %add3A_173 = arith.constant 1 : i32
    %add3A_174 = arith.addi %mul3A_172, %add3A_173 : i32
    %mul3A_175 = arith.constant 4 : i32
    %mul3A_176 = arith.muli %mul3A_175, %add3A : i32
    %add3A_177 = arith.constant 2 : i32
    %add3A_178 = arith.addi %mul3A_176, %add3A_177 : i32
    %mul3A_179 = arith.constant 4 : i32
    %mul3A_180 = arith.muli %mul3A_179, %add3A : i32
    %add3A_181 = arith.constant 3 : i32
    %add3A_182 = arith.addi %mul3A_180, %add3A_181 : i32
    %dma_start3A_183 = arith.constant 0 : i32
    %dma_start3A_184 = arith.constant 1 : i32
    %dma_start3A_185 = arith.constant 1 : i32
    %dma_start3A_186 = arith.constant 0 : i32
    %dma_start3A_187 = tpu.memref_slice %arg6[%dma_start3A_185, %dma_start3A_186] : memref<2x512xi32, #tpu.memory_space<vmem>> -> memref<1x128xi32, #tpu.memory_space<vmem>>
    %dma_start3A_188 = tpu.memref_squeeze %dma_start3A_187 : memref<1x128xi32, #tpu.memory_space<vmem>> -> memref<128xi32, #tpu.memory_space<vmem>>
    %dma_start3A_189 = arith.constant 0 : i32
    %dma_start3A_190 = tpu.memref_slice %arg2[%dma_start3A_183, %add3A_170, %dma_start3A_184, %dma_start3A_189] : memref<25x128x8x128xi32, #tpu.memory_space<hbm>> -> memref<1x1x1x128xi32, #tpu.memory_space<hbm>>
    %dma_start3A_191 = tpu.memref_squeeze %dma_start3A_190 : memref<1x1x1x128xi32, #tpu.memory_space<hbm>> -> memref<128xi32, #tpu.memory_space<hbm>>
    %dma_start3A_192 = arith.constant 0 : i32
    %dma_start3A_193 = tpu.memref_slice %arg6[%dma_start3A_185, %dma_start3A_192] : memref<2x512xi32, #tpu.memory_space<vmem>> -> memref<1x128xi32, #tpu.memory_space<vmem>>
    %dma_start3A_194 = tpu.memref_squeeze %dma_start3A_193 : memref<1x128xi32, #tpu.memory_space<vmem>> -> memref<128xi32, #tpu.memory_space<vmem>>
    %dma_start3A_195 = arith.constant 0 : i32
    %dma_start3A_196 = tpu.memref_slice %arg2[%dma_start3A_183, %add3A_170, %dma_start3A_184, %dma_start3A_195] : memref<25x128x8x128xi32, #tpu.memory_space<hbm>> -> memref<1x1x1x128xi32, #tpu.memory_space<hbm>>
    %dma_start3A_197 = tpu.memref_squeeze %dma_start3A_196 : memref<1x1x1x128xi32, #tpu.memory_space<hbm>> -> memref<128xi32, #tpu.memory_space<hbm>>
    tpu.enqueue_dma source(%dma_start3A_197 : memref<128xi32, #tpu.memory_space<hbm>>) target(%dma_start3A_194 : memref<128xi32, #tpu.memory_space<vmem>>) target_semaphore(%arg12 : memref<!tpu.dma_semaphore, #tpu.memory_space<semaphore_mem>>)
    %dma_start3A_198 = arith.constant 0 : i32
    %dma_start3A_199 = arith.constant 1 : i32
    %dma_start3A_200 = arith.constant 1 : i32
    %dma_start3A_201 = arith.constant 128 : i32
    %dma_start3A_202 = tpu.memref_slice %arg6[%dma_start3A_200, %dma_start3A_201] : memref<2x512xi32, #tpu.memory_space<vmem>> -> memref<1x128xi32, #tpu.memory_space<vmem>>
    %dma_start3A_203 = tpu.memref_squeeze %dma_start3A_202 : memref<1x128xi32, #tpu.memory_space<vmem>> -> memref<128xi32, #tpu.memory_space<vmem>>
    %dma_start3A_204 = arith.constant 0 : i32
    %dma_start3A_205 = tpu.memref_slice %arg2[%dma_start3A_198, %add3A_174, %dma_start3A_199, %dma_start3A_204] : memref<25x128x8x128xi32, #tpu.memory_space<hbm>> -> memref<1x1x1x128xi32, #tpu.memory_space<hbm>>
    %dma_start3A_206 = tpu.memref_squeeze %dma_start3A_205 : memref<1x1x1x128xi32, #tpu.memory_space<hbm>> -> memref<128xi32, #tpu.memory_space<hbm>>
    %dma_start3A_207 = arith.constant 128 : i32
    %dma_start3A_208 = tpu.memref_slice %arg6[%dma_start3A_200, %dma_start3A_207] : memref<2x512xi32, #tpu.memory_space<vmem>> -> memref<1x128xi32, #tpu.memory_space<vmem>>
    %dma_start3A_209 = tpu.memref_squeeze %dma_start3A_208 : memref<1x128xi32, #tpu.memory_space<vmem>> -> memref<128xi32, #tpu.memory_space<vmem>>
    %dma_start3A_210 = arith.constant 0 : i32
    %dma_start3A_211 = tpu.memref_slice %arg2[%dma_start3A_198, %add3A_174, %dma_start3A_199, %dma_start3A_210] : memref<25x128x8x128xi32, #tpu.memory_space<hbm>> -> memref<1x1x1x128xi32, #tpu.memory_space<hbm>>
    %dma_start3A_212 = tpu.memref_squeeze %dma_start3A_211 : memref<1x1x1x128xi32, #tpu.memory_space<hbm>> -> memref<128xi32, #tpu.memory_space<hbm>>
    tpu.enqueue_dma source(%dma_start3A_212 : memref<128xi32, #tpu.memory_space<hbm>>) target(%dma_start3A_209 : memref<128xi32, #tpu.memory_space<vmem>>) target_semaphore(%arg12 : memref<!tpu.dma_semaphore, #tpu.memory_space<semaphore_mem>>)
    %dma_start3A_213 = arith.constant 0 : i32
    %dma_start3A_214 = arith.constant 1 : i32
    %dma_start3A_215 = arith.constant 1 : i32
    %dma_start3A_216 = arith.constant 256 : i32
    %dma_start3A_217 = tpu.memref_slice %arg6[%dma_start3A_215, %dma_start3A_216] : memref<2x512xi32, #tpu.memory_space<vmem>> -> memref<1x128xi32, #tpu.memory_space<vmem>>
    %dma_start3A_218 = tpu.memref_squeeze %dma_start3A_217 : memref<1x128xi32, #tpu.memory_space<vmem>> -> memref<128xi32, #tpu.memory_space<vmem>>
    %dma_start3A_219 = arith.constant 0 : i32
    %dma_start3A_220 = tpu.memref_slice %arg2[%dma_start3A_213, %add3A_178, %dma_start3A_214, %dma_start3A_219] : memref<25x128x8x128xi32, #tpu.memory_space<hbm>> -> memref<1x1x1x128xi32, #tpu.memory_space<hbm>>
    %dma_start3A_221 = tpu.memref_squeeze %dma_start3A_220 : memref<1x1x1x128xi32, #tpu.memory_space<hbm>> -> memref<128xi32, #tpu.memory_space<hbm>>
    %dma_start3A_222 = arith.constant 256 : i32
    %dma_start3A_223 = tpu.memref_slice %arg6[%dma_start3A_215, %dma_start3A_222] : memref<2x512xi32, #tpu.memory_space<vmem>> -> memref<1x128xi32, #tpu.memory_space<vmem>>
    %dma_start3A_224 = tpu.memref_squeeze %dma_start3A_223 : memref<1x128xi32, #tpu.memory_space<vmem>> -> memref<128xi32, #tpu.memory_space<vmem>>
    %dma_start3A_225 = arith.constant 0 : i32
    %dma_start3A_226 = tpu.memref_slice %arg2[%dma_start3A_213, %add3A_178, %dma_start3A_214, %dma_start3A_225] : memref<25x128x8x128xi32, #tpu.memory_space<hbm>> -> memref<1x1x1x128xi32, #tpu.memory_space<hbm>>
    %dma_start3A_227 = tpu.memref_squeeze %dma_start3A_226 : memref<1x1x1x128xi32, #tpu.memory_space<hbm>> -> memref<128xi32, #tpu.memory_space<hbm>>
    tpu.enqueue_dma source(%dma_start3A_227 : memref<128xi32, #tpu.memory_space<hbm>>) target(%dma_start3A_224 : memref<128xi32, #tpu.memory_space<vmem>>) target_semaphore(%arg12 : memref<!tpu.dma_semaphore, #tpu.memory_space<semaphore_mem>>)
    %dma_start3A_228 = arith.constant 0 : i32
    %dma_start3A_229 = arith.constant 1 : i32
    %dma_start3A_230 = arith.constant 1 : i32
    %dma_start3A_231 = arith.constant 384 : i32
    %dma_start3A_232 = tpu.memref_slice %arg6[%dma_start3A_230, %dma_start3A_231] : memref<2x512xi32, #tpu.memory_space<vmem>> -> memref<1x128xi32, #tpu.memory_space<vmem>>
    %dma_start3A_233 = tpu.memref_squeeze %dma_start3A_232 : memref<1x128xi32, #tpu.memory_space<vmem>> -> memref<128xi32, #tpu.memory_space<vmem>>
    %dma_start3A_234 = arith.constant 0 : i32
    %dma_start3A_235 = tpu.memref_slice %arg2[%dma_start3A_228, %add3A_182, %dma_start3A_229, %dma_start3A_234] : memref<25x128x8x128xi32, #tpu.memory_space<hbm>> -> memref<1x1x1x128xi32, #tpu.memory_space<hbm>>
    %dma_start3A_236 = tpu.memref_squeeze %dma_start3A_235 : memref<1x1x1x128xi32, #tpu.memory_space<hbm>> -> memref<128xi32, #tpu.memory_space<hbm>>
    %dma_start3A_237 = arith.constant 384 : i32
    %dma_start3A_238 = tpu.memref_slice %arg6[%dma_start3A_230, %dma_start3A_237] : memref<2x512xi32, #tpu.memory_space<vmem>> -> memref<1x128xi32, #tpu.memory_space<vmem>>
    %dma_start3A_239 = tpu.memref_squeeze %dma_start3A_238 : memref<1x128xi32, #tpu.memory_space<vmem>> -> memref<128xi32, #tpu.memory_space<vmem>>
    %dma_start3A_240 = arith.constant 0 : i32
    %dma_start3A_241 = tpu.memref_slice %arg2[%dma_start3A_228, %add3A_182, %dma_start3A_229, %dma_start3A_240] : memref<25x128x8x128xi32, #tpu.memory_space<hbm>> -> memref<1x1x1x128xi32, #tpu.memory_space<hbm>>
    %dma_start3A_242 = tpu.memref_squeeze %dma_start3A_241 : memref<1x1x1x128xi32, #tpu.memory_space<hbm>> -> memref<128xi32, #tpu.memory_space<hbm>>
    tpu.enqueue_dma source(%dma_start3A_242 : memref<128xi32, #tpu.memory_space<hbm>>) target(%dma_start3A_239 : memref<128xi32, #tpu.memory_space<vmem>>) target_semaphore(%arg12 : memref<!tpu.dma_semaphore, #tpu.memory_space<semaphore_mem>>)
    %mul3A_243 = arith.constant 4 : i32
    %mul3A_244 = arith.muli %mul3A_243, %add3A : i32
    %add3A_245 = arith.constant 0 : i32
    %add3A_246 = arith.addi %mul3A_244, %add3A_245 : i32
    %mul3A_247 = arith.constant 4 : i32
    %mul3A_248 = arith.muli %mul3A_247, %add3A : i32
    %add3A_249 = arith.constant 1 : i32
    %add3A_250 = arith.addi %mul3A_248, %add3A_249 : i32
    %mul3A_251 = arith.constant 4 : i32
    %mul3A_252 = arith.muli %mul3A_251, %add3A : i32
    %add3A_253 = arith.constant 2 : i32
    %add3A_254 = arith.addi %mul3A_252, %add3A_253 : i32
    %mul3A_255 = arith.constant 4 : i32
    %mul3A_256 = arith.muli %mul3A_255, %add3A : i32
    %add3A_257 = arith.constant 3 : i32
    %add3A_258 = arith.addi %mul3A_256, %add3A_257 : i32
    %dma_wait3A = arith.constant 0 : i32
    %dma_wait3A_259 = arith.constant 0 : i32
    %dma_wait3A_260 = arith.constant 0 : i32
    %dma_wait3A_261 = arith.constant 0 : i32
    %dma_wait3A_262 = tpu.memref_slice %arg6[%dma_wait3A_260, %dma_wait3A_261] : memref<2x512xi32, #tpu.memory_space<vmem>> -> memref<1x128xi32, #tpu.memory_space<vmem>>
    %dma_wait3A_263 = tpu.memref_squeeze %dma_wait3A_262 : memref<1x128xi32, #tpu.memory_space<vmem>> -> memref<128xi32, #tpu.memory_space<vmem>>
    %dma_wait3A_264 = arith.constant 0 : i32
    %dma_wait3A_265 = tpu.memref_slice %arg2[%dma_wait3A, %add3A_246, %dma_wait3A_259, %dma_wait3A_264] : memref<25x128x8x128xi32, #tpu.memory_space<hbm>> -> memref<1x1x1x128xi32, #tpu.memory_space<hbm>>
    %dma_wait3A_266 = tpu.memref_squeeze %dma_wait3A_265 : memref<1x1x1x128xi32, #tpu.memory_space<hbm>> -> memref<128xi32, #tpu.memory_space<hbm>>
    %dma_wait3A_267 = arith.constant 0 : i32
    %dma_wait3A_268 = tpu.memref_slice %arg6[%dma_wait3A_260, %dma_wait3A_267] : memref<2x512xi32, #tpu.memory_space<vmem>> -> memref<1x128xi32, #tpu.memory_space<vmem>>
    %dma_wait3A_269 = tpu.memref_squeeze %dma_wait3A_268 : memref<1x128xi32, #tpu.memory_space<vmem>> -> memref<128xi32, #tpu.memory_space<vmem>>
    %dma_wait3A_270 = arith.constant 0 : i32
    %dma_wait3A_271 = tpu.memref_slice %arg2[%dma_wait3A, %add3A_246, %dma_wait3A_259, %dma_wait3A_270] : memref<25x128x8x128xi32, #tpu.memory_space<hbm>> -> memref<1x1x1x128xi32, #tpu.memory_space<hbm>>
    %dma_wait3A_272 = tpu.memref_squeeze %dma_wait3A_271 : memref<1x1x1x128xi32, #tpu.memory_space<hbm>> -> memref<128xi32, #tpu.memory_space<hbm>>
    tpu.wait_dma2 semaphore(%arg11 : memref<!tpu.dma_semaphore, #tpu.memory_space<semaphore_mem>>) src(%dma_wait3A_272 : memref<128xi32, #tpu.memory_space<hbm>>) dst(%dma_wait3A_269 : memref<128xi32, #tpu.memory_space<vmem>>)
    %dma_wait3A_273 = arith.constant 0 : i32
    %dma_wait3A_274 = arith.constant 0 : i32
    %dma_wait3A_275 = arith.constant 0 : i32
    %dma_wait3A_276 = arith.constant 128 : i32
    %dma_wait3A_277 = tpu.memref_slice %arg6[%dma_wait3A_275, %dma_wait3A_276] : memref<2x512xi32, #tpu.memory_space<vmem>> -> memref<1x128xi32, #tpu.memory_space<vmem>>
    %dma_wait3A_278 = tpu.memref_squeeze %dma_wait3A_277 : memref<1x128xi32, #tpu.memory_space<vmem>> -> memref<128xi32, #tpu.memory_space<vmem>>
    %dma_wait3A_279 = arith.constant 0 : i32
    %dma_wait3A_280 = tpu.memref_slice %arg2[%dma_wait3A_273, %add3A_250, %dma_wait3A_274, %dma_wait3A_279] : memref<25x128x8x128xi32, #tpu.memory_space<hbm>> -> memref<1x1x1x128xi32, #tpu.memory_space<hbm>>
    %dma_wait3A_281 = tpu.memref_squeeze %dma_wait3A_280 : memref<1x1x1x128xi32, #tpu.memory_space<hbm>> -> memref<128xi32, #tpu.memory_space<hbm>>
    %dma_wait3A_282 = arith.constant 128 : i32
    %dma_wait3A_283 = tpu.memref_slice %arg6[%dma_wait3A_275, %dma_wait3A_282] : memref<2x512xi32, #tpu.memory_space<vmem>> -> memref<1x128xi32, #tpu.memory_space<vmem>>
    %dma_wait3A_284 = tpu.memref_squeeze %dma_wait3A_283 : memref<1x128xi32, #tpu.memory_space<vmem>> -> memref<128xi32, #tpu.memory_space<vmem>>
    %dma_wait3A_285 = arith.constant 0 : i32
    %dma_wait3A_286 = tpu.memref_slice %arg2[%dma_wait3A_273, %add3A_250, %dma_wait3A_274, %dma_wait3A_285] : memref<25x128x8x128xi32, #tpu.memory_space<hbm>> -> memref<1x1x1x128xi32, #tpu.memory_space<hbm>>
    %dma_wait3A_287 = tpu.memref_squeeze %dma_wait3A_286 : memref<1x1x1x128xi32, #tpu.memory_space<hbm>> -> memref<128xi32, #tpu.memory_space<hbm>>
    tpu.wait_dma2 semaphore(%arg11 : memref<!tpu.dma_semaphore, #tpu.memory_space<semaphore_mem>>) src(%dma_wait3A_287 : memref<128xi32, #tpu.memory_space<hbm>>) dst(%dma_wait3A_284 : memref<128xi32, #tpu.memory_space<vmem>>)
    %dma_wait3A_288 = arith.constant 0 : i32
    %dma_wait3A_289 = arith.constant 0 : i32
    %dma_wait3A_290 = arith.constant 0 : i32
    %dma_wait3A_291 = arith.constant 256 : i32
    %dma_wait3A_292 = tpu.memref_slice %arg6[%dma_wait3A_290, %dma_wait3A_291] : memref<2x512xi32, #tpu.memory_space<vmem>> -> memref<1x128xi32, #tpu.memory_space<vmem>>
    %dma_wait3A_293 = tpu.memref_squeeze %dma_wait3A_292 : memref<1x128xi32, #tpu.memory_space<vmem>> -> memref<128xi32, #tpu.memory_space<vmem>>
    %dma_wait3A_294 = arith.constant 0 : i32
    %dma_wait3A_295 = tpu.memref_slice %arg2[%dma_wait3A_288, %add3A_254, %dma_wait3A_289, %dma_wait3A_294] : memref<25x128x8x128xi32, #tpu.memory_space<hbm>> -> memref<1x1x1x128xi32, #tpu.memory_space<hbm>>
    %dma_wait3A_296 = tpu.memref_squeeze %dma_wait3A_295 : memref<1x1x1x128xi32, #tpu.memory_space<hbm>> -> memref<128xi32, #tpu.memory_space<hbm>>
    %dma_wait3A_297 = arith.constant 256 : i32
    %dma_wait3A_298 = tpu.memref_slice %arg6[%dma_wait3A_290, %dma_wait3A_297] : memref<2x512xi32, #tpu.memory_space<vmem>> -> memref<1x128xi32, #tpu.memory_space<vmem>>
    %dma_wait3A_299 = tpu.memref_squeeze %dma_wait3A_298 : memref<1x128xi32, #tpu.memory_space<vmem>> -> memref<128xi32, #tpu.memory_space<vmem>>
    %dma_wait3A_300 = arith.constant 0 : i32
    %dma_wait3A_301 = tpu.memref_slice %arg2[%dma_wait3A_288, %add3A_254, %dma_wait3A_289, %dma_wait3A_300] : memref<25x128x8x128xi32, #tpu.memory_space<hbm>> -> memref<1x1x1x128xi32, #tpu.memory_space<hbm>>
    %dma_wait3A_302 = tpu.memref_squeeze %dma_wait3A_301 : memref<1x1x1x128xi32, #tpu.memory_space<hbm>> -> memref<128xi32, #tpu.memory_space<hbm>>
    tpu.wait_dma2 semaphore(%arg11 : memref<!tpu.dma_semaphore, #tpu.memory_space<semaphore_mem>>) src(%dma_wait3A_302 : memref<128xi32, #tpu.memory_space<hbm>>) dst(%dma_wait3A_299 : memref<128xi32, #tpu.memory_space<vmem>>)
    %dma_wait3A_303 = arith.constant 0 : i32
    %dma_wait3A_304 = arith.constant 0 : i32
    %dma_wait3A_305 = arith.constant 0 : i32
    %dma_wait3A_306 = arith.constant 384 : i32
    %dma_wait3A_307 = tpu.memref_slice %arg6[%dma_wait3A_305, %dma_wait3A_306] : memref<2x512xi32, #tpu.memory_space<vmem>> -> memref<1x128xi32, #tpu.memory_space<vmem>>
    %dma_wait3A_308 = tpu.memref_squeeze %dma_wait3A_307 : memref<1x128xi32, #tpu.memory_space<vmem>> -> memref<128xi32, #tpu.memory_space<vmem>>
    %dma_wait3A_309 = arith.constant 0 : i32
    %dma_wait3A_310 = tpu.memref_slice %arg2[%dma_wait3A_303, %add3A_258, %dma_wait3A_304, %dma_wait3A_309] : memref<25x128x8x128xi32, #tpu.memory_space<hbm>> -> memref<1x1x1x128xi32, #tpu.memory_space<hbm>>
    %dma_wait3A_311 = tpu.memref_squeeze %dma_wait3A_310 : memref<1x1x1x128xi32, #tpu.memory_space<hbm>> -> memref<128xi32, #tpu.memory_space<hbm>>
    %dma_wait3A_312 = arith.constant 384 : i32
    %dma_wait3A_313 = tpu.memref_slice %arg6[%dma_wait3A_305, %dma_wait3A_312] : memref<2x512xi32, #tpu.memory_space<vmem>> -> memref<1x128xi32, #tpu.memory_space<vmem>>
    %dma_wait3A_314 = tpu.memref_squeeze %dma_wait3A_313 : memref<1x128xi32, #tpu.memory_space<vmem>> -> memref<128xi32, #tpu.memory_space<vmem>>
    %dma_wait3A_315 = arith.constant 0 : i32
    %dma_wait3A_316 = tpu.memref_slice %arg2[%dma_wait3A_303, %add3A_258, %dma_wait3A_304, %dma_wait3A_315] : memref<25x128x8x128xi32, #tpu.memory_space<hbm>> -> memref<1x1x1x128xi32, #tpu.memory_space<hbm>>
    %dma_wait3A_317 = tpu.memref_squeeze %dma_wait3A_316 : memref<1x1x1x128xi32, #tpu.memory_space<hbm>> -> memref<128xi32, #tpu.memory_space<hbm>>
    tpu.wait_dma2 semaphore(%arg11 : memref<!tpu.dma_semaphore, #tpu.memory_space<semaphore_mem>>) src(%dma_wait3A_317 : memref<128xi32, #tpu.memory_space<hbm>>) dst(%dma_wait3A_314 : memref<128xi32, #tpu.memory_space<vmem>>)
    %parallel_loop3A = arith.constant 0 : i32
    %parallel_loop3A_318 = arith.constant 32 : i32
    %parallel_loop3A_319 = arith.constant 1 : i32
    scf.for %parallel_loop3A_414 = %parallel_loop3A to %parallel_loop3A_318 step %parallel_loop3A_319  : i32 {
      %parallel_loop3A_415 = arith.constant 16 : i32
      %parallel_loop3A_416 = arith.muli %parallel_loop3A_414, %parallel_loop3A_415 : i32
      %parallel_loop3A_417 = arith.constant 0 : i32
      %parallel_loop3A_418 = arith.index_cast %parallel_loop3A_417 : i32 to index
      %parallel_loop3A_419 = arith.index_cast %parallel_loop3A_416 : i32 to index
      %parallel_loop3A_420 = tpu.vector_load %arg6[%parallel_loop3A_418, %parallel_loop3A_419] {strides = array<i32>} : memref<2x512xi32, #tpu.memory_space<vmem>>, vector<16xi32>,
      %parallel_loop3A_421 = vector.broadcast %mul3A_2 : i32 to vector<16xi32>
      %parallel_loop3A_422 = arith.addi %parallel_loop3A_420, %parallel_loop3A_421 : vector<16xi32>
      %parallel_loop3A_423 = arith.constant 0 : i32
      %parallel_loop3A_424 = arith.index_cast %parallel_loop3A_423 : i32 to index
      %parallel_loop3A_425 = arith.index_cast %parallel_loop3A_416 : i32 to index
      %parallel_loop3A_426 = tpu.vector_load %arg6[%parallel_loop3A_424, %parallel_loop3A_425] {strides = array<i32>} : memref<2x512xi32, #tpu.memory_space<vmem>>, vector<16xi32>,
      tpu.vector_store %arg6[%parallel_loop3A_424, %parallel_loop3A_425], %parallel_loop3A_422 {strides = array<i32>} : memref<2x512xi32, #tpu.memory_space<vmem>>, vector<16xi32>,
    } {sc.loop_unroll_factor = 8 : i64, sc.parallel_access}
    %dma_start3A_320 = arith.constant 0 : i32
    %dma_start3A_321 = arith.constant 0 : i32
    %dma_start3A_322 = arith.constant 0 : i32
    %dma_start3A_323 = arith.constant 0 : i32
    %dma_start3A_324 = tpu.memref_slice %arg7[%dma_start3A_321, %dma_start3A_322, %dma_start3A_323] : memref<2x512x16xf32, #tpu.memory_space<vmem>> -> memref<1x512x16xf32, #tpu.memory_space<vmem>>
    %dma_start3A_325 = tpu.memref_squeeze %dma_start3A_324 : memref<1x512x16xf32, #tpu.memory_space<vmem>> -> memref<512x16xf32, #tpu.memory_space<vmem>>
    %dma_start3A_326 = arith.constant 0 : i32
    %dma_start3A_327 = tpu.memref_slice %arg6[%dma_start3A_320, %dma_start3A_326] : memref<2x512xi32, #tpu.memory_space<vmem>> -> memref<1x512xi32, #tpu.memory_space<vmem>>
    %dma_start3A_328 = tpu.memref_squeeze %dma_start3A_327 : memref<1x512xi32, #tpu.memory_space<vmem>> -> memref<512xi32, #tpu.memory_space<vmem>>
    %dma_start3A_329 = arith.constant 0 : i32
    %dma_start3A_330 = arith.constant 0 : i32
    %dma_start3A_331 = tpu.memref_slice %arg5[%dma_start3A_329, %dma_start3A_330] : memref<2097152x16xf32, #tpu.memory_space<hbm>> -> memref<2097152x16xf32, #tpu.memory_space<hbm>>
    tpu.enqueue_indirect_dma source(%dma_start3A_331 : memref<2097152x16xf32, #tpu.memory_space<hbm>>) target(%dma_start3A_325 : memref<512x16xf32, #tpu.memory_space<vmem>>) offsets(%dma_start3A_328 : memref<512xi32, #tpu.memory_space<vmem>>) semaphore(%arg13 : memref<!tpu.dma_semaphore, #tpu.memory_space<semaphore_mem>>)
    %scan3A_332 = arith.constant 0 : i32
    %scan3A_333 = arith.constant 0 : i32
    %scan3A_334 = arith.constant 100 : i32
    %scan3A_335 = arith.addi %scan3A_333, %scan3A_334 : i32
    %scan3A_336 = arith.constant 1 : i32
    scf.for %scan3A_414 = %scan3A_333 to %scan3A_335 step %scan3A_336  : i32 {
      %mul3A_415 = arith.constant 2 : i32
      %mul3A_416 = arith.muli %mul3A_415, %scan3A_414 : i32
      %add3A_417 = arith.constant 0 : i32
      %add3A_418 = arith.addi %mul3A_416, %add3A_417 : i32
      %add3A_419 = arith.constant 1 : i32
      %add3A_420 = arith.addi %add3A_418, %add3A_419 : i32
      %lt3A_421 = arith.constant 200 : i32
      %lt3A_422 = arith.cmpi slt, %add3A_420, %lt3A_421 : i32
      %convert_element_type3A_423 = arith.extui %lt3A_422 : i1 to i32
      %cond3A_424 = arith.constant 0 : i32
      %cond3A_425 = arith.cmpi ne, %convert_element_type3A_423, %cond3A_424 : i32
      scf.if %cond3A_425 {
        %add3A_564 = arith.constant 1 : i32
        %add3A_565 = arith.addi %add3A_418, %add3A_564 : i32
        %jit3A_566 = arith.constant 8 : i32
        %div3A_567 = arith.divsi %add3A_565, %jit3A_566 : i32
        %sign3A_568 = arith.constant 0 : i32
        %sign3A_569 = arith.cmpi sgt, %add3A_565, %sign3A_568 : i32
        %sign3A_570 = arith.extui %sign3A_569 : i1 to i32
        %sign3A_571 = arith.constant 0 : i32
        %sign3A_572 = arith.cmpi slt, %add3A_565, %sign3A_571 : i32
        %sign3A_573 = arith.extui %sign3A_572 : i1 to i32
        %sign3A_574 = arith.subi %sign3A_570, %sign3A_573 : i32
        %sign3A_575 = arith.constant 0 : i32
        %sign3A_576 = arith.cmpi sgt, %jit3A_566, %sign3A_575 : i32
        %sign3A_577 = arith.extui %sign3A_576 : i1 to i32
        %sign3A_578 = arith.constant 0 : i32
        %sign3A_579 = arith.cmpi slt, %jit3A_566, %sign3A_578 : i32
        %sign3A_580 = arith.extui %sign3A_579 : i1 to i32
        %sign3A_581 = arith.subi %sign3A_577, %sign3A_580 : i32
        %ne3A_582 = arith.cmpi ne, %sign3A_574, %sign3A_581 : i32
        %rem3A_583 = arith.remsi %add3A_565, %jit3A_566 : i32
        %ne3A_584 = arith.constant 0 : i32
        %ne3A_585 = arith.cmpi ne, %rem3A_583, %ne3A_584 : i32
        %and3A_586 = arith.andi %ne3A_582, %ne3A_585 : i1
        %sub3A_587 = arith.constant 1 : i32
        %sub3A_588 = arith.subi %div3A_567, %sub3A_587 : i32
        %select_n3A_589 = arith.select %and3A_586, %sub3A_588, %div3A_567 : i32
        %mul3A_590 = arith.constant 4 : i32
        %mul3A_591 = arith.muli %mul3A_590, %add3A : i32
        %add3A_592 = arith.constant 0 : i32
        %add3A_593 = arith.addi %mul3A_591, %add3A_592 : i32
        %jit3A_594 = arith.constant 8 : i32
        %eq3A_595 = arith.constant 0 : i32
        %eq3A_596 = arith.cmpi eq, %jit3A_594, %eq3A_595 : i32
        %jit3A_597 = arith.constant 1 : i32
        %select_n3A_598 = arith.select %eq3A_596, %jit3A_597, %jit3A_594 : i32
        %rem3A_599 = arith.remsi %add3A_565, %select_n3A_598 : i32
        %ne3A_600 = arith.constant 0 : i32
        %ne3A_601 = arith.cmpi ne, %rem3A_599, %ne3A_600 : i32
        %lt3A_602 = arith.constant 0 : i32
        %lt3A_603 = arith.cmpi slt, %rem3A_599, %lt3A_602 : i32
        %lt3A_604 = arith.constant 0 : i32
        %lt3A_605 = arith.cmpi slt, %select_n3A_598, %lt3A_604 : i32
        %ne3A_606 = arith.xori %lt3A_603, %lt3A_605 : i1
        %and3A_607 = arith.andi %ne3A_606, %ne3A_601 : i1
        %add3A_608 = arith.addi %rem3A_599, %select_n3A_598 : i32
        %select_n3A_609 = arith.select %and3A_607, %add3A_608, %rem3A_599 : i32
        %jit3A_610 = arith.constant 8 : i32
        %div3A_611 = arith.divsi %add3A_565, %jit3A_610 : i32
        %sign3A_612 = arith.constant 0 : i32
        %sign3A_613 = arith.cmpi sgt, %add3A_565, %sign3A_612 : i32
        %sign3A_614 = arith.extui %sign3A_613 : i1 to i32
        %sign3A_615 = arith.constant 0 : i32
        %sign3A_616 = arith.cmpi slt, %add3A_565, %sign3A_615 : i32
        %sign3A_617 = arith.extui %sign3A_616 : i1 to i32
        %sign3A_618 = arith.subi %sign3A_614, %sign3A_617 : i32
        %sign3A_619 = arith.constant 0 : i32
        %sign3A_620 = arith.cmpi sgt, %jit3A_610, %sign3A_619 : i32
        %sign3A_621 = arith.extui %sign3A_620 : i1 to i32
        %sign3A_622 = arith.constant 0 : i32
        %sign3A_623 = arith.cmpi slt, %jit3A_610, %sign3A_622 : i32
        %sign3A_624 = arith.extui %sign3A_623 : i1 to i32
        %sign3A_625 = arith.subi %sign3A_621, %sign3A_624 : i32
        %ne3A_626 = arith.cmpi ne, %sign3A_618, %sign3A_625 : i32
        %rem3A_627 = arith.remsi %add3A_565, %jit3A_610 : i32
        %ne3A_628 = arith.constant 0 : i32
        %ne3A_629 = arith.cmpi ne, %rem3A_627, %ne3A_628 : i32
        %and3A_630 = arith.andi %ne3A_626, %ne3A_629 : i1
        %sub3A_631 = arith.constant 1 : i32
        %sub3A_632 = arith.subi %div3A_611, %sub3A_631 : i32
        %select_n3A_633 = arith.select %and3A_630, %sub3A_632, %div3A_611 : i32
        %mul3A_634 = arith.constant 4 : i32
        %mul3A_635 = arith.muli %mul3A_634, %add3A : i32
        %add3A_636 = arith.constant 1 : i32
        %add3A_637 = arith.addi %mul3A_635, %add3A_636 : i32
        %jit3A_638 = arith.constant 8 : i32
        %eq3A_639 = arith.constant 0 : i32
        %eq3A_640 = arith.cmpi eq, %jit3A_638, %eq3A_639 : i32
        %jit3A_641 = arith.constant 1 : i32
        %select_n3A_642 = arith.select %eq3A_640, %jit3A_641, %jit3A_638 : i32
        %rem3A_643 = arith.remsi %add3A_565, %select_n3A_642 : i32
        %ne3A_644 = arith.constant 0 : i32
        %ne3A_645 = arith.cmpi ne, %rem3A_643, %ne3A_644 : i32
        %lt3A_646 = arith.constant 0 : i32
        %lt3A_647 = arith.cmpi slt, %rem3A_643, %lt3A_646 : i32
        %lt3A_648 = arith.constant 0 : i32
        %lt3A_649 = arith.cmpi slt, %select_n3A_642, %lt3A_648 : i32
        %ne3A_650 = arith.xori %lt3A_647, %lt3A_649 : i1
        %and3A_651 = arith.andi %ne3A_650, %ne3A_645 : i1
        %add3A_652 = arith.addi %rem3A_643, %select_n3A_642 : i32
        %select_n3A_653 = arith.select %and3A_651, %add3A_652, %rem3A_643 : i32
        %jit3A_654 = arith.constant 8 : i32
        %div3A_655 = arith.divsi %add3A_565, %jit3A_654 : i32
        %sign3A_656 = arith.constant 0 : i32
        %sign3A_657 = arith.cmpi sgt, %add3A_565, %sign3A_656 : i32
        %sign3A_658 = arith.extui %sign3A_657 : i1 to i32
        %sign3A_659 = arith.constant 0 : i32
        %sign3A_660 = arith.cmpi slt, %add3A_565, %sign3A_659 : i32
        %sign3A_661 = arith.extui %sign3A_660 : i1 to i32
        %sign3A_662 = arith.subi %sign3A_658, %sign3A_661 : i32
        %sign3A_663 = arith.constant 0 : i32
        %sign3A_664 = arith.cmpi sgt, %jit3A_654, %sign3A_663 : i32
        %sign3A_665 = arith.extui %sign3A_664 : i1 to i32
        %sign3A_666 = arith.constant 0 : i32
        %sign3A_667 = arith.cmpi slt, %jit3A_654, %sign3A_666 : i32
        %sign3A_668 = arith.extui %sign3A_667 : i1 to i32
        %sign3A_669 = arith.subi %sign3A_665, %sign3A_668 : i32
        %ne3A_670 = arith.cmpi ne, %sign3A_662, %sign3A_669 : i32
        %rem3A_671 = arith.remsi %add3A_565, %jit3A_654 : i32
        %ne3A_672 = arith.constant 0 : i32
        %ne3A_673 = arith.cmpi ne, %rem3A_671, %ne3A_672 : i32
        %and3A_674 = arith.andi %ne3A_670, %ne3A_673 : i1
        %sub3A_675 = arith.constant 1 : i32
        %sub3A_676 = arith.subi %div3A_655, %sub3A_675 : i32
        %select_n3A_677 = arith.select %and3A_674, %sub3A_676, %div3A_655 : i32
        %mul3A_678 = arith.constant 4 : i32
        %mul3A_679 = arith.muli %mul3A_678, %add3A : i32
        %add3A_680 = arith.constant 2 : i32
        %add3A_681 = arith.addi %mul3A_679, %add3A_680 : i32
        %jit3A_682 = arith.constant 8 : i32
        %eq3A_683 = arith.constant 0 : i32
        %eq3A_684 = arith.cmpi eq, %jit3A_682, %eq3A_683 : i32
        %jit3A_685 = arith.constant 1 : i32
        %select_n3A_686 = arith.select %eq3A_684, %jit3A_685, %jit3A_682 : i32
        %rem3A_687 = arith.remsi %add3A_565, %select_n3A_686 : i32
        %ne3A_688 = arith.constant 0 : i32
        %ne3A_689 = arith.cmpi ne, %rem3A_687, %ne3A_688 : i32
        %lt3A_690 = arith.constant 0 : i32
        %lt3A_691 = arith.cmpi slt, %rem3A_687, %lt3A_690 : i32
        %lt3A_692 = arith.constant 0 : i32
        %lt3A_693 = arith.cmpi slt, %select_n3A_686, %lt3A_692 : i32
        %ne3A_694 = arith.xori %lt3A_691, %lt3A_693 : i1
        %and3A_695 = arith.andi %ne3A_694, %ne3A_689 : i1
        %add3A_696 = arith.addi %rem3A_687, %select_n3A_686 : i32
        %select_n3A_697 = arith.select %and3A_695, %add3A_696, %rem3A_687 : i32
        %jit3A_698 = arith.constant 8 : i32
        %div3A_699 = arith.divsi %add3A_565, %jit3A_698 : i32
        %sign3A_700 = arith.constant 0 : i32
        %sign3A_701 = arith.cmpi sgt, %add3A_565, %sign3A_700 : i32
        %sign3A_702 = arith.extui %sign3A_701 : i1 to i32
        %sign3A_703 = arith.constant 0 : i32
        %sign3A_704 = arith.cmpi slt, %add3A_565, %sign3A_703 : i32
        %sign3A_705 = arith.extui %sign3A_704 : i1 to i32
        %sign3A_706 = arith.subi %sign3A_702, %sign3A_705 : i32
        %sign3A_707 = arith.constant 0 : i32
        %sign3A_708 = arith.cmpi sgt, %jit3A_698, %sign3A_707 : i32
        %sign3A_709 = arith.extui %sign3A_708 : i1 to i32
        %sign3A_710 = arith.constant 0 : i32
        %sign3A_711 = arith.cmpi slt, %jit3A_698, %sign3A_710 : i32
        %sign3A_712 = arith.extui %sign3A_711 : i1 to i32
        %sign3A_713 = arith.subi %sign3A_709, %sign3A_712 : i32
        %ne3A_714 = arith.cmpi ne, %sign3A_706, %sign3A_713 : i32
        %rem3A_715 = arith.remsi %add3A_565, %jit3A_698 : i32
        %ne3A_716 = arith.constant 0 : i32
        %ne3A_717 = arith.cmpi ne, %rem3A_715, %ne3A_716 : i32
        %and3A_718 = arith.andi %ne3A_714, %ne3A_717 : i1
        %sub3A_719 = arith.constant 1 : i32
        %sub3A_720 = arith.subi %div3A_699, %sub3A_719 : i32
        %select_n3A_721 = arith.select %and3A_718, %sub3A_720, %div3A_699 : i32
        %mul3A_722 = arith.constant 4 : i32
        %mul3A_723 = arith.muli %mul3A_722, %add3A : i32
        %add3A_724 = arith.constant 3 : i32
        %add3A_725 = arith.addi %mul3A_723, %add3A_724 : i32
        %jit3A_726 = arith.constant 8 : i32
        %eq3A_727 = arith.constant 0 : i32
        %eq3A_728 = arith.cmpi eq, %jit3A_726, %eq3A_727 : i32
        %jit3A_729 = arith.constant 1 : i32
        %select_n3A_730 = arith.select %eq3A_728, %jit3A_729, %jit3A_726 : i32
        %rem3A_731 = arith.remsi %add3A_565, %select_n3A_730 : i32
        %ne3A_732 = arith.constant 0 : i32
        %ne3A_733 = arith.cmpi ne, %rem3A_731, %ne3A_732 : i32
        %lt3A_734 = arith.constant 0 : i32
        %lt3A_735 = arith.cmpi slt, %rem3A_731, %lt3A_734 : i32
        %lt3A_736 = arith.constant 0 : i32
        %lt3A_737 = arith.cmpi slt, %select_n3A_730, %lt3A_736 : i32
        %ne3A_738 = arith.xori %lt3A_735, %lt3A_737 : i1
        %and3A_739 = arith.andi %ne3A_738, %ne3A_733 : i1
        %add3A_740 = arith.addi %rem3A_731, %select_n3A_730 : i32
        %select_n3A_741 = arith.select %and3A_739, %add3A_740, %rem3A_731 : i32
        %dma_wait3A_742 = arith.constant 1 : i32
        %dma_wait3A_743 = arith.constant 0 : i32
        %dma_wait3A_744 = tpu.memref_slice %arg6[%dma_wait3A_742, %dma_wait3A_743] : memref<2x512xi32, #tpu.memory_space<vmem>> -> memref<1x128xi32, #tpu.memory_space<vmem>>
        %dma_wait3A_745 = tpu.memref_squeeze %dma_wait3A_744 : memref<1x128xi32, #tpu.memory_space<vmem>> -> memref<128xi32, #tpu.memory_space<vmem>>
        %dma_wait3A_746 = arith.constant 0 : i32
        %dma_wait3A_747 = tpu.memref_slice %arg2[%select_n3A_589, %add3A_593, %select_n3A_609, %dma_wait3A_746] : memref<25x128x8x128xi32, #tpu.memory_space<hbm>> -> memref<1x1x1x128xi32, #tpu.memory_space<hbm>>
        %dma_wait3A_748 = tpu.memref_squeeze %dma_wait3A_747 : memref<1x1x1x128xi32, #tpu.memory_space<hbm>> -> memref<128xi32, #tpu.memory_space<hbm>>
        %dma_wait3A_749 = arith.constant 0 : i32
        %dma_wait3A_750 = tpu.memref_slice %arg6[%dma_wait3A_742, %dma_wait3A_749] : memref<2x512xi32, #tpu.memory_space<vmem>> -> memref<1x128xi32, #tpu.memory_space<vmem>>
        %dma_wait3A_751 = tpu.memref_squeeze %dma_wait3A_750 : memref<1x128xi32, #tpu.memory_space<vmem>> -> memref<128xi32, #tpu.memory_space<vmem>>
        %dma_wait3A_752 = arith.constant 0 : i32
        %dma_wait3A_753 = tpu.memref_slice %arg2[%select_n3A_589, %add3A_593, %select_n3A_609, %dma_wait3A_752] : memref<25x128x8x128xi32, #tpu.memory_space<hbm>> -> memref<1x1x1x128xi32, #tpu.memory_space<hbm>>
        %dma_wait3A_754 = tpu.memref_squeeze %dma_wait3A_753 : memref<1x1x1x128xi32, #tpu.memory_space<hbm>> -> memref<128xi32, #tpu.memory_space<hbm>>
        tpu.wait_dma2 semaphore(%arg12 : memref<!tpu.dma_semaphore, #tpu.memory_space<semaphore_mem>>) src(%dma_wait3A_754 : memref<128xi32, #tpu.memory_space<hbm>>) dst(%dma_wait3A_751 : memref<128xi32, #tpu.memory_space<vmem>>)
        %dma_wait3A_755 = arith.constant 1 : i32
        %dma_wait3A_756 = arith.constant 128 : i32
        %dma_wait3A_757 = tpu.memref_slice %arg6[%dma_wait3A_755, %dma_wait3A_756] : memref<2x512xi32, #tpu.memory_space<vmem>> -> memref<1x128xi32, #tpu.memory_space<vmem>>
        %dma_wait3A_758 = tpu.memref_squeeze %dma_wait3A_757 : memref<1x128xi32, #tpu.memory_space<vmem>> -> memref<128xi32, #tpu.memory_space<vmem>>
        %dma_wait3A_759 = arith.constant 0 : i32
        %dma_wait3A_760 = tpu.memref_slice %arg2[%select_n3A_633, %add3A_637, %select_n3A_653, %dma_wait3A_759] : memref<25x128x8x128xi32, #tpu.memory_space<hbm>> -> memref<1x1x1x128xi32, #tpu.memory_space<hbm>>
        %dma_wait3A_761 = tpu.memref_squeeze %dma_wait3A_760 : memref<1x1x1x128xi32, #tpu.memory_space<hbm>> -> memref<128xi32, #tpu.memory_space<hbm>>
        %dma_wait3A_762 = arith.constant 128 : i32
        %dma_wait3A_763 = tpu.memref_slice %arg6[%dma_wait3A_755, %dma_wait3A_762] : memref<2x512xi32, #tpu.memory_space<vmem>> -> memref<1x128xi32, #tpu.memory_space<vmem>>
        %dma_wait3A_764 = tpu.memref_squeeze %dma_wait3A_763 : memref<1x128xi32, #tpu.memory_space<vmem>> -> memref<128xi32, #tpu.memory_space<vmem>>
        %dma_wait3A_765 = arith.constant 0 : i32
        %dma_wait3A_766 = tpu.memref_slice %arg2[%select_n3A_633, %add3A_637, %select_n3A_653, %dma_wait3A_765] : memref<25x128x8x128xi32, #tpu.memory_space<hbm>> -> memref<1x1x1x128xi32, #tpu.memory_space<hbm>>
        %dma_wait3A_767 = tpu.memref_squeeze %dma_wait3A_766 : memref<1x1x1x128xi32, #tpu.memory_space<hbm>> -> memref<128xi32, #tpu.memory_space<hbm>>
        tpu.wait_dma2 semaphore(%arg12 : memref<!tpu.dma_semaphore, #tpu.memory_space<semaphore_mem>>) src(%dma_wait3A_767 : memref<128xi32, #tpu.memory_space<hbm>>) dst(%dma_wait3A_764 : memref<128xi32, #tpu.memory_space<vmem>>)
        %dma_wait3A_768 = arith.constant 1 : i32
        %dma_wait3A_769 = arith.constant 256 : i32
        %dma_wait3A_770 = tpu.memref_slice %arg6[%dma_wait3A_768, %dma_wait3A_769] : memref<2x512xi32, #tpu.memory_space<vmem>> -> memref<1x128xi32, #tpu.memory_space<vmem>>
        %dma_wait3A_771 = tpu.memref_squeeze %dma_wait3A_770 : memref<1x128xi32, #tpu.memory_space<vmem>> -> memref<128xi32, #tpu.memory_space<vmem>>
        %dma_wait3A_772 = arith.constant 0 : i32
        %dma_wait3A_773 = tpu.memref_slice %arg2[%select_n3A_677, %add3A_681, %select_n3A_697, %dma_wait3A_772] : memref<25x128x8x128xi32, #tpu.memory_space<hbm>> -> memref<1x1x1x128xi32, #tpu.memory_space<hbm>>
        %dma_wait3A_774 = tpu.memref_squeeze %dma_wait3A_773 : memref<1x1x1x128xi32, #tpu.memory_space<hbm>> -> memref<128xi32, #tpu.memory_space<hbm>>
        %dma_wait3A_775 = arith.constant 256 : i32
        %dma_wait3A_776 = tpu.memref_slice %arg6[%dma_wait3A_768, %dma_wait3A_775] : memref<2x512xi32, #tpu.memory_space<vmem>> -> memref<1x128xi32, #tpu.memory_space<vmem>>
        %dma_wait3A_777 = tpu.memref_squeeze %dma_wait3A_776 : memref<1x128xi32, #tpu.memory_space<vmem>> -> memref<128xi32, #tpu.memory_space<vmem>>
        %dma_wait3A_778 = arith.constant 0 : i32
        %dma_wait3A_779 = tpu.memref_slice %arg2[%select_n3A_677, %add3A_681, %select_n3A_697, %dma_wait3A_778] : memref<25x128x8x128xi32, #tpu.memory_space<hbm>> -> memref<1x1x1x128xi32, #tpu.memory_space<hbm>>
        %dma_wait3A_780 = tpu.memref_squeeze %dma_wait3A_779 : memref<1x1x1x128xi32, #tpu.memory_space<hbm>> -> memref<128xi32, #tpu.memory_space<hbm>>
        tpu.wait_dma2 semaphore(%arg12 : memref<!tpu.dma_semaphore, #tpu.memory_space<semaphore_mem>>) src(%dma_wait3A_780 : memref<128xi32, #tpu.memory_space<hbm>>) dst(%dma_wait3A_777 : memref<128xi32, #tpu.memory_space<vmem>>)
        %dma_wait3A_781 = arith.constant 1 : i32
        %dma_wait3A_782 = arith.constant 384 : i32
        %dma_wait3A_783 = tpu.memref_slice %arg6[%dma_wait3A_781, %dma_wait3A_782] : memref<2x512xi32, #tpu.memory_space<vmem>> -> memref<1x128xi32, #tpu.memory_space<vmem>>
        %dma_wait3A_784 = tpu.memref_squeeze %dma_wait3A_783 : memref<1x128xi32, #tpu.memory_space<vmem>> -> memref<128xi32, #tpu.memory_space<vmem>>
        %dma_wait3A_785 = arith.constant 0 : i32
        %dma_wait3A_786 = tpu.memref_slice %arg2[%select_n3A_721, %add3A_725, %select_n3A_741, %dma_wait3A_785] : memref<25x128x8x128xi32, #tpu.memory_space<hbm>> -> memref<1x1x1x128xi32, #tpu.memory_space<hbm>>
        %dma_wait3A_787 = tpu.memref_squeeze %dma_wait3A_786 : memref<1x1x1x128xi32, #tpu.memory_space<hbm>> -> memref<128xi32, #tpu.memory_space<hbm>>
        %dma_wait3A_788 = arith.constant 384 : i32
        %dma_wait3A_789 = tpu.memref_slice %arg6[%dma_wait3A_781, %dma_wait3A_788] : memref<2x512xi32, #tpu.memory_space<vmem>> -> memref<1x128xi32, #tpu.memory_space<vmem>>
        %dma_wait3A_790 = tpu.memref_squeeze %dma_wait3A_789 : memref<1x128xi32, #tpu.memory_space<vmem>> -> memref<128xi32, #tpu.memory_space<vmem>>
        %dma_wait3A_791 = arith.constant 0 : i32
        %dma_wait3A_792 = tpu.memref_slice %arg2[%select_n3A_721, %add3A_725, %select_n3A_741, %dma_wait3A_791] : memref<25x128x8x128xi32, #tpu.memory_space<hbm>> -> memref<1x1x1x128xi32, #tpu.memory_space<hbm>>
        %dma_wait3A_793 = tpu.memref_squeeze %dma_wait3A_792 : memref<1x1x1x128xi32, #tpu.memory_space<hbm>> -> memref<128xi32, #tpu.memory_space<hbm>>
        tpu.wait_dma2 semaphore(%arg12 : memref<!tpu.dma_semaphore, #tpu.memory_space<semaphore_mem>>) src(%dma_wait3A_793 : memref<128xi32, #tpu.memory_space<hbm>>) dst(%dma_wait3A_790 : memref<128xi32, #tpu.memory_space<vmem>>)
        %parallel_loop3A_794 = arith.constant 0 : i32
        %parallel_loop3A_795 = arith.constant 32 : i32
        %parallel_loop3A_796 = arith.constant 1 : i32
        scf.for %parallel_loop3A_811 = %parallel_loop3A_794 to %parallel_loop3A_795 step %parallel_loop3A_796  : i32 {
          %parallel_loop3A_812 = arith.constant 16 : i32
          %parallel_loop3A_813 = arith.muli %parallel_loop3A_811, %parallel_loop3A_812 : i32
          %parallel_loop3A_814 = arith.constant 1 : i32
          %parallel_loop3A_815 = arith.index_cast %parallel_loop3A_814 : i32 to index
          %parallel_loop3A_816 = arith.index_cast %parallel_loop3A_813 : i32 to index
          %parallel_loop3A_817 = tpu.vector_load %arg6[%parallel_loop3A_815, %parallel_loop3A_816] {strides = array<i32>} : memref<2x512xi32, #tpu.memory_space<vmem>>, vector<16xi32>,
          %parallel_loop3A_818 = vector.broadcast %mul3A_2 : i32 to vector<16xi32>
          %parallel_loop3A_819 = arith.addi %parallel_loop3A_817, %parallel_loop3A_818 : vector<16xi32>
          %parallel_loop3A_820 = arith.constant 1 : i32
          %parallel_loop3A_821 = arith.index_cast %parallel_loop3A_820 : i32 to index
          %parallel_loop3A_822 = arith.index_cast %parallel_loop3A_813 : i32 to index
          %parallel_loop3A_823 = tpu.vector_load %arg6[%parallel_loop3A_821, %parallel_loop3A_822] {strides = array<i32>} : memref<2x512xi32, #tpu.memory_space<vmem>>, vector<16xi32>,
          tpu.vector_store %arg6[%parallel_loop3A_821, %parallel_loop3A_822], %parallel_loop3A_819 {strides = array<i32>} : memref<2x512xi32, #tpu.memory_space<vmem>>, vector<16xi32>,
        } {sc.loop_unroll_factor = 8 : i64, sc.parallel_access}
        %add3A_797 = arith.constant 1 : i32
        %add3A_798 = arith.addi %add3A_418, %add3A_797 : i32
        %dma_start3A_799 = arith.constant 1 : i32
        %dma_start3A_800 = arith.constant 1 : i32
        %dma_start3A_801 = arith.constant 0 : i32
        %dma_start3A_802 = arith.constant 0 : i32
        %dma_start3A_803 = tpu.memref_slice %arg7[%dma_start3A_800, %dma_start3A_801, %dma_start3A_802] : memref<2x512x16xf32, #tpu.memory_space<vmem>> -> memref<1x512x16xf32, #tpu.memory_space<vmem>>
        %dma_start3A_804 = tpu.memref_squeeze %dma_start3A_803 : memref<1x512x16xf32, #tpu.memory_space<vmem>> -> memref<512x16xf32, #tpu.memory_space<vmem>>
        %dma_start3A_805 = arith.constant 0 : i32
        %dma_start3A_806 = tpu.memref_slice %arg6[%dma_start3A_799, %dma_start3A_805] : memref<2x512xi32, #tpu.memory_space<vmem>> -> memref<1x512xi32, #tpu.memory_space<vmem>>
        %dma_start3A_807 = tpu.memref_squeeze %dma_start3A_806 : memref<1x512xi32, #tpu.memory_space<vmem>> -> memref<512xi32, #tpu.memory_space<vmem>>
        %dma_start3A_808 = arith.constant 0 : i32
        %dma_start3A_809 = arith.constant 0 : i32
        %dma_start3A_810 = tpu.memref_slice %arg5[%dma_start3A_808, %dma_start3A_809] : memref<2097152x16xf32, #tpu.memory_space<hbm>> -> memref<2097152x16xf32, #tpu.memory_space<hbm>>
        tpu.enqueue_indirect_dma source(%dma_start3A_810 : memref<2097152x16xf32, #tpu.memory_space<hbm>>) target(%dma_start3A_804 : memref<512x16xf32, #tpu.memory_space<vmem>>) offsets(%dma_start3A_807 : memref<512xi32, #tpu.memory_space<vmem>>) semaphore(%arg14 : memref<!tpu.dma_semaphore, #tpu.memory_space<semaphore_mem>>)
      } else {
      }
      %dma_wait3A_426 = arith.constant 0 : i32
      %dma_wait3A_427 = arith.constant 0 : i32
      %dma_wait3A_428 = arith.constant 0 : i32
      %dma_wait3A_429 = arith.constant 0 : i32
      %dma_wait3A_430 = tpu.memref_slice %arg7[%dma_wait3A_427, %dma_wait3A_428, %dma_wait3A_429] : memref<2x512x16xf32, #tpu.memory_space<vmem>> -> memref<1x512x16xf32, #tpu.memory_space<vmem>>
      %dma_wait3A_431 = tpu.memref_squeeze %dma_wait3A_430 : memref<1x512x16xf32, #tpu.memory_space<vmem>> -> memref<512x16xf32, #tpu.memory_space<vmem>>
      %dma_wait3A_432 = arith.constant 0 : i32
      %dma_wait3A_433 = tpu.memref_slice %arg6[%dma_wait3A_426, %dma_wait3A_432] : memref<2x512xi32, #tpu.memory_space<vmem>> -> memref<1x512xi32, #tpu.memory_space<vmem>>
      %dma_wait3A_434 = tpu.memref_squeeze %dma_wait3A_433 : memref<1x512xi32, #tpu.memory_space<vmem>> -> memref<512xi32, #tpu.memory_space<vmem>>
      %dma_wait3A_435 = arith.constant 0 : i32
      %dma_wait3A_436 = arith.constant 0 : i32
      %dma_wait3A_437 = tpu.memref_slice %arg5[%dma_wait3A_435, %dma_wait3A_436] : memref<2097152x16xf32, #tpu.memory_space<hbm>> -> memref<2097152x16xf32, #tpu.memory_space<hbm>>
      tpu.wait_indirect_dma semaphore(%arg13 : memref<!tpu.dma_semaphore, #tpu.memory_space<semaphore_mem>>) src(%dma_wait3A_437 : memref<2097152x16xf32, #tpu.memory_space<hbm>>) dst(%dma_wait3A_431 : memref<512x16xf32, #tpu.memory_space<vmem>>)
      %add3A_438 = arith.constant 2 : i32
      %add3A_439 = arith.addi %add3A_418, %add3A_438 : i32
      %lt3A_440 = arith.constant 200 : i32
      %lt3A_441 = arith.cmpi slt, %add3A_439, %lt3A_440 : i32
      %convert_element_type3A_442 = arith.extui %lt3A_441 : i1 to i32
      %cond3A_443 = arith.constant 0 : i32
      %cond3A_444 = arith.cmpi ne, %convert_element_type3A_442, %cond3A_443 : i32
      scf.if %cond3A_444 {
        %add3A_564 = arith.constant 2 : i32
        %add3A_565 = arith.addi %add3A_418, %add3A_564 : i32
        %jit3A_566 = arith.constant 8 : i32
        %div3A_567 = arith.divsi %add3A_565, %jit3A_566 : i32
        %sign3A_568 = arith.constant 0 : i32
        %sign3A_569 = arith.cmpi sgt, %add3A_565, %sign3A_568 : i32
        %sign3A_570 = arith.extui %sign3A_569 : i1 to i32
        %sign3A_571 = arith.constant 0 : i32
        %sign3A_572 = arith.cmpi slt, %add3A_565, %sign3A_571 : i32
        %sign3A_573 = arith.extui %sign3A_572 : i1 to i32
        %sign3A_574 = arith.subi %sign3A_570, %sign3A_573 : i32
        %sign3A_575 = arith.constant 0 : i32
        %sign3A_576 = arith.cmpi sgt, %jit3A_566, %sign3A_575 : i32
        %sign3A_577 = arith.extui %sign3A_576 : i1 to i32
        %sign3A_578 = arith.constant 0 : i32
        %sign3A_579 = arith.cmpi slt, %jit3A_566, %sign3A_578 : i32
        %sign3A_580 = arith.extui %sign3A_579 : i1 to i32
        %sign3A_581 = arith.subi %sign3A_577, %sign3A_580 : i32
        %ne3A_582 = arith.cmpi ne, %sign3A_574, %sign3A_581 : i32
        %rem3A_583 = arith.remsi %add3A_565, %jit3A_566 : i32
        %ne3A_584 = arith.constant 0 : i32
        %ne3A_585 = arith.cmpi ne, %rem3A_583, %ne3A_584 : i32
        %and3A_586 = arith.andi %ne3A_582, %ne3A_585 : i1
        %sub3A_587 = arith.constant 1 : i32
        %sub3A_588 = arith.subi %div3A_567, %sub3A_587 : i32
        %select_n3A_589 = arith.select %and3A_586, %sub3A_588, %div3A_567 : i32
        %mul3A_590 = arith.constant 4 : i32
        %mul3A_591 = arith.muli %mul3A_590, %add3A : i32
        %add3A_592 = arith.constant 0 : i32
        %add3A_593 = arith.addi %mul3A_591, %add3A_592 : i32
        %jit3A_594 = arith.constant 8 : i32
        %eq3A_595 = arith.constant 0 : i32
        %eq3A_596 = arith.cmpi eq, %jit3A_594, %eq3A_595 : i32
        %jit3A_597 = arith.constant 1 : i32
        %select_n3A_598 = arith.select %eq3A_596, %jit3A_597, %jit3A_594 : i32
        %rem3A_599 = arith.remsi %add3A_565, %select_n3A_598 : i32
        %ne3A_600 = arith.constant 0 : i32
        %ne3A_601 = arith.cmpi ne, %rem3A_599, %ne3A_600 : i32
        %lt3A_602 = arith.constant 0 : i32
        %lt3A_603 = arith.cmpi slt, %rem3A_599, %lt3A_602 : i32
        %lt3A_604 = arith.constant 0 : i32
        %lt3A_605 = arith.cmpi slt, %select_n3A_598, %lt3A_604 : i32
        %ne3A_606 = arith.xori %lt3A_603, %lt3A_605 : i1
        %and3A_607 = arith.andi %ne3A_606, %ne3A_601 : i1
        %add3A_608 = arith.addi %rem3A_599, %select_n3A_598 : i32
        %select_n3A_609 = arith.select %and3A_607, %add3A_608, %rem3A_599 : i32
        %jit3A_610 = arith.constant 8 : i32
        %div3A_611 = arith.divsi %add3A_565, %jit3A_610 : i32
        %sign3A_612 = arith.constant 0 : i32
        %sign3A_613 = arith.cmpi sgt, %add3A_565, %sign3A_612 : i32
        %sign3A_614 = arith.extui %sign3A_613 : i1 to i32
        %sign3A_615 = arith.constant 0 : i32
        %sign3A_616 = arith.cmpi slt, %add3A_565, %sign3A_615 : i32
        %sign3A_617 = arith.extui %sign3A_616 : i1 to i32
        %sign3A_618 = arith.subi %sign3A_614, %sign3A_617 : i32
        %sign3A_619 = arith.constant 0 : i32
        %sign3A_620 = arith.cmpi sgt, %jit3A_610, %sign3A_619 : i32
        %sign3A_621 = arith.extui %sign3A_620 : i1 to i32
        %sign3A_622 = arith.constant 0 : i32
        %sign3A_623 = arith.cmpi slt, %jit3A_610, %sign3A_622 : i32
        %sign3A_624 = arith.extui %sign3A_623 : i1 to i32
        %sign3A_625 = arith.subi %sign3A_621, %sign3A_624 : i32
        %ne3A_626 = arith.cmpi ne, %sign3A_618, %sign3A_625 : i32
        %rem3A_627 = arith.remsi %add3A_565, %jit3A_610 : i32
        %ne3A_628 = arith.constant 0 : i32
        %ne3A_629 = arith.cmpi ne, %rem3A_627, %ne3A_628 : i32
        %and3A_630 = arith.andi %ne3A_626, %ne3A_629 : i1
        %sub3A_631 = arith.constant 1 : i32
        %sub3A_632 = arith.subi %div3A_611, %sub3A_631 : i32
        %select_n3A_633 = arith.select %and3A_630, %sub3A_632, %div3A_611 : i32
        %mul3A_634 = arith.constant 4 : i32
        %mul3A_635 = arith.muli %mul3A_634, %add3A : i32
        %add3A_636 = arith.constant 1 : i32
        %add3A_637 = arith.addi %mul3A_635, %add3A_636 : i32
        %jit3A_638 = arith.constant 8 : i32
        %eq3A_639 = arith.constant 0 : i32
        %eq3A_640 = arith.cmpi eq, %jit3A_638, %eq3A_639 : i32
        %jit3A_641 = arith.constant 1 : i32
        %select_n3A_642 = arith.select %eq3A_640, %jit3A_641, %jit3A_638 : i32
        %rem3A_643 = arith.remsi %add3A_565, %select_n3A_642 : i32
        %ne3A_644 = arith.constant 0 : i32
        %ne3A_645 = arith.cmpi ne, %rem3A_643, %ne3A_644 : i32
        %lt3A_646 = arith.constant 0 : i32
        %lt3A_647 = arith.cmpi slt, %rem3A_643, %lt3A_646 : i32
        %lt3A_648 = arith.constant 0 : i32
        %lt3A_649 = arith.cmpi slt, %select_n3A_642, %lt3A_648 : i32
        %ne3A_650 = arith.xori %lt3A_647, %lt3A_649 : i1
        %and3A_651 = arith.andi %ne3A_650, %ne3A_645 : i1
        %add3A_652 = arith.addi %rem3A_643, %select_n3A_642 : i32
        %select_n3A_653 = arith.select %and3A_651, %add3A_652, %rem3A_643 : i32
        %jit3A_654 = arith.constant 8 : i32
        %div3A_655 = arith.divsi %add3A_565, %jit3A_654 : i32
        %sign3A_656 = arith.constant 0 : i32
        %sign3A_657 = arith.cmpi sgt, %add3A_565, %sign3A_656 : i32
        %sign3A_658 = arith.extui %sign3A_657 : i1 to i32
        %sign3A_659 = arith.constant 0 : i32
        %sign3A_660 = arith.cmpi slt, %add3A_565, %sign3A_659 : i32
        %sign3A_661 = arith.extui %sign3A_660 : i1 to i32
        %sign3A_662 = arith.subi %sign3A_658, %sign3A_661 : i32
        %sign3A_663 = arith.constant 0 : i32
        %sign3A_664 = arith.cmpi sgt, %jit3A_654, %sign3A_663 : i32
        %sign3A_665 = arith.extui %sign3A_664 : i1 to i32
        %sign3A_666 = arith.constant 0 : i32
        %sign3A_667 = arith.cmpi slt, %jit3A_654, %sign3A_666 : i32
        %sign3A_668 = arith.extui %sign3A_667 : i1 to i32
        %sign3A_669 = arith.subi %sign3A_665, %sign3A_668 : i32
        %ne3A_670 = arith.cmpi ne, %sign3A_662, %sign3A_669 : i32
        %rem3A_671 = arith.remsi %add3A_565, %jit3A_654 : i32
        %ne3A_672 = arith.constant 0 : i32
        %ne3A_673 = arith.cmpi ne, %rem3A_671, %ne3A_672 : i32
        %and3A_674 = arith.andi %ne3A_670, %ne3A_673 : i1
        %sub3A_675 = arith.constant 1 : i32
        %sub3A_676 = arith.subi %div3A_655, %sub3A_675 : i32
        %select_n3A_677 = arith.select %and3A_674, %sub3A_676, %div3A_655 : i32
        %mul3A_678 = arith.constant 4 : i32
        %mul3A_679 = arith.muli %mul3A_678, %add3A : i32
        %add3A_680 = arith.constant 2 : i32
        %add3A_681 = arith.addi %mul3A_679, %add3A_680 : i32
        %jit3A_682 = arith.constant 8 : i32
        %eq3A_683 = arith.constant 0 : i32
        %eq3A_684 = arith.cmpi eq, %jit3A_682, %eq3A_683 : i32
        %jit3A_685 = arith.constant 1 : i32
        %select_n3A_686 = arith.select %eq3A_684, %jit3A_685, %jit3A_682 : i32
        %rem3A_687 = arith.remsi %add3A_565, %select_n3A_686 : i32
        %ne3A_688 = arith.constant 0 : i32
        %ne3A_689 = arith.cmpi ne, %rem3A_687, %ne3A_688 : i32
        %lt3A_690 = arith.constant 0 : i32
        %lt3A_691 = arith.cmpi slt, %rem3A_687, %lt3A_690 : i32
        %lt3A_692 = arith.constant 0 : i32
        %lt3A_693 = arith.cmpi slt, %select_n3A_686, %lt3A_692 : i32
        %ne3A_694 = arith.xori %lt3A_691, %lt3A_693 : i1
        %and3A_695 = arith.andi %ne3A_694, %ne3A_689 : i1
        %add3A_696 = arith.addi %rem3A_687, %select_n3A_686 : i32
        %select_n3A_697 = arith.select %and3A_695, %add3A_696, %rem3A_687 : i32
        %jit3A_698 = arith.constant 8 : i32
        %div3A_699 = arith.divsi %add3A_565, %jit3A_698 : i32
        %sign3A_700 = arith.constant 0 : i32
        %sign3A_701 = arith.cmpi sgt, %add3A_565, %sign3A_700 : i32
        %sign3A_702 = arith.extui %sign3A_701 : i1 to i32
        %sign3A_703 = arith.constant 0 : i32
        %sign3A_704 = arith.cmpi slt, %add3A_565, %sign3A_703 : i32
        %sign3A_705 = arith.extui %sign3A_704 : i1 to i32
        %sign3A_706 = arith.subi %sign3A_702, %sign3A_705 : i32
        %sign3A_707 = arith.constant 0 : i32
        %sign3A_708 = arith.cmpi sgt, %jit3A_698, %sign3A_707 : i32
        %sign3A_709 = arith.extui %sign3A_708 : i1 to i32
        %sign3A_710 = arith.constant 0 : i32
        %sign3A_711 = arith.cmpi slt, %jit3A_698, %sign3A_710 : i32
        %sign3A_712 = arith.extui %sign3A_711 : i1 to i32
        %sign3A_713 = arith.subi %sign3A_709, %sign3A_712 : i32
        %ne3A_714 = arith.cmpi ne, %sign3A_706, %sign3A_713 : i32
        %rem3A_715 = arith.remsi %add3A_565, %jit3A_698 : i32
        %ne3A_716 = arith.constant 0 : i32
        %ne3A_717 = arith.cmpi ne, %rem3A_715, %ne3A_716 : i32
        %and3A_718 = arith.andi %ne3A_714, %ne3A_717 : i1
        %sub3A_719 = arith.constant 1 : i32
        %sub3A_720 = arith.subi %div3A_699, %sub3A_719 : i32
        %select_n3A_721 = arith.select %and3A_718, %sub3A_720, %div3A_699 : i32
        %mul3A_722 = arith.constant 4 : i32
        %mul3A_723 = arith.muli %mul3A_722, %add3A : i32
        %add3A_724 = arith.constant 3 : i32
        %add3A_725 = arith.addi %mul3A_723, %add3A_724 : i32
        %jit3A_726 = arith.constant 8 : i32
        %eq3A_727 = arith.constant 0 : i32
        %eq3A_728 = arith.cmpi eq, %jit3A_726, %eq3A_727 : i32
        %jit3A_729 = arith.constant 1 : i32
        %select_n3A_730 = arith.select %eq3A_728, %jit3A_729, %jit3A_726 : i32
        %rem3A_731 = arith.remsi %add3A_565, %select_n3A_730 : i32
        %ne3A_732 = arith.constant 0 : i32
        %ne3A_733 = arith.cmpi ne, %rem3A_731, %ne3A_732 : i32
        %lt3A_734 = arith.constant 0 : i32
        %lt3A_735 = arith.cmpi slt, %rem3A_731, %lt3A_734 : i32
        %lt3A_736 = arith.constant 0 : i32
        %lt3A_737 = arith.cmpi slt, %select_n3A_730, %lt3A_736 : i32
        %ne3A_738 = arith.xori %lt3A_735, %lt3A_737 : i1
        %and3A_739 = arith.andi %ne3A_738, %ne3A_733 : i1
        %add3A_740 = arith.addi %rem3A_731, %select_n3A_730 : i32
        %select_n3A_741 = arith.select %and3A_739, %add3A_740, %rem3A_731 : i32
        %dma_start3A_742 = arith.constant 0 : i32
        %dma_start3A_743 = arith.constant 0 : i32
        %dma_start3A_744 = tpu.memref_slice %arg6[%dma_start3A_742, %dma_start3A_743] : memref<2x512xi32, #tpu.memory_space<vmem>> -> memref<1x128xi32, #tpu.memory_space<vmem>>
        %dma_start3A_745 = tpu.memref_squeeze %dma_start3A_744 : memref<1x128xi32, #tpu.memory_space<vmem>> -> memref<128xi32, #tpu.memory_space<vmem>>
        %dma_start3A_746 = arith.constant 0 : i32
        %dma_start3A_747 = tpu.memref_slice %arg2[%select_n3A_589, %add3A_593, %select_n3A_609, %dma_start3A_746] : memref<25x128x8x128xi32, #tpu.memory_space<hbm>> -> memref<1x1x1x128xi32, #tpu.memory_space<hbm>>
        %dma_start3A_748 = tpu.memref_squeeze %dma_start3A_747 : memref<1x1x1x128xi32, #tpu.memory_space<hbm>> -> memref<128xi32, #tpu.memory_space<hbm>>
        %dma_start3A_749 = arith.constant 0 : i32
        %dma_start3A_750 = tpu.memref_slice %arg6[%dma_start3A_742, %dma_start3A_749] : memref<2x512xi32, #tpu.memory_space<vmem>> -> memref<1x128xi32, #tpu.memory_space<vmem>>
        %dma_start3A_751 = tpu.memref_squeeze %dma_start3A_750 : memref<1x128xi32, #tpu.memory_space<vmem>> -> memref<128xi32, #tpu.memory_space<vmem>>
        %dma_start3A_752 = arith.constant 0 : i32
        %dma_start3A_753 = tpu.memref_slice %arg2[%select_n3A_589, %add3A_593, %select_n3A_609, %dma_start3A_752] : memref<25x128x8x128xi32, #tpu.memory_space<hbm>> -> memref<1x1x1x128xi32, #tpu.memory_space<hbm>>
        %dma_start3A_754 = tpu.memref_squeeze %dma_start3A_753 : memref<1x1x1x128xi32, #tpu.memory_space<hbm>> -> memref<128xi32, #tpu.memory_space<hbm>>
        tpu.enqueue_dma source(%dma_start3A_754 : memref<128xi32, #tpu.memory_space<hbm>>) target(%dma_start3A_751 : memref<128xi32, #tpu.memory_space<vmem>>) target_semaphore(%arg11 : memref<!tpu.dma_semaphore, #tpu.memory_space<semaphore_mem>>)
        %dma_start3A_755 = arith.constant 0 : i32
        %dma_start3A_756 = arith.constant 128 : i32
        %dma_start3A_757 = tpu.memref_slice %arg6[%dma_start3A_755, %dma_start3A_756] : memref<2x512xi32, #tpu.memory_space<vmem>> -> memref<1x128xi32, #tpu.memory_space<vmem>>
        %dma_start3A_758 = tpu.memref_squeeze %dma_start3A_757 : memref<1x128xi32, #tpu.memory_space<vmem>> -> memref<128xi32, #tpu.memory_space<vmem>>
        %dma_start3A_759 = arith.constant 0 : i32
        %dma_start3A_760 = tpu.memref_slice %arg2[%select_n3A_633, %add3A_637, %select_n3A_653, %dma_start3A_759] : memref<25x128x8x128xi32, #tpu.memory_space<hbm>> -> memref<1x1x1x128xi32, #tpu.memory_space<hbm>>
        %dma_start3A_761 = tpu.memref_squeeze %dma_start3A_760 : memref<1x1x1x128xi32, #tpu.memory_space<hbm>> -> memref<128xi32, #tpu.memory_space<hbm>>
        %dma_start3A_762 = arith.constant 128 : i32
        %dma_start3A_763 = tpu.memref_slice %arg6[%dma_start3A_755, %dma_start3A_762] : memref<2x512xi32, #tpu.memory_space<vmem>> -> memref<1x128xi32, #tpu.memory_space<vmem>>
        %dma_start3A_764 = tpu.memref_squeeze %dma_start3A_763 : memref<1x128xi32, #tpu.memory_space<vmem>> -> memref<128xi32, #tpu.memory_space<vmem>>
        %dma_start3A_765 = arith.constant 0 : i32
        %dma_start3A_766 = tpu.memref_slice %arg2[%select_n3A_633, %add3A_637, %select_n3A_653, %dma_start3A_765] : memref<25x128x8x128xi32, #tpu.memory_space<hbm>> -> memref<1x1x1x128xi32, #tpu.memory_space<hbm>>
        %dma_start3A_767 = tpu.memref_squeeze %dma_start3A_766 : memref<1x1x1x128xi32, #tpu.memory_space<hbm>> -> memref<128xi32, #tpu.memory_space<hbm>>
        tpu.enqueue_dma source(%dma_start3A_767 : memref<128xi32, #tpu.memory_space<hbm>>) target(%dma_start3A_764 : memref<128xi32, #tpu.memory_space<vmem>>) target_semaphore(%arg11 : memref<!tpu.dma_semaphore, #tpu.memory_space<semaphore_mem>>)
        %dma_start3A_768 = arith.constant 0 : i32
        %dma_start3A_769 = arith.constant 256 : i32
        %dma_start3A_770 = tpu.memref_slice %arg6[%dma_start3A_768, %dma_start3A_769] : memref<2x512xi32, #tpu.memory_space<vmem>> -> memref<1x128xi32, #tpu.memory_space<vmem>>
        %dma_start3A_771 = tpu.memref_squeeze %dma_start3A_770 : memref<1x128xi32, #tpu.memory_space<vmem>> -> memref<128xi32, #tpu.memory_space<vmem>>
        %dma_start3A_772 = arith.constant 0 : i32
        %dma_start3A_773 = tpu.memref_slice %arg2[%select_n3A_677, %add3A_681, %select_n3A_697, %dma_start3A_772] : memref<25x128x8x128xi32, #tpu.memory_space<hbm>> -> memref<1x1x1x128xi32, #tpu.memory_space<hbm>>
        %dma_start3A_774 = tpu.memref_squeeze %dma_start3A_773 : memref<1x1x1x128xi32, #tpu.memory_space<hbm>> -> memref<128xi32, #tpu.memory_space<hbm>>
        %dma_start3A_775 = arith.constant 256 : i32
        %dma_start3A_776 = tpu.memref_slice %arg6[%dma_start3A_768, %dma_start3A_775] : memref<2x512xi32, #tpu.memory_space<vmem>> -> memref<1x128xi32, #tpu.memory_space<vmem>>
        %dma_start3A_777 = tpu.memref_squeeze %dma_start3A_776 : memref<1x128xi32, #tpu.memory_space<vmem>> -> memref<128xi32, #tpu.memory_space<vmem>>
        %dma_start3A_778 = arith.constant 0 : i32
        %dma_start3A_779 = tpu.memref_slice %arg2[%select_n3A_677, %add3A_681, %select_n3A_697, %dma_start3A_778] : memref<25x128x8x128xi32, #tpu.memory_space<hbm>> -> memref<1x1x1x128xi32, #tpu.memory_space<hbm>>
        %dma_start3A_780 = tpu.memref_squeeze %dma_start3A_779 : memref<1x1x1x128xi32, #tpu.memory_space<hbm>> -> memref<128xi32, #tpu.memory_space<hbm>>
        tpu.enqueue_dma source(%dma_start3A_780 : memref<128xi32, #tpu.memory_space<hbm>>) target(%dma_start3A_777 : memref<128xi32, #tpu.memory_space<vmem>>) target_semaphore(%arg11 : memref<!tpu.dma_semaphore, #tpu.memory_space<semaphore_mem>>)
        %dma_start3A_781 = arith.constant 0 : i32
        %dma_start3A_782 = arith.constant 384 : i32
        %dma_start3A_783 = tpu.memref_slice %arg6[%dma_start3A_781, %dma_start3A_782] : memref<2x512xi32, #tpu.memory_space<vmem>> -> memref<1x128xi32, #tpu.memory_space<vmem>>
        %dma_start3A_784 = tpu.memref_squeeze %dma_start3A_783 : memref<1x128xi32, #tpu.memory_space<vmem>> -> memref<128xi32, #tpu.memory_space<vmem>>
        %dma_start3A_785 = arith.constant 0 : i32
        %dma_start3A_786 = tpu.memref_slice %arg2[%select_n3A_721, %add3A_725, %select_n3A_741, %dma_start3A_785] : memref<25x128x8x128xi32, #tpu.memory_space<hbm>> -> memref<1x1x1x128xi32, #tpu.memory_space<hbm>>
        %dma_start3A_787 = tpu.memref_squeeze %dma_start3A_786 : memref<1x1x1x128xi32, #tpu.memory_space<hbm>> -> memref<128xi32, #tpu.memory_space<hbm>>
        %dma_start3A_788 = arith.constant 384 : i32
        %dma_start3A_789 = tpu.memref_slice %arg6[%dma_start3A_781, %dma_start3A_788] : memref<2x512xi32, #tpu.memory_space<vmem>> -> memref<1x128xi32, #tpu.memory_space<vmem>>
        %dma_start3A_790 = tpu.memref_squeeze %dma_start3A_789 : memref<1x128xi32, #tpu.memory_space<vmem>> -> memref<128xi32, #tpu.memory_space<vmem>>
        %dma_start3A_791 = arith.constant 0 : i32
        %dma_start3A_792 = tpu.memref_slice %arg2[%select_n3A_721, %add3A_725, %select_n3A_741, %dma_start3A_791] : memref<25x128x8x128xi32, #tpu.memory_space<hbm>> -> memref<1x1x1x128xi32, #tpu.memory_space<hbm>>
        %dma_start3A_793 = tpu.memref_squeeze %dma_start3A_792 : memref<1x1x1x128xi32, #tpu.memory_space<hbm>> -> memref<128xi32, #tpu.memory_space<hbm>>
        tpu.enqueue_dma source(%dma_start3A_793 : memref<128xi32, #tpu.memory_space<hbm>>) target(%dma_start3A_790 : memref<128xi32, #tpu.memory_space<vmem>>) target_semaphore(%arg11 : memref<!tpu.dma_semaphore, #tpu.memory_space<semaphore_mem>>)
      } else {
      }
      %ge3A = arith.constant 2 : i32
      %ge3A_445 = arith.cmpi sge, %add3A_418, %ge3A : i32
      %convert_element_type3A_446 = arith.extui %ge3A_445 : i1 to i32
      %cond3A_447 = arith.constant 0 : i32
      %cond3A_448 = arith.cmpi ne, %convert_element_type3A_446, %cond3A_447 : i32
      scf.if %cond3A_448 {
        %sub3A_564 = arith.constant 2 : i32
        %sub3A_565 = arith.subi %add3A_418, %sub3A_564 : i32
        %mul3A_566 = arith.constant 32 : i32
        %mul3A_567 = arith.muli %add3A, %mul3A_566 : i32
        %mul3A_568 = arith.constant 32 : i32
        %mul3A_569 = arith.muli %add3A, %mul3A_568 : i32
        %dma_wait3A_570 = arith.constant 0 : i32
        %dma_wait3A_571 = arith.constant 0 : i32
        %dma_wait3A_572 = arith.constant 0 : i32
        %dma_wait3A_573 = arith.constant 0 : i32
        %dma_wait3A_574 = tpu.memref_slice %arg8[%dma_wait3A_570, %dma_wait3A_572, %dma_wait3A_573] : memref<2x64x129xf32, #tpu.memory_space<vmem>> -> memref<1x32x128xf32, #tpu.memory_space<vmem>>
        %dma_wait3A_575 = tpu.memref_squeeze %dma_wait3A_574 : memref<1x32x128xf32, #tpu.memory_space<vmem>> -> memref<32x128xf32, #tpu.memory_space<vmem>>
        %dma_wait3A_576 = arith.constant 0 : i32
        %dma_wait3A_577 = tpu.memref_slice %arg4[%sub3A_565, %dma_wait3A_571, %mul3A_567, %dma_wait3A_576] : memref<200x2x1024x128xf32, #tpu.memory_space<hbm>> -> memref<1x1x32x128xf32, #tpu.memory_space<hbm>>
        %dma_wait3A_578 = tpu.memref_squeeze %dma_wait3A_577 : memref<1x1x32x128xf32, #tpu.memory_space<hbm>> -> memref<32x128xf32, #tpu.memory_space<hbm>>
        %dma_wait3A_579 = arith.constant 0 : i32
        %dma_wait3A_580 = tpu.memref_slice %arg4[%sub3A_565, %dma_wait3A_571, %mul3A_567, %dma_wait3A_579] : memref<200x2x1024x128xf32, #tpu.memory_space<hbm>> -> memref<1x1x32x128xf32, #tpu.memory_space<hbm>>
        %dma_wait3A_581 = tpu.memref_squeeze %dma_wait3A_580 : memref<1x1x32x128xf32, #tpu.memory_space<hbm>> -> memref<32x128xf32, #tpu.memory_space<hbm>>
        %dma_wait3A_582 = arith.constant 0 : i32
        %dma_wait3A_583 = arith.constant 0 : i32
        %dma_wait3A_584 = tpu.memref_slice %arg8[%dma_wait3A_570, %dma_wait3A_582, %dma_wait3A_583] : memref<2x64x129xf32, #tpu.memory_space<vmem>> -> memref<1x32x128xf32, #tpu.memory_space<vmem>>
        %dma_wait3A_585 = tpu.memref_squeeze %dma_wait3A_584 : memref<1x32x128xf32, #tpu.memory_space<vmem>> -> memref<32x128xf32, #tpu.memory_space<vmem>>
        tpu.wait_dma2 semaphore(%arg15 : memref<!tpu.dma_semaphore, #tpu.memory_space<semaphore_mem>>) src(%dma_wait3A_585 : memref<32x128xf32, #tpu.memory_space<vmem>>) dst(%dma_wait3A_581 : memref<32x128xf32, #tpu.memory_space<hbm>>)
        %dma_wait3A_586 = arith.constant 0 : i32
        %dma_wait3A_587 = arith.constant 1 : i32
        %dma_wait3A_588 = arith.constant 32 : i32
        %dma_wait3A_589 = arith.constant 0 : i32
        %dma_wait3A_590 = tpu.memref_slice %arg8[%dma_wait3A_586, %dma_wait3A_588, %dma_wait3A_589] : memref<2x64x129xf32, #tpu.memory_space<vmem>> -> memref<1x32x128xf32, #tpu.memory_space<vmem>>
        %dma_wait3A_591 = tpu.memref_squeeze %dma_wait3A_590 : memref<1x32x128xf32, #tpu.memory_space<vmem>> -> memref<32x128xf32, #tpu.memory_space<vmem>>
        %dma_wait3A_592 = arith.constant 0 : i32
        %dma_wait3A_593 = tpu.memref_slice %arg4[%sub3A_565, %dma_wait3A_587, %mul3A_569, %dma_wait3A_592] : memref<200x2x1024x128xf32, #tpu.memory_space<hbm>> -> memref<1x1x32x128xf32, #tpu.memory_space<hbm>>
        %dma_wait3A_594 = tpu.memref_squeeze %dma_wait3A_593 : memref<1x1x32x128xf32, #tpu.memory_space<hbm>> -> memref<32x128xf32, #tpu.memory_space<hbm>>
        %dma_wait3A_595 = arith.constant 0 : i32
        %dma_wait3A_596 = tpu.memref_slice %arg4[%sub3A_565, %dma_wait3A_587, %mul3A_569, %dma_wait3A_595] : memref<200x2x1024x128xf32, #tpu.memory_space<hbm>> -> memref<1x1x32x128xf32, #tpu.memory_space<hbm>>
        %dma_wait3A_597 = tpu.memref_squeeze %dma_wait3A_596 : memref<1x1x32x128xf32, #tpu.memory_space<hbm>> -> memref<32x128xf32, #tpu.memory_space<hbm>>
        %dma_wait3A_598 = arith.constant 32 : i32
        %dma_wait3A_599 = arith.constant 0 : i32
        %dma_wait3A_600 = tpu.memref_slice %arg8[%dma_wait3A_586, %dma_wait3A_598, %dma_wait3A_599] : memref<2x64x129xf32, #tpu.memory_space<vmem>> -> memref<1x32x128xf32, #tpu.memory_space<vmem>>
        %dma_wait3A_601 = tpu.memref_squeeze %dma_wait3A_600 : memref<1x32x128xf32, #tpu.memory_space<vmem>> -> memref<32x128xf32, #tpu.memory_space<vmem>>
        tpu.wait_dma2 semaphore(%arg15 : memref<!tpu.dma_semaphore, #tpu.memory_space<semaphore_mem>>) src(%dma_wait3A_601 : memref<32x128xf32, #tpu.memory_space<vmem>>) dst(%dma_wait3A_597 : memref<32x128xf32, #tpu.memory_space<hbm>>)
      } else {
      }
      %parallel_loop3A_449 = arith.constant 0 : i32
      %parallel_loop3A_450 = arith.constant 512 : i32
      %parallel_loop3A_451 = arith.constant 1 : i32
      %parallel_loop3A_452 = scf.for %parallel_loop3A_564 = %parallel_loop3A_449 to %parallel_loop3A_450 step %parallel_loop3A_451 iter_args(%parallel_loop3A_565 = %add3A_90) -> (vector<16xi32>)  : i32 {
        %parallel_loop3A_566 = arith.constant 0 : i32
        %parallel_loop3A_567 = arith.index_cast %parallel_loop3A_566 : i32 to index
        %parallel_loop3A_568 = arith.index_cast %parallel_loop3A_564 : i32 to index
        %parallel_loop3A_569 = arith.constant 0 : index
        %parallel_loop3A_570 = tpu.vector_load %arg7[%parallel_loop3A_567, %parallel_loop3A_568, %parallel_loop3A_569] {strides = array<i32>} : memref<2x512x16xf32, #tpu.memory_space<vmem>>, vector<16xf32>,
        %parallel_loop3A_571 = arith.constant 128 : i32
        %parallel_loop3A_572 = arith.divsi %parallel_loop3A_564, %parallel_loop3A_571 : i32
        %parallel_loop3A_573 = arith.constant 0 : i32
        %parallel_loop3A_574 = arith.cmpi sgt, %parallel_loop3A_564, %parallel_loop3A_573 : i32
        %parallel_loop3A_575 = arith.extui %parallel_loop3A_574 : i1 to i32
        %parallel_loop3A_576 = arith.constant 0 : i32
        %parallel_loop3A_577 = arith.cmpi slt, %parallel_loop3A_564, %parallel_loop3A_576 : i32
        %parallel_loop3A_578 = arith.extui %parallel_loop3A_577 : i1 to i32
        %parallel_loop3A_579 = arith.subi %parallel_loop3A_575, %parallel_loop3A_578 : i32
        %parallel_loop3A_580 = arith.constant 0 : i32
        %parallel_loop3A_581 = arith.cmpi sgt, %parallel_loop3A_571, %parallel_loop3A_580 : i32
        %parallel_loop3A_582 = arith.extui %parallel_loop3A_581 : i1 to i32
        %parallel_loop3A_583 = arith.constant 0 : i32
        %parallel_loop3A_584 = arith.cmpi slt, %parallel_loop3A_571, %parallel_loop3A_583 : i32
        %parallel_loop3A_585 = arith.extui %parallel_loop3A_584 : i1 to i32
        %parallel_loop3A_586 = arith.subi %parallel_loop3A_582, %parallel_loop3A_585 : i32
        %parallel_loop3A_587 = arith.cmpi ne, %parallel_loop3A_579, %parallel_loop3A_586 : i32
        %parallel_loop3A_588 = arith.remsi %parallel_loop3A_564, %parallel_loop3A_571 : i32
        %parallel_loop3A_589 = arith.constant 0 : i32
        %parallel_loop3A_590 = arith.cmpi ne, %parallel_loop3A_588, %parallel_loop3A_589 : i32
        %parallel_loop3A_591 = arith.andi %parallel_loop3A_587, %parallel_loop3A_590 : i1
        %parallel_loop3A_592 = arith.constant 1 : i32
        %parallel_loop3A_593 = arith.subi %parallel_loop3A_572, %parallel_loop3A_592 : i32
        %parallel_loop3A_594 = arith.select %parallel_loop3A_591, %parallel_loop3A_593, %parallel_loop3A_572 : i32
        %parallel_loop3A_595 = arith.constant 8 : i32
        %parallel_loop3A_596 = arith.muli %parallel_loop3A_594, %parallel_loop3A_595 : i32
        %parallel_loop3A_597 = vector.broadcast %parallel_loop3A_596 : i32 to vector<16xi32>
        %parallel_loop3A_598 = arith.addi %parallel_loop3A_565, %parallel_loop3A_597 : vector<16xi32>
        %parallel_loop3A_599 = arith.constant 0 : i32
        %parallel_loop3A_600 = vector.broadcast %parallel_loop3A_599 : i32 to vector<16xi32>
        %parallel_loop3A_601 = arith.constant 128 : i32
        %parallel_loop3A_602 = arith.constant 0 : i32
        %parallel_loop3A_603 = arith.cmpi eq, %parallel_loop3A_601, %parallel_loop3A_602 : i32
        %parallel_loop3A_604 = arith.constant 1 : i32
        %parallel_loop3A_605 = arith.select %parallel_loop3A_603, %parallel_loop3A_604, %parallel_loop3A_601 : i32
        %parallel_loop3A_606 = arith.remsi %parallel_loop3A_564, %parallel_loop3A_605 : i32
        %parallel_loop3A_607 = arith.constant 0 : i32
        %parallel_loop3A_608 = arith.cmpi ne, %parallel_loop3A_606, %parallel_loop3A_607 : i32
        %parallel_loop3A_609 = arith.constant 0 : i32
        %parallel_loop3A_610 = arith.cmpi slt, %parallel_loop3A_606, %parallel_loop3A_609 : i32
        %parallel_loop3A_611 = arith.constant 0 : i32
        %parallel_loop3A_612 = arith.cmpi slt, %parallel_loop3A_605, %parallel_loop3A_611 : i32
        %parallel_loop3A_613 = arith.xori %parallel_loop3A_610, %parallel_loop3A_612 : i1
        %parallel_loop3A_614 = arith.andi %parallel_loop3A_613, %parallel_loop3A_608 : i1
        %parallel_loop3A_615 = arith.addi %parallel_loop3A_606, %parallel_loop3A_605 : i32
        %parallel_loop3A_616 = arith.select %parallel_loop3A_614, %parallel_loop3A_615, %parallel_loop3A_606 : i32
        %parallel_loop3A_617 = vector.broadcast %parallel_loop3A_616 : i32 to vector<16xi32>
        %parallel_loop3A_618 = arith.addi %parallel_loop3A_600, %parallel_loop3A_617 : vector<16xi32>
        %parallel_loop3A_619 = arith.constant 0 : i32
        %parallel_loop3A_620 = arith.constant 0 : i32
        %parallel_loop3A_621 = arith.constant 0 : i32
        %parallel_loop3A_622 = tpu.memref_slice %arg8[%parallel_loop3A_619, %parallel_loop3A_620, %parallel_loop3A_621] : memref<2x64x129xf32, #tpu.memory_space<vmem>> -> memref<1x64x129xf32, #tpu.memory_space<vmem>>
        %parallel_loop3A_623 = tpu.memref_squeeze %parallel_loop3A_622 : memref<1x64x129xf32, #tpu.memory_space<vmem>> -> memref<64x129xf32, #tpu.memory_space<vmem>>
        tpu.vector_store_idx %parallel_loop3A_623[%parallel_loop3A_598, %parallel_loop3A_618], %parallel_loop3A_570 : memref<64x129xf32, #tpu.memory_space<vmem>>[vector<16xi32>, vector<16xi32>], vector<16xf32>,
        scf.yield %parallel_loop3A_565 : vector<16xi32>
      } {sc.loop_unroll_factor = 8 : i64, sc.parallel_access}
      %mul3A_453 = arith.constant 32 : i32
      %mul3A_454 = arith.muli %add3A, %mul3A_453 : i32
      %mul3A_455 = arith.constant 32 : i32
      %mul3A_456 = arith.muli %add3A, %mul3A_455 : i32
      %dma_start3A_457 = arith.constant 0 : i32
      %dma_start3A_458 = arith.constant 0 : i32
      %dma_start3A_459 = arith.constant 0 : i32
      %dma_start3A_460 = arith.constant 0 : i32
      %dma_start3A_461 = tpu.memref_slice %arg8[%dma_start3A_457, %dma_start3A_459, %dma_start3A_460] : memref<2x64x129xf32, #tpu.memory_space<vmem>> -> memref<1x32x128xf32, #tpu.memory_space<vmem>>
      %dma_start3A_462 = tpu.memref_squeeze %dma_start3A_461 : memref<1x32x128xf32, #tpu.memory_space<vmem>> -> memref<32x128xf32, #tpu.memory_space<vmem>>
      %dma_start3A_463 = arith.constant 0 : i32
      %dma_start3A_464 = tpu.memref_slice %arg4[%add3A_418, %dma_start3A_458, %mul3A_454, %dma_start3A_463] : memref<200x2x1024x128xf32, #tpu.memory_space<hbm>> -> memref<1x1x32x128xf32, #tpu.memory_space<hbm>>
      %dma_start3A_465 = tpu.memref_squeeze %dma_start3A_464 : memref<1x1x32x128xf32, #tpu.memory_space<hbm>> -> memref<32x128xf32, #tpu.memory_space<hbm>>
      %dma_start3A_466 = arith.constant 0 : i32
      %dma_start3A_467 = tpu.memref_slice %arg4[%add3A_418, %dma_start3A_458, %mul3A_454, %dma_start3A_466] : memref<200x2x1024x128xf32, #tpu.memory_space<hbm>> -> memref<1x1x32x128xf32, #tpu.memory_space<hbm>>
      %dma_start3A_468 = tpu.memref_squeeze %dma_start3A_467 : memref<1x1x32x128xf32, #tpu.memory_space<hbm>> -> memref<32x128xf32, #tpu.memory_space<hbm>>
      %dma_start3A_469 = arith.constant 0 : i32
      %dma_start3A_470 = arith.constant 0 : i32
      %dma_start3A_471 = tpu.memref_slice %arg8[%dma_start3A_457, %dma_start3A_469, %dma_start3A_470] : memref<2x64x129xf32, #tpu.memory_space<vmem>> -> memref<1x32x128xf32, #tpu.memory_space<vmem>>
      %dma_start3A_472 = tpu.memref_squeeze %dma_start3A_471 : memref<1x32x128xf32, #tpu.memory_space<vmem>> -> memref<32x128xf32, #tpu.memory_space<vmem>>
      tpu.enqueue_dma source(%dma_start3A_472 : memref<32x128xf32, #tpu.memory_space<vmem>>) target(%dma_start3A_468 : memref<32x128xf32, #tpu.memory_space<hbm>>) target_semaphore(%arg15 : memref<!tpu.dma_semaphore, #tpu.memory_space<semaphore_mem>>)
      %dma_start3A_473 = arith.constant 0 : i32
      %dma_start3A_474 = arith.constant 1 : i32
      %dma_start3A_475 = arith.constant 32 : i32
      %dma_start3A_476 = arith.constant 0 : i32
      %dma_start3A_477 = tpu.memref_slice %arg8[%dma_start3A_473, %dma_start3A_475, %dma_start3A_476] : memref<2x64x129xf32, #tpu.memory_space<vmem>> -> memref<1x32x128xf32, #tpu.memory_space<vmem>>
      %dma_start3A_478 = tpu.memref_squeeze %dma_start3A_477 : memref<1x32x128xf32, #tpu.memory_space<vmem>> -> memref<32x128xf32, #tpu.memory_space<vmem>>
      %dma_start3A_479 = arith.constant 0 : i32
      %dma_start3A_480 = tpu.memref_slice %arg4[%add3A_418, %dma_start3A_474, %mul3A_456, %dma_start3A_479] : memref<200x2x1024x128xf32, #tpu.memory_space<hbm>> -> memref<1x1x32x128xf32, #tpu.memory_space<hbm>>
      %dma_start3A_481 = tpu.memref_squeeze %dma_start3A_480 : memref<1x1x32x128xf32, #tpu.memory_space<hbm>> -> memref<32x128xf32, #tpu.memory_space<hbm>>
      %dma_start3A_482 = arith.constant 0 : i32
      %dma_start3A_483 = tpu.memref_slice %arg4[%add3A_418, %dma_start3A_474, %mul3A_456, %dma_start3A_482] : memref<200x2x1024x128xf32, #tpu.memory_space<hbm>> -> memref<1x1x32x128xf32, #tpu.memory_space<hbm>>
      %dma_start3A_484 = tpu.memref_squeeze %dma_start3A_483 : memref<1x1x32x128xf32, #tpu.memory_space<hbm>> -> memref<32x128xf32, #tpu.memory_space<hbm>>
      %dma_start3A_485 = arith.constant 32 : i32
      %dma_start3A_486 = arith.constant 0 : i32
      %dma_start3A_487 = tpu.memref_slice %arg8[%dma_start3A_473, %dma_start3A_485, %dma_start3A_486] : memref<2x64x129xf32, #tpu.memory_space<vmem>> -> memref<1x32x128xf32, #tpu.memory_space<vmem>>
      %dma_start3A_488 = tpu.memref_squeeze %dma_start3A_487 : memref<1x32x128xf32, #tpu.memory_space<vmem>> -> memref<32x128xf32, #tpu.memory_space<vmem>>
      tpu.enqueue_dma source(%dma_start3A_488 : memref<32x128xf32, #tpu.memory_space<vmem>>) target(%dma_start3A_484 : memref<32x128xf32, #tpu.memory_space<hbm>>) target_semaphore(%arg15 : memref<!tpu.dma_semaphore, #tpu.memory_space<semaphore_mem>>)
      %mul3A_489 = arith.constant 2 : i32
      %mul3A_490 = arith.muli %mul3A_489, %scan3A_414 : i32
      %add3A_491 = arith.constant 1 : i32
      %add3A_492 = arith.addi %mul3A_490, %add3A_491 : i32
      %add3A_493 = arith.constant 1 : i32
      %add3A_494 = arith.addi %add3A_492, %add3A_493 : i32
      %lt3A_495 = arith.constant 200 : i32
      %lt3A_496 = arith.cmpi slt, %add3A_494, %lt3A_495 : i32
      %convert_element_type3A_497 = arith.extui %lt3A_496 : i1 to i32
      %cond3A_498 = arith.constant 0 : i32
      %cond3A_499 = arith.cmpi ne, %convert_element_type3A_497, %cond3A_498 : i32
      scf.if %cond3A_499 {
        %add3A_564 = arith.constant 1 : i32
        %add3A_565 = arith.addi %add3A_492, %add3A_564 : i32
        %jit3A_566 = arith.constant 8 : i32
        %div3A_567 = arith.divsi %add3A_565, %jit3A_566 : i32
        %sign3A_568 = arith.constant 0 : i32
        %sign3A_569 = arith.cmpi sgt, %add3A_565, %sign3A_568 : i32
        %sign3A_570 = arith.extui %sign3A_569 : i1 to i32
        %sign3A_571 = arith.constant 0 : i32
        %sign3A_572 = arith.cmpi slt, %add3A_565, %sign3A_571 : i32
        %sign3A_573 = arith.extui %sign3A_572 : i1 to i32
        %sign3A_574 = arith.subi %sign3A_570, %sign3A_573 : i32
        %sign3A_575 = arith.constant 0 : i32
        %sign3A_576 = arith.cmpi sgt, %jit3A_566, %sign3A_575 : i32
        %sign3A_577 = arith.extui %sign3A_576 : i1 to i32
        %sign3A_578 = arith.constant 0 : i32
        %sign3A_579 = arith.cmpi slt, %jit3A_566, %sign3A_578 : i32
        %sign3A_580 = arith.extui %sign3A_579 : i1 to i32
        %sign3A_581 = arith.subi %sign3A_577, %sign3A_580 : i32
        %ne3A_582 = arith.cmpi ne, %sign3A_574, %sign3A_581 : i32
        %rem3A_583 = arith.remsi %add3A_565, %jit3A_566 : i32
        %ne3A_584 = arith.constant 0 : i32
        %ne3A_585 = arith.cmpi ne, %rem3A_583, %ne3A_584 : i32
        %and3A_586 = arith.andi %ne3A_582, %ne3A_585 : i1
        %sub3A_587 = arith.constant 1 : i32
        %sub3A_588 = arith.subi %div3A_567, %sub3A_587 : i32
        %select_n3A_589 = arith.select %and3A_586, %sub3A_588, %div3A_567 : i32
        %mul3A_590 = arith.constant 4 : i32
        %mul3A_591 = arith.muli %mul3A_590, %add3A : i32
        %add3A_592 = arith.constant 0 : i32
        %add3A_593 = arith.addi %mul3A_591, %add3A_592 : i32
        %jit3A_594 = arith.constant 8 : i32
        %eq3A_595 = arith.constant 0 : i32
        %eq3A_596 = arith.cmpi eq, %jit3A_594, %eq3A_595 : i32
        %jit3A_597 = arith.constant 1 : i32
        %select_n3A_598 = arith.select %eq3A_596, %jit3A_597, %jit3A_594 : i32
        %rem3A_599 = arith.remsi %add3A_565, %select_n3A_598 : i32
        %ne3A_600 = arith.constant 0 : i32
        %ne3A_601 = arith.cmpi ne, %rem3A_599, %ne3A_600 : i32
        %lt3A_602 = arith.constant 0 : i32
        %lt3A_603 = arith.cmpi slt, %rem3A_599, %lt3A_602 : i32
        %lt3A_604 = arith.constant 0 : i32
        %lt3A_605 = arith.cmpi slt, %select_n3A_598, %lt3A_604 : i32
        %ne3A_606 = arith.xori %lt3A_603, %lt3A_605 : i1
        %and3A_607 = arith.andi %ne3A_606, %ne3A_601 : i1
        %add3A_608 = arith.addi %rem3A_599, %select_n3A_598 : i32
        %select_n3A_609 = arith.select %and3A_607, %add3A_608, %rem3A_599 : i32
        %jit3A_610 = arith.constant 8 : i32
        %div3A_611 = arith.divsi %add3A_565, %jit3A_610 : i32
        %sign3A_612 = arith.constant 0 : i32
        %sign3A_613 = arith.cmpi sgt, %add3A_565, %sign3A_612 : i32
        %sign3A_614 = arith.extui %sign3A_613 : i1 to i32
        %sign3A_615 = arith.constant 0 : i32
        %sign3A_616 = arith.cmpi slt, %add3A_565, %sign3A_615 : i32
        %sign3A_617 = arith.extui %sign3A_616 : i1 to i32
        %sign3A_618 = arith.subi %sign3A_614, %sign3A_617 : i32
        %sign3A_619 = arith.constant 0 : i32
        %sign3A_620 = arith.cmpi sgt, %jit3A_610, %sign3A_619 : i32
        %sign3A_621 = arith.extui %sign3A_620 : i1 to i32
        %sign3A_622 = arith.constant 0 : i32
        %sign3A_623 = arith.cmpi slt, %jit3A_610, %sign3A_622 : i32
        %sign3A_624 = arith.extui %sign3A_623 : i1 to i32
        %sign3A_625 = arith.subi %sign3A_621, %sign3A_624 : i32
        %ne3A_626 = arith.cmpi ne, %sign3A_618, %sign3A_625 : i32
        %rem3A_627 = arith.remsi %add3A_565, %jit3A_610 : i32
        %ne3A_628 = arith.constant 0 : i32
        %ne3A_629 = arith.cmpi ne, %rem3A_627, %ne3A_628 : i32
        %and3A_630 = arith.andi %ne3A_626, %ne3A_629 : i1
        %sub3A_631 = arith.constant 1 : i32
        %sub3A_632 = arith.subi %div3A_611, %sub3A_631 : i32
        %select_n3A_633 = arith.select %and3A_630, %sub3A_632, %div3A_611 : i32
        %mul3A_634 = arith.constant 4 : i32
        %mul3A_635 = arith.muli %mul3A_634, %add3A : i32
        %add3A_636 = arith.constant 1 : i32
        %add3A_637 = arith.addi %mul3A_635, %add3A_636 : i32
        %jit3A_638 = arith.constant 8 : i32
        %eq3A_639 = arith.constant 0 : i32
        %eq3A_640 = arith.cmpi eq, %jit3A_638, %eq3A_639 : i32
        %jit3A_641 = arith.constant 1 : i32
        %select_n3A_642 = arith.select %eq3A_640, %jit3A_641, %jit3A_638 : i32
        %rem3A_643 = arith.remsi %add3A_565, %select_n3A_642 : i32
        %ne3A_644 = arith.constant 0 : i32
        %ne3A_645 = arith.cmpi ne, %rem3A_643, %ne3A_644 : i32
        %lt3A_646 = arith.constant 0 : i32
        %lt3A_647 = arith.cmpi slt, %rem3A_643, %lt3A_646 : i32
        %lt3A_648 = arith.constant 0 : i32
        %lt3A_649 = arith.cmpi slt, %select_n3A_642, %lt3A_648 : i32
        %ne3A_650 = arith.xori %lt3A_647, %lt3A_649 : i1
        %and3A_651 = arith.andi %ne3A_650, %ne3A_645 : i1
        %add3A_652 = arith.addi %rem3A_643, %select_n3A_642 : i32
        %select_n3A_653 = arith.select %and3A_651, %add3A_652, %rem3A_643 : i32
        %jit3A_654 = arith.constant 8 : i32
        %div3A_655 = arith.divsi %add3A_565, %jit3A_654 : i32
        %sign3A_656 = arith.constant 0 : i32
        %sign3A_657 = arith.cmpi sgt, %add3A_565, %sign3A_656 : i32
        %sign3A_658 = arith.extui %sign3A_657 : i1 to i32
        %sign3A_659 = arith.constant 0 : i32
        %sign3A_660 = arith.cmpi slt, %add3A_565, %sign3A_659 : i32
        %sign3A_661 = arith.extui %sign3A_660 : i1 to i32
        %sign3A_662 = arith.subi %sign3A_658, %sign3A_661 : i32
        %sign3A_663 = arith.constant 0 : i32
        %sign3A_664 = arith.cmpi sgt, %jit3A_654, %sign3A_663 : i32
        %sign3A_665 = arith.extui %sign3A_664 : i1 to i32
        %sign3A_666 = arith.constant 0 : i32
        %sign3A_667 = arith.cmpi slt, %jit3A_654, %sign3A_666 : i32
        %sign3A_668 = arith.extui %sign3A_667 : i1 to i32
        %sign3A_669 = arith.subi %sign3A_665, %sign3A_668 : i32
        %ne3A_670 = arith.cmpi ne, %sign3A_662, %sign3A_669 : i32
        %rem3A_671 = arith.remsi %add3A_565, %jit3A_654 : i32
        %ne3A_672 = arith.constant 0 : i32
        %ne3A_673 = arith.cmpi ne, %rem3A_671, %ne3A_672 : i32
        %and3A_674 = arith.andi %ne3A_670, %ne3A_673 : i1
        %sub3A_675 = arith.constant 1 : i32
        %sub3A_676 = arith.subi %div3A_655, %sub3A_675 : i32
        %select_n3A_677 = arith.select %and3A_674, %sub3A_676, %div3A_655 : i32
        %mul3A_678 = arith.constant 4 : i32
        %mul3A_679 = arith.muli %mul3A_678, %add3A : i32
        %add3A_680 = arith.constant 2 : i32
        %add3A_681 = arith.addi %mul3A_679, %add3A_680 : i32
        %jit3A_682 = arith.constant 8 : i32
        %eq3A_683 = arith.constant 0 : i32
        %eq3A_684 = arith.cmpi eq, %jit3A_682, %eq3A_683 : i32
        %jit3A_685 = arith.constant 1 : i32
        %select_n3A_686 = arith.select %eq3A_684, %jit3A_685, %jit3A_682 : i32
        %rem3A_687 = arith.remsi %add3A_565, %select_n3A_686 : i32
        %ne3A_688 = arith.constant 0 : i32
        %ne3A_689 = arith.cmpi ne, %rem3A_687, %ne3A_688 : i32
        %lt3A_690 = arith.constant 0 : i32
        %lt3A_691 = arith.cmpi slt, %rem3A_687, %lt3A_690 : i32
        %lt3A_692 = arith.constant 0 : i32
        %lt3A_693 = arith.cmpi slt, %select_n3A_686, %lt3A_692 : i32
        %ne3A_694 = arith.xori %lt3A_691, %lt3A_693 : i1
        %and3A_695 = arith.andi %ne3A_694, %ne3A_689 : i1
        %add3A_696 = arith.addi %rem3A_687, %select_n3A_686 : i32
        %select_n3A_697 = arith.select %and3A_695, %add3A_696, %rem3A_687 : i32
        %jit3A_698 = arith.constant 8 : i32
        %div3A_699 = arith.divsi %add3A_565, %jit3A_698 : i32
        %sign3A_700 = arith.constant 0 : i32
        %sign3A_701 = arith.cmpi sgt, %add3A_565, %sign3A_700 : i32
        %sign3A_702 = arith.extui %sign3A_701 : i1 to i32
        %sign3A_703 = arith.constant 0 : i32
        %sign3A_704 = arith.cmpi slt, %add3A_565, %sign3A_703 : i32
        %sign3A_705 = arith.extui %sign3A_704 : i1 to i32
        %sign3A_706 = arith.subi %sign3A_702, %sign3A_705 : i32
        %sign3A_707 = arith.constant 0 : i32
        %sign3A_708 = arith.cmpi sgt, %jit3A_698, %sign3A_707 : i32
        %sign3A_709 = arith.extui %sign3A_708 : i1 to i32
        %sign3A_710 = arith.constant 0 : i32
        %sign3A_711 = arith.cmpi slt, %jit3A_698, %sign3A_710 : i32
        %sign3A_712 = arith.extui %sign3A_711 : i1 to i32
        %sign3A_713 = arith.subi %sign3A_709, %sign3A_712 : i32
        %ne3A_714 = arith.cmpi ne, %sign3A_706, %sign3A_713 : i32
        %rem3A_715 = arith.remsi %add3A_565, %jit3A_698 : i32
        %ne3A_716 = arith.constant 0 : i32
        %ne3A_717 = arith.cmpi ne, %rem3A_715, %ne3A_716 : i32
        %and3A_718 = arith.andi %ne3A_714, %ne3A_717 : i1
        %sub3A_719 = arith.constant 1 : i32
        %sub3A_720 = arith.subi %div3A_699, %sub3A_719 : i32
        %select_n3A_721 = arith.select %and3A_718, %sub3A_720, %div3A_699 : i32
        %mul3A_722 = arith.constant 4 : i32
        %mul3A_723 = arith.muli %mul3A_722, %add3A : i32
        %add3A_724 = arith.constant 3 : i32
        %add3A_725 = arith.addi %mul3A_723, %add3A_724 : i32
        %jit3A_726 = arith.constant 8 : i32
        %eq3A_727 = arith.constant 0 : i32
        %eq3A_728 = arith.cmpi eq, %jit3A_726, %eq3A_727 : i32
        %jit3A_729 = arith.constant 1 : i32
        %select_n3A_730 = arith.select %eq3A_728, %jit3A_729, %jit3A_726 : i32
        %rem3A_731 = arith.remsi %add3A_565, %select_n3A_730 : i32
        %ne3A_732 = arith.constant 0 : i32
        %ne3A_733 = arith.cmpi ne, %rem3A_731, %ne3A_732 : i32
        %lt3A_734 = arith.constant 0 : i32
        %lt3A_735 = arith.cmpi slt, %rem3A_731, %lt3A_734 : i32
        %lt3A_736 = arith.constant 0 : i32
        %lt3A_737 = arith.cmpi slt, %select_n3A_730, %lt3A_736 : i32
        %ne3A_738 = arith.xori %lt3A_735, %lt3A_737 : i1
        %and3A_739 = arith.andi %ne3A_738, %ne3A_733 : i1
        %add3A_740 = arith.addi %rem3A_731, %select_n3A_730 : i32
        %select_n3A_741 = arith.select %and3A_739, %add3A_740, %rem3A_731 : i32
        %dma_wait3A_742 = arith.constant 0 : i32
        %dma_wait3A_743 = arith.constant 0 : i32
        %dma_wait3A_744 = tpu.memref_slice %arg6[%dma_wait3A_742, %dma_wait3A_743] : memref<2x512xi32, #tpu.memory_space<vmem>> -> memref<1x128xi32, #tpu.memory_space<vmem>>
        %dma_wait3A_745 = tpu.memref_squeeze %dma_wait3A_744 : memref<1x128xi32, #tpu.memory_space<vmem>> -> memref<128xi32, #tpu.memory_space<vmem>>
        %dma_wait3A_746 = arith.constant 0 : i32
        %dma_wait3A_747 = tpu.memref_slice %arg2[%select_n3A_589, %add3A_593, %select_n3A_609, %dma_wait3A_746] : memref<25x128x8x128xi32, #tpu.memory_space<hbm>> -> memref<1x1x1x128xi32, #tpu.memory_space<hbm>>
        %dma_wait3A_748 = tpu.memref_squeeze %dma_wait3A_747 : memref<1x1x1x128xi32, #tpu.memory_space<hbm>> -> memref<128xi32, #tpu.memory_space<hbm>>
        %dma_wait3A_749 = arith.constant 0 : i32
        %dma_wait3A_750 = tpu.memref_slice %arg6[%dma_wait3A_742, %dma_wait3A_749] : memref<2x512xi32, #tpu.memory_space<vmem>> -> memref<1x128xi32, #tpu.memory_space<vmem>>
        %dma_wait3A_751 = tpu.memref_squeeze %dma_wait3A_750 : memref<1x128xi32, #tpu.memory_space<vmem>> -> memref<128xi32, #tpu.memory_space<vmem>>
        %dma_wait3A_752 = arith.constant 0 : i32
        %dma_wait3A_753 = tpu.memref_slice %arg2[%select_n3A_589, %add3A_593, %select_n3A_609, %dma_wait3A_752] : memref<25x128x8x128xi32, #tpu.memory_space<hbm>> -> memref<1x1x1x128xi32, #tpu.memory_space<hbm>>
        %dma_wait3A_754 = tpu.memref_squeeze %dma_wait3A_753 : memref<1x1x1x128xi32, #tpu.memory_space<hbm>> -> memref<128xi32, #tpu.memory_space<hbm>>
        tpu.wait_dma2 semaphore(%arg11 : memref<!tpu.dma_semaphore, #tpu.memory_space<semaphore_mem>>) src(%dma_wait3A_754 : memref<128xi32, #tpu.memory_space<hbm>>) dst(%dma_wait3A_751 : memref<128xi32, #tpu.memory_space<vmem>>)
        %dma_wait3A_755 = arith.constant 0 : i32
        %dma_wait3A_756 = arith.constant 128 : i32
        %dma_wait3A_757 = tpu.memref_slice %arg6[%dma_wait3A_755, %dma_wait3A_756] : memref<2x512xi32, #tpu.memory_space<vmem>> -> memref<1x128xi32, #tpu.memory_space<vmem>>
        %dma_wait3A_758 = tpu.memref_squeeze %dma_wait3A_757 : memref<1x128xi32, #tpu.memory_space<vmem>> -> memref<128xi32, #tpu.memory_space<vmem>>
        %dma_wait3A_759 = arith.constant 0 : i32
        %dma_wait3A_760 = tpu.memref_slice %arg2[%select_n3A_633, %add3A_637, %select_n3A_653, %dma_wait3A_759] : memref<25x128x8x128xi32, #tpu.memory_space<hbm>> -> memref<1x1x1x128xi32, #tpu.memory_space<hbm>>
        %dma_wait3A_761 = tpu.memref_squeeze %dma_wait3A_760 : memref<1x1x1x128xi32, #tpu.memory_space<hbm>> -> memref<128xi32, #tpu.memory_space<hbm>>
        %dma_wait3A_762 = arith.constant 128 : i32
        %dma_wait3A_763 = tpu.memref_slice %arg6[%dma_wait3A_755, %dma_wait3A_762] : memref<2x512xi32, #tpu.memory_space<vmem>> -> memref<1x128xi32, #tpu.memory_space<vmem>>
        %dma_wait3A_764 = tpu.memref_squeeze %dma_wait3A_763 : memref<1x128xi32, #tpu.memory_space<vmem>> -> memref<128xi32, #tpu.memory_space<vmem>>
        %dma_wait3A_765 = arith.constant 0 : i32
        %dma_wait3A_766 = tpu.memref_slice %arg2[%select_n3A_633, %add3A_637, %select_n3A_653, %dma_wait3A_765] : memref<25x128x8x128xi32, #tpu.memory_space<hbm>> -> memref<1x1x1x128xi32, #tpu.memory_space<hbm>>
        %dma_wait3A_767 = tpu.memref_squeeze %dma_wait3A_766 : memref<1x1x1x128xi32, #tpu.memory_space<hbm>> -> memref<128xi32, #tpu.memory_space<hbm>>
        tpu.wait_dma2 semaphore(%arg11 : memref<!tpu.dma_semaphore, #tpu.memory_space<semaphore_mem>>) src(%dma_wait3A_767 : memref<128xi32, #tpu.memory_space<hbm>>) dst(%dma_wait3A_764 : memref<128xi32, #tpu.memory_space<vmem>>)
        %dma_wait3A_768 = arith.constant 0 : i32
        %dma_wait3A_769 = arith.constant 256 : i32
        %dma_wait3A_770 = tpu.memref_slice %arg6[%dma_wait3A_768, %dma_wait3A_769] : memref<2x512xi32, #tpu.memory_space<vmem>> -> memref<1x128xi32, #tpu.memory_space<vmem>>
        %dma_wait3A_771 = tpu.memref_squeeze %dma_wait3A_770 : memref<1x128xi32, #tpu.memory_space<vmem>> -> memref<128xi32, #tpu.memory_space<vmem>>
        %dma_wait3A_772 = arith.constant 0 : i32
        %dma_wait3A_773 = tpu.memref_slice %arg2[%select_n3A_677, %add3A_681, %select_n3A_697, %dma_wait3A_772] : memref<25x128x8x128xi32, #tpu.memory_space<hbm>> -> memref<1x1x1x128xi32, #tpu.memory_space<hbm>>
        %dma_wait3A_774 = tpu.memref_squeeze %dma_wait3A_773 : memref<1x1x1x128xi32, #tpu.memory_space<hbm>> -> memref<128xi32, #tpu.memory_space<hbm>>
        %dma_wait3A_775 = arith.constant 256 : i32
        %dma_wait3A_776 = tpu.memref_slice %arg6[%dma_wait3A_768, %dma_wait3A_775] : memref<2x512xi32, #tpu.memory_space<vmem>> -> memref<1x128xi32, #tpu.memory_space<vmem>>
        %dma_wait3A_777 = tpu.memref_squeeze %dma_wait3A_776 : memref<1x128xi32, #tpu.memory_space<vmem>> -> memref<128xi32, #tpu.memory_space<vmem>>
        %dma_wait3A_778 = arith.constant 0 : i32
        %dma_wait3A_779 = tpu.memref_slice %arg2[%select_n3A_677, %add3A_681, %select_n3A_697, %dma_wait3A_778] : memref<25x128x8x128xi32, #tpu.memory_space<hbm>> -> memref<1x1x1x128xi32, #tpu.memory_space<hbm>>
        %dma_wait3A_780 = tpu.memref_squeeze %dma_wait3A_779 : memref<1x1x1x128xi32, #tpu.memory_space<hbm>> -> memref<128xi32, #tpu.memory_space<hbm>>
        tpu.wait_dma2 semaphore(%arg11 : memref<!tpu.dma_semaphore, #tpu.memory_space<semaphore_mem>>) src(%dma_wait3A_780 : memref<128xi32, #tpu.memory_space<hbm>>) dst(%dma_wait3A_777 : memref<128xi32, #tpu.memory_space<vmem>>)
        %dma_wait3A_781 = arith.constant 0 : i32
        %dma_wait3A_782 = arith.constant 384 : i32
        %dma_wait3A_783 = tpu.memref_slice %arg6[%dma_wait3A_781, %dma_wait3A_782] : memref<2x512xi32, #tpu.memory_space<vmem>> -> memref<1x128xi32, #tpu.memory_space<vmem>>
        %dma_wait3A_784 = tpu.memref_squeeze %dma_wait3A_783 : memref<1x128xi32, #tpu.memory_space<vmem>> -> memref<128xi32, #tpu.memory_space<vmem>>
        %dma_wait3A_785 = arith.constant 0 : i32
        %dma_wait3A_786 = tpu.memref_slice %arg2[%select_n3A_721, %add3A_725, %select_n3A_741, %dma_wait3A_785] : memref<25x128x8x128xi32, #tpu.memory_space<hbm>> -> memref<1x1x1x128xi32, #tpu.memory_space<hbm>>
        %dma_wait3A_787 = tpu.memref_squeeze %dma_wait3A_786 : memref<1x1x1x128xi32, #tpu.memory_space<hbm>> -> memref<128xi32, #tpu.memory_space<hbm>>
        %dma_wait3A_788 = arith.constant 384 : i32
        %dma_wait3A_789 = tpu.memref_slice %arg6[%dma_wait3A_781, %dma_wait3A_788] : memref<2x512xi32, #tpu.memory_space<vmem>> -> memref<1x128xi32, #tpu.memory_space<vmem>>
        %dma_wait3A_790 = tpu.memref_squeeze %dma_wait3A_789 : memref<1x128xi32, #tpu.memory_space<vmem>> -> memref<128xi32, #tpu.memory_space<vmem>>
        %dma_wait3A_791 = arith.constant 0 : i32
        %dma_wait3A_792 = tpu.memref_slice %arg2[%select_n3A_721, %add3A_725, %select_n3A_741, %dma_wait3A_791] : memref<25x128x8x128xi32, #tpu.memory_space<hbm>> -> memref<1x1x1x128xi32, #tpu.memory_space<hbm>>
        %dma_wait3A_793 = tpu.memref_squeeze %dma_wait3A_792 : memref<1x1x1x128xi32, #tpu.memory_space<hbm>> -> memref<128xi32, #tpu.memory_space<hbm>>
        tpu.wait_dma2 semaphore(%arg11 : memref<!tpu.dma_semaphore, #tpu.memory_space<semaphore_mem>>) src(%dma_wait3A_793 : memref<128xi32, #tpu.memory_space<hbm>>) dst(%dma_wait3A_790 : memref<128xi32, #tpu.memory_space<vmem>>)
        %parallel_loop3A_794 = arith.constant 0 : i32
        %parallel_loop3A_795 = arith.constant 32 : i32
        %parallel_loop3A_796 = arith.constant 1 : i32
        scf.for %parallel_loop3A_811 = %parallel_loop3A_794 to %parallel_loop3A_795 step %parallel_loop3A_796  : i32 {
          %parallel_loop3A_812 = arith.constant 16 : i32
          %parallel_loop3A_813 = arith.muli %parallel_loop3A_811, %parallel_loop3A_812 : i32
          %parallel_loop3A_814 = arith.constant 0 : i32
          %parallel_loop3A_815 = arith.index_cast %parallel_loop3A_814 : i32 to index
          %parallel_loop3A_816 = arith.index_cast %parallel_loop3A_813 : i32 to index
          %parallel_loop3A_817 = tpu.vector_load %arg6[%parallel_loop3A_815, %parallel_loop3A_816] {strides = array<i32>} : memref<2x512xi32, #tpu.memory_space<vmem>>, vector<16xi32>,
          %parallel_loop3A_818 = vector.broadcast %mul3A_2 : i32 to vector<16xi32>
          %parallel_loop3A_819 = arith.addi %parallel_loop3A_817, %parallel_loop3A_818 : vector<16xi32>
          %parallel_loop3A_820 = arith.constant 0 : i32
          %parallel_loop3A_821 = arith.index_cast %parallel_loop3A_820 : i32 to index
          %parallel_loop3A_822 = arith.index_cast %parallel_loop3A_813 : i32 to index
          %parallel_loop3A_823 = tpu.vector_load %arg6[%parallel_loop3A_821, %parallel_loop3A_822] {strides = array<i32>} : memref<2x512xi32, #tpu.memory_space<vmem>>, vector<16xi32>,
          tpu.vector_store %arg6[%parallel_loop3A_821, %parallel_loop3A_822], %parallel_loop3A_819 {strides = array<i32>} : memref<2x512xi32, #tpu.memory_space<vmem>>, vector<16xi32>,
        } {sc.loop_unroll_factor = 8 : i64, sc.parallel_access}
        %add3A_797 = arith.constant 1 : i32
        %add3A_798 = arith.addi %add3A_492, %add3A_797 : i32
        %dma_start3A_799 = arith.constant 0 : i32
        %dma_start3A_800 = arith.constant 0 : i32
        %dma_start3A_801 = arith.constant 0 : i32
        %dma_start3A_802 = arith.constant 0 : i32
        %dma_start3A_803 = tpu.memref_slice %arg7[%dma_start3A_800, %dma_start3A_801, %dma_start3A_802] : memref<2x512x16xf32, #tpu.memory_space<vmem>> -> memref<1x512x16xf32, #tpu.memory_space<vmem>>
        %dma_start3A_804 = tpu.memref_squeeze %dma_start3A_803 : memref<1x512x16xf32, #tpu.memory_space<vmem>> -> memref<512x16xf32, #tpu.memory_space<vmem>>
        %dma_start3A_805 = arith.constant 0 : i32
        %dma_start3A_806 = tpu.memref_slice %arg6[%dma_start3A_799, %dma_start3A_805] : memref<2x512xi32, #tpu.memory_space<vmem>> -> memref<1x512xi32, #tpu.memory_space<vmem>>
        %dma_start3A_807 = tpu.memref_squeeze %dma_start3A_806 : memref<1x512xi32, #tpu.memory_space<vmem>> -> memref<512xi32, #tpu.memory_space<vmem>>
        %dma_start3A_808 = arith.constant 0 : i32
        %dma_start3A_809 = arith.constant 0 : i32
        %dma_start3A_810 = tpu.memref_slice %arg5[%dma_start3A_808, %dma_start3A_809] : memref<2097152x16xf32, #tpu.memory_space<hbm>> -> memref<2097152x16xf32, #tpu.memory_space<hbm>>
        tpu.enqueue_indirect_dma source(%dma_start3A_810 : memref<2097152x16xf32, #tpu.memory_space<hbm>>) target(%dma_start3A_804 : memref<512x16xf32, #tpu.memory_space<vmem>>) offsets(%dma_start3A_807 : memref<512xi32, #tpu.memory_space<vmem>>) semaphore(%arg13 : memref<!tpu.dma_semaphore, #tpu.memory_space<semaphore_mem>>)
      } else {
      }
      %dma_wait3A_500 = arith.constant 1 : i32
      %dma_wait3A_501 = arith.constant 1 : i32
      %dma_wait3A_502 = arith.constant 0 : i32
      %dma_wait3A_503 = arith.constant 0 : i32
      %dma_wait3A_504 = tpu.memref_slice %arg7[%dma_wait3A_501, %dma_wait3A_502, %dma_wait3A_503] : memref<2x512x16xf32, #tpu.memory_space<vmem>> -> memref<1x512x16xf32, #tpu.memory_space<vmem>>
      %dma_wait3A_505 = tpu.memref_squeeze %dma_wait3A_504 : memref<1x512x16xf32, #tpu.memory_space<vmem>> -> memref<512x16xf32, #tpu.memory_space<vmem>>
      %dma_wait3A_506 = arith.constant 0 : i32
      %dma_wait3A_507 = tpu.memref_slice %arg6[%dma_wait3A_500, %dma_wait3A_506] : memref<2x512xi32, #tpu.memory_space<vmem>> -> memref<1x512xi32, #tpu.memory_space<vmem>>
      %dma_wait3A_508 = tpu.memref_squeeze %dma_wait3A_507 : memref<1x512xi32, #tpu.memory_space<vmem>> -> memref<512xi32, #tpu.memory_space<vmem>>
      %dma_wait3A_509 = arith.constant 0 : i32
      %dma_wait3A_510 = arith.constant 0 : i32
      %dma_wait3A_511 = tpu.memref_slice %arg5[%dma_wait3A_509, %dma_wait3A_510] : memref<2097152x16xf32, #tpu.memory_space<hbm>> -> memref<2097152x16xf32, #tpu.memory_space<hbm>>
      tpu.wait_indirect_dma semaphore(%arg14 : memref<!tpu.dma_semaphore, #tpu.memory_space<semaphore_mem>>) src(%dma_wait3A_511 : memref<2097152x16xf32, #tpu.memory_space<hbm>>) dst(%dma_wait3A_505 : memref<512x16xf32, #tpu.memory_space<vmem>>)
      %add3A_512 = arith.constant 2 : i32
      %add3A_513 = arith.addi %add3A_492, %add3A_512 : i32
      %lt3A_514 = arith.constant 200 : i32
      %lt3A_515 = arith.cmpi slt, %add3A_513, %lt3A_514 : i32
      %convert_element_type3A_516 = arith.extui %lt3A_515 : i1 to i32
      %cond3A_517 = arith.constant 0 : i32
      %cond3A_518 = arith.cmpi ne, %convert_element_type3A_516, %cond3A_517 : i32
      scf.if %cond3A_518 {
        %add3A_564 = arith.constant 2 : i32
        %add3A_565 = arith.addi %add3A_492, %add3A_564 : i32
        %jit3A_566 = arith.constant 8 : i32
        %div3A_567 = arith.divsi %add3A_565, %jit3A_566 : i32
        %sign3A_568 = arith.constant 0 : i32
        %sign3A_569 = arith.cmpi sgt, %add3A_565, %sign3A_568 : i32
        %sign3A_570 = arith.extui %sign3A_569 : i1 to i32
        %sign3A_571 = arith.constant 0 : i32
        %sign3A_572 = arith.cmpi slt, %add3A_565, %sign3A_571 : i32
        %sign3A_573 = arith.extui %sign3A_572 : i1 to i32
        %sign3A_574 = arith.subi %sign3A_570, %sign3A_573 : i32
        %sign3A_575 = arith.constant 0 : i32
        %sign3A_576 = arith.cmpi sgt, %jit3A_566, %sign3A_575 : i32
        %sign3A_577 = arith.extui %sign3A_576 : i1 to i32
        %sign3A_578 = arith.constant 0 : i32
        %sign3A_579 = arith.cmpi slt, %jit3A_566, %sign3A_578 : i32
        %sign3A_580 = arith.extui %sign3A_579 : i1 to i32
        %sign3A_581 = arith.subi %sign3A_577, %sign3A_580 : i32
        %ne3A_582 = arith.cmpi ne, %sign3A_574, %sign3A_581 : i32
        %rem3A_583 = arith.remsi %add3A_565, %jit3A_566 : i32
        %ne3A_584 = arith.constant 0 : i32
        %ne3A_585 = arith.cmpi ne, %rem3A_583, %ne3A_584 : i32
        %and3A_586 = arith.andi %ne3A_582, %ne3A_585 : i1
        %sub3A_587 = arith.constant 1 : i32
        %sub3A_588 = arith.subi %div3A_567, %sub3A_587 : i32
        %select_n3A_589 = arith.select %and3A_586, %sub3A_588, %div3A_567 : i32
        %mul3A_590 = arith.constant 4 : i32
        %mul3A_591 = arith.muli %mul3A_590, %add3A : i32
        %add3A_592 = arith.constant 0 : i32
        %add3A_593 = arith.addi %mul3A_591, %add3A_592 : i32
        %jit3A_594 = arith.constant 8 : i32
        %eq3A_595 = arith.constant 0 : i32
        %eq3A_596 = arith.cmpi eq, %jit3A_594, %eq3A_595 : i32
        %jit3A_597 = arith.constant 1 : i32
        %select_n3A_598 = arith.select %eq3A_596, %jit3A_597, %jit3A_594 : i32
        %rem3A_599 = arith.remsi %add3A_565, %select_n3A_598 : i32
        %ne3A_600 = arith.constant 0 : i32
        %ne3A_601 = arith.cmpi ne, %rem3A_599, %ne3A_600 : i32
        %lt3A_602 = arith.constant 0 : i32
        %lt3A_603 = arith.cmpi slt, %rem3A_599, %lt3A_602 : i32
        %lt3A_604 = arith.constant 0 : i32
        %lt3A_605 = arith.cmpi slt, %select_n3A_598, %lt3A_604 : i32
        %ne3A_606 = arith.xori %lt3A_603, %lt3A_605 : i1
        %and3A_607 = arith.andi %ne3A_606, %ne3A_601 : i1
        %add3A_608 = arith.addi %rem3A_599, %select_n3A_598 : i32
        %select_n3A_609 = arith.select %and3A_607, %add3A_608, %rem3A_599 : i32
        %jit3A_610 = arith.constant 8 : i32
        %div3A_611 = arith.divsi %add3A_565, %jit3A_610 : i32
        %sign3A_612 = arith.constant 0 : i32
        %sign3A_613 = arith.cmpi sgt, %add3A_565, %sign3A_612 : i32
        %sign3A_614 = arith.extui %sign3A_613 : i1 to i32
        %sign3A_615 = arith.constant 0 : i32
        %sign3A_616 = arith.cmpi slt, %add3A_565, %sign3A_615 : i32
        %sign3A_617 = arith.extui %sign3A_616 : i1 to i32
        %sign3A_618 = arith.subi %sign3A_614, %sign3A_617 : i32
        %sign3A_619 = arith.constant 0 : i32
        %sign3A_620 = arith.cmpi sgt, %jit3A_610, %sign3A_619 : i32
        %sign3A_621 = arith.extui %sign3A_620 : i1 to i32
        %sign3A_622 = arith.constant 0 : i32
        %sign3A_623 = arith.cmpi slt, %jit3A_610, %sign3A_622 : i32
        %sign3A_624 = arith.extui %sign3A_623 : i1 to i32
        %sign3A_625 = arith.subi %sign3A_621, %sign3A_624 : i32
        %ne3A_626 = arith.cmpi ne, %sign3A_618, %sign3A_625 : i32
        %rem3A_627 = arith.remsi %add3A_565, %jit3A_610 : i32
        %ne3A_628 = arith.constant 0 : i32
        %ne3A_629 = arith.cmpi ne, %rem3A_627, %ne3A_628 : i32
        %and3A_630 = arith.andi %ne3A_626, %ne3A_629 : i1
        %sub3A_631 = arith.constant 1 : i32
        %sub3A_632 = arith.subi %div3A_611, %sub3A_631 : i32
        %select_n3A_633 = arith.select %and3A_630, %sub3A_632, %div3A_611 : i32
        %mul3A_634 = arith.constant 4 : i32
        %mul3A_635 = arith.muli %mul3A_634, %add3A : i32
        %add3A_636 = arith.constant 1 : i32
        %add3A_637 = arith.addi %mul3A_635, %add3A_636 : i32
        %jit3A_638 = arith.constant 8 : i32
        %eq3A_639 = arith.constant 0 : i32
        %eq3A_640 = arith.cmpi eq, %jit3A_638, %eq3A_639 : i32
        %jit3A_641 = arith.constant 1 : i32
        %select_n3A_642 = arith.select %eq3A_640, %jit3A_641, %jit3A_638 : i32
        %rem3A_643 = arith.remsi %add3A_565, %select_n3A_642 : i32
        %ne3A_644 = arith.constant 0 : i32
        %ne3A_645 = arith.cmpi ne, %rem3A_643, %ne3A_644 : i32
        %lt3A_646 = arith.constant 0 : i32
        %lt3A_647 = arith.cmpi slt, %rem3A_643, %lt3A_646 : i32
        %lt3A_648 = arith.constant 0 : i32
        %lt3A_649 = arith.cmpi slt, %select_n3A_642, %lt3A_648 : i32
        %ne3A_650 = arith.xori %lt3A_647, %lt3A_649 : i1
        %and3A_651 = arith.andi %ne3A_650, %ne3A_645 : i1
        %add3A_652 = arith.addi %rem3A_643, %select_n3A_642 : i32
        %select_n3A_653 = arith.select %and3A_651, %add3A_652, %rem3A_643 : i32
        %jit3A_654 = arith.constant 8 : i32
        %div3A_655 = arith.divsi %add3A_565, %jit3A_654 : i32
        %sign3A_656 = arith.constant 0 : i32
        %sign3A_657 = arith.cmpi sgt, %add3A_565, %sign3A_656 : i32
        %sign3A_658 = arith.extui %sign3A_657 : i1 to i32
        %sign3A_659 = arith.constant 0 : i32
        %sign3A_660 = arith.cmpi slt, %add3A_565, %sign3A_659 : i32
        %sign3A_661 = arith.extui %sign3A_660 : i1 to i32
        %sign3A_662 = arith.subi %sign3A_658, %sign3A_661 : i32
        %sign3A_663 = arith.constant 0 : i32
        %sign3A_664 = arith.cmpi sgt, %jit3A_654, %sign3A_663 : i32
        %sign3A_665 = arith.extui %sign3A_664 : i1 to i32
        %sign3A_666 = arith.constant 0 : i32
        %sign3A_667 = arith.cmpi slt, %jit3A_654, %sign3A_666 : i32
        %sign3A_668 = arith.extui %sign3A_667 : i1 to i32
        %sign3A_669 = arith.subi %sign3A_665, %sign3A_668 : i32
        %ne3A_670 = arith.cmpi ne, %sign3A_662, %sign3A_669 : i32
        %rem3A_671 = arith.remsi %add3A_565, %jit3A_654 : i32
        %ne3A_672 = arith.constant 0 : i32
        %ne3A_673 = arith.cmpi ne, %rem3A_671, %ne3A_672 : i32
        %and3A_674 = arith.andi %ne3A_670, %ne3A_673 : i1
        %sub3A_675 = arith.constant 1 : i32
        %sub3A_676 = arith.subi %div3A_655, %sub3A_675 : i32
        %select_n3A_677 = arith.select %and3A_674, %sub3A_676, %div3A_655 : i32
        %mul3A_678 = arith.constant 4 : i32
        %mul3A_679 = arith.muli %mul3A_678, %add3A : i32
        %add3A_680 = arith.constant 2 : i32
        %add3A_681 = arith.addi %mul3A_679, %add3A_680 : i32
        %jit3A_682 = arith.constant 8 : i32
        %eq3A_683 = arith.constant 0 : i32
        %eq3A_684 = arith.cmpi eq, %jit3A_682, %eq3A_683 : i32
        %jit3A_685 = arith.constant 1 : i32
        %select_n3A_686 = arith.select %eq3A_684, %jit3A_685, %jit3A_682 : i32
        %rem3A_687 = arith.remsi %add3A_565, %select_n3A_686 : i32
        %ne3A_688 = arith.constant 0 : i32
        %ne3A_689 = arith.cmpi ne, %rem3A_687, %ne3A_688 : i32
        %lt3A_690 = arith.constant 0 : i32
        %lt3A_691 = arith.cmpi slt, %rem3A_687, %lt3A_690 : i32
        %lt3A_692 = arith.constant 0 : i32
        %lt3A_693 = arith.cmpi slt, %select_n3A_686, %lt3A_692 : i32
        %ne3A_694 = arith.xori %lt3A_691, %lt3A_693 : i1
        %and3A_695 = arith.andi %ne3A_694, %ne3A_689 : i1
        %add3A_696 = arith.addi %rem3A_687, %select_n3A_686 : i32
        %select_n3A_697 = arith.select %and3A_695, %add3A_696, %rem3A_687 : i32
        %jit3A_698 = arith.constant 8 : i32
        %div3A_699 = arith.divsi %add3A_565, %jit3A_698 : i32
        %sign3A_700 = arith.constant 0 : i32
        %sign3A_701 = arith.cmpi sgt, %add3A_565, %sign3A_700 : i32
        %sign3A_702 = arith.extui %sign3A_701 : i1 to i32
        %sign3A_703 = arith.constant 0 : i32
        %sign3A_704 = arith.cmpi slt, %add3A_565, %sign3A_703 : i32
        %sign3A_705 = arith.extui %sign3A_704 : i1 to i32
        %sign3A_706 = arith.subi %sign3A_702, %sign3A_705 : i32
        %sign3A_707 = arith.constant 0 : i32
        %sign3A_708 = arith.cmpi sgt, %jit3A_698, %sign3A_707 : i32
        %sign3A_709 = arith.extui %sign3A_708 : i1 to i32
        %sign3A_710 = arith.constant 0 : i32
        %sign3A_711 = arith.cmpi slt, %jit3A_698, %sign3A_710 : i32
        %sign3A_712 = arith.extui %sign3A_711 : i1 to i32
        %sign3A_713 = arith.subi %sign3A_709, %sign3A_712 : i32
        %ne3A_714 = arith.cmpi ne, %sign3A_706, %sign3A_713 : i32
        %rem3A_715 = arith.remsi %add3A_565, %jit3A_698 : i32
        %ne3A_716 = arith.constant 0 : i32
        %ne3A_717 = arith.cmpi ne, %rem3A_715, %ne3A_716 : i32
        %and3A_718 = arith.andi %ne3A_714, %ne3A_717 : i1
        %sub3A_719 = arith.constant 1 : i32
        %sub3A_720 = arith.subi %div3A_699, %sub3A_719 : i32
        %select_n3A_721 = arith.select %and3A_718, %sub3A_720, %div3A_699 : i32
        %mul3A_722 = arith.constant 4 : i32
        %mul3A_723 = arith.muli %mul3A_722, %add3A : i32
        %add3A_724 = arith.constant 3 : i32
        %add3A_725 = arith.addi %mul3A_723, %add3A_724 : i32
        %jit3A_726 = arith.constant 8 : i32
        %eq3A_727 = arith.constant 0 : i32
        %eq3A_728 = arith.cmpi eq, %jit3A_726, %eq3A_727 : i32
        %jit3A_729 = arith.constant 1 : i32
        %select_n3A_730 = arith.select %eq3A_728, %jit3A_729, %jit3A_726 : i32
        %rem3A_731 = arith.remsi %add3A_565, %select_n3A_730 : i32
        %ne3A_732 = arith.constant 0 : i32
        %ne3A_733 = arith.cmpi ne, %rem3A_731, %ne3A_732 : i32
        %lt3A_734 = arith.constant 0 : i32
        %lt3A_735 = arith.cmpi slt, %rem3A_731, %lt3A_734 : i32
        %lt3A_736 = arith.constant 0 : i32
        %lt3A_737 = arith.cmpi slt, %select_n3A_730, %lt3A_736 : i32
        %ne3A_738 = arith.xori %lt3A_735, %lt3A_737 : i1
        %and3A_739 = arith.andi %ne3A_738, %ne3A_733 : i1
        %add3A_740 = arith.addi %rem3A_731, %select_n3A_730 : i32
        %select_n3A_741 = arith.select %and3A_739, %add3A_740, %rem3A_731 : i32
        %dma_start3A_742 = arith.constant 1 : i32
        %dma_start3A_743 = arith.constant 0 : i32
        %dma_start3A_744 = tpu.memref_slice %arg6[%dma_start3A_742, %dma_start3A_743] : memref<2x512xi32, #tpu.memory_space<vmem>> -> memref<1x128xi32, #tpu.memory_space<vmem>>
        %dma_start3A_745 = tpu.memref_squeeze %dma_start3A_744 : memref<1x128xi32, #tpu.memory_space<vmem>> -> memref<128xi32, #tpu.memory_space<vmem>>
        %dma_start3A_746 = arith.constant 0 : i32
        %dma_start3A_747 = tpu.memref_slice %arg2[%select_n3A_589, %add3A_593, %select_n3A_609, %dma_start3A_746] : memref<25x128x8x128xi32, #tpu.memory_space<hbm>> -> memref<1x1x1x128xi32, #tpu.memory_space<hbm>>
        %dma_start3A_748 = tpu.memref_squeeze %dma_start3A_747 : memref<1x1x1x128xi32, #tpu.memory_space<hbm>> -> memref<128xi32, #tpu.memory_space<hbm>>
        %dma_start3A_749 = arith.constant 0 : i32
        %dma_start3A_750 = tpu.memref_slice %arg6[%dma_start3A_742, %dma_start3A_749] : memref<2x512xi32, #tpu.memory_space<vmem>> -> memref<1x128xi32, #tpu.memory_space<vmem>>
        %dma_start3A_751 = tpu.memref_squeeze %dma_start3A_750 : memref<1x128xi32, #tpu.memory_space<vmem>> -> memref<128xi32, #tpu.memory_space<vmem>>
        %dma_start3A_752 = arith.constant 0 : i32
        %dma_start3A_753 = tpu.memref_slice %arg2[%select_n3A_589, %add3A_593, %select_n3A_609, %dma_start3A_752] : memref<25x128x8x128xi32, #tpu.memory_space<hbm>> -> memref<1x1x1x128xi32, #tpu.memory_space<hbm>>
        %dma_start3A_754 = tpu.memref_squeeze %dma_start3A_753 : memref<1x1x1x128xi32, #tpu.memory_space<hbm>> -> memref<128xi32, #tpu.memory_space<hbm>>
        tpu.enqueue_dma source(%dma_start3A_754 : memref<128xi32, #tpu.memory_space<hbm>>) target(%dma_start3A_751 : memref<128xi32, #tpu.memory_space<vmem>>) target_semaphore(%arg12 : memref<!tpu.dma_semaphore, #tpu.memory_space<semaphore_mem>>)
        %dma_start3A_755 = arith.constant 1 : i32
        %dma_start3A_756 = arith.constant 128 : i32
        %dma_start3A_757 = tpu.memref_slice %arg6[%dma_start3A_755, %dma_start3A_756] : memref<2x512xi32, #tpu.memory_space<vmem>> -> memref<1x128xi32, #tpu.memory_space<vmem>>
        %dma_start3A_758 = tpu.memref_squeeze %dma_start3A_757 : memref<1x128xi32, #tpu.memory_space<vmem>> -> memref<128xi32, #tpu.memory_space<vmem>>
        %dma_start3A_759 = arith.constant 0 : i32
        %dma_start3A_760 = tpu.memref_slice %arg2[%select_n3A_633, %add3A_637, %select_n3A_653, %dma_start3A_759] : memref<25x128x8x128xi32, #tpu.memory_space<hbm>> -> memref<1x1x1x128xi32, #tpu.memory_space<hbm>>
        %dma_start3A_761 = tpu.memref_squeeze %dma_start3A_760 : memref<1x1x1x128xi32, #tpu.memory_space<hbm>> -> memref<128xi32, #tpu.memory_space<hbm>>
        %dma_start3A_762 = arith.constant 128 : i32
        %dma_start3A_763 = tpu.memref_slice %arg6[%dma_start3A_755, %dma_start3A_762] : memref<2x512xi32, #tpu.memory_space<vmem>> -> memref<1x128xi32, #tpu.memory_space<vmem>>
        %dma_start3A_764 = tpu.memref_squeeze %dma_start3A_763 : memref<1x128xi32, #tpu.memory_space<vmem>> -> memref<128xi32, #tpu.memory_space<vmem>>
        %dma_start3A_765 = arith.constant 0 : i32
        %dma_start3A_766 = tpu.memref_slice %arg2[%select_n3A_633, %add3A_637, %select_n3A_653, %dma_start3A_765] : memref<25x128x8x128xi32, #tpu.memory_space<hbm>> -> memref<1x1x1x128xi32, #tpu.memory_space<hbm>>
        %dma_start3A_767 = tpu.memref_squeeze %dma_start3A_766 : memref<1x1x1x128xi32, #tpu.memory_space<hbm>> -> memref<128xi32, #tpu.memory_space<hbm>>
        tpu.enqueue_dma source(%dma_start3A_767 : memref<128xi32, #tpu.memory_space<hbm>>) target(%dma_start3A_764 : memref<128xi32, #tpu.memory_space<vmem>>) target_semaphore(%arg12 : memref<!tpu.dma_semaphore, #tpu.memory_space<semaphore_mem>>)
        %dma_start3A_768 = arith.constant 1 : i32
        %dma_start3A_769 = arith.constant 256 : i32
        %dma_start3A_770 = tpu.memref_slice %arg6[%dma_start3A_768, %dma_start3A_769] : memref<2x512xi32, #tpu.memory_space<vmem>> -> memref<1x128xi32, #tpu.memory_space<vmem>>
        %dma_start3A_771 = tpu.memref_squeeze %dma_start3A_770 : memref<1x128xi32, #tpu.memory_space<vmem>> -> memref<128xi32, #tpu.memory_space<vmem>>
        %dma_start3A_772 = arith.constant 0 : i32
        %dma_start3A_773 = tpu.memref_slice %arg2[%select_n3A_677, %add3A_681, %select_n3A_697, %dma_start3A_772] : memref<25x128x8x128xi32, #tpu.memory_space<hbm>> -> memref<1x1x1x128xi32, #tpu.memory_space<hbm>>
        %dma_start3A_774 = tpu.memref_squeeze %dma_start3A_773 : memref<1x1x1x128xi32, #tpu.memory_space<hbm>> -> memref<128xi32, #tpu.memory_space<hbm>>
        %dma_start3A_775 = arith.constant 256 : i32
        %dma_start3A_776 = tpu.memref_slice %arg6[%dma_start3A_768, %dma_start3A_775] : memref<2x512xi32, #tpu.memory_space<vmem>> -> memref<1x128xi32, #tpu.memory_space<vmem>>
        %dma_start3A_777 = tpu.memref_squeeze %dma_start3A_776 : memref<1x128xi32, #tpu.memory_space<vmem>> -> memref<128xi32, #tpu.memory_space<vmem>>
        %dma_start3A_778 = arith.constant 0 : i32
        %dma_start3A_779 = tpu.memref_slice %arg2[%select_n3A_677, %add3A_681, %select_n3A_697, %dma_start3A_778] : memref<25x128x8x128xi32, #tpu.memory_space<hbm>> -> memref<1x1x1x128xi32, #tpu.memory_space<hbm>>
        %dma_start3A_780 = tpu.memref_squeeze %dma_start3A_779 : memref<1x1x1x128xi32, #tpu.memory_space<hbm>> -> memref<128xi32, #tpu.memory_space<hbm>>
        tpu.enqueue_dma source(%dma_start3A_780 : memref<128xi32, #tpu.memory_space<hbm>>) target(%dma_start3A_777 : memref<128xi32, #tpu.memory_space<vmem>>) target_semaphore(%arg12 : memref<!tpu.dma_semaphore, #tpu.memory_space<semaphore_mem>>)
        %dma_start3A_781 = arith.constant 1 : i32
        %dma_start3A_782 = arith.constant 384 : i32
        %dma_start3A_783 = tpu.memref_slice %arg6[%dma_start3A_781, %dma_start3A_782] : memref<2x512xi32, #tpu.memory_space<vmem>> -> memref<1x128xi32, #tpu.memory_space<vmem>>
        %dma_start3A_784 = tpu.memref_squeeze %dma_start3A_783 : memref<1x128xi32, #tpu.memory_space<vmem>> -> memref<128xi32, #tpu.memory_space<vmem>>
        %dma_start3A_785 = arith.constant 0 : i32
        %dma_start3A_786 = tpu.memref_slice %arg2[%select_n3A_721, %add3A_725, %select_n3A_741, %dma_start3A_785] : memref<25x128x8x128xi32, #tpu.memory_space<hbm>> -> memref<1x1x1x128xi32, #tpu.memory_space<hbm>>
        %dma_start3A_787 = tpu.memref_squeeze %dma_start3A_786 : memref<1x1x1x128xi32, #tpu.memory_space<hbm>> -> memref<128xi32, #tpu.memory_space<hbm>>
        %dma_start3A_788 = arith.constant 384 : i32
        %dma_start3A_789 = tpu.memref_slice %arg6[%dma_start3A_781, %dma_start3A_788] : memref<2x512xi32, #tpu.memory_space<vmem>> -> memref<1x128xi32, #tpu.memory_space<vmem>>
        %dma_start3A_790 = tpu.memref_squeeze %dma_start3A_789 : memref<1x128xi32, #tpu.memory_space<vmem>> -> memref<128xi32, #tpu.memory_space<vmem>>
        %dma_start3A_791 = arith.constant 0 : i32
        %dma_start3A_792 = tpu.memref_slice %arg2[%select_n3A_721, %add3A_725, %select_n3A_741, %dma_start3A_791] : memref<25x128x8x128xi32, #tpu.memory_space<hbm>> -> memref<1x1x1x128xi32, #tpu.memory_space<hbm>>
        %dma_start3A_793 = tpu.memref_squeeze %dma_start3A_792 : memref<1x1x1x128xi32, #tpu.memory_space<hbm>> -> memref<128xi32, #tpu.memory_space<hbm>>
        tpu.enqueue_dma source(%dma_start3A_793 : memref<128xi32, #tpu.memory_space<hbm>>) target(%dma_start3A_790 : memref<128xi32, #tpu.memory_space<vmem>>) target_semaphore(%arg12 : memref<!tpu.dma_semaphore, #tpu.memory_space<semaphore_mem>>)
      } else {
      }
      %ge3A_519 = arith.constant 2 : i32
      %ge3A_520 = arith.cmpi sge, %add3A_492, %ge3A_519 : i32
      %convert_element_type3A_521 = arith.extui %ge3A_520 : i1 to i32
      %cond3A_522 = arith.constant 0 : i32
      %cond3A_523 = arith.cmpi ne, %convert_element_type3A_521, %cond3A_522 : i32
      scf.if %cond3A_523 {
        %sub3A_564 = arith.constant 2 : i32
        %sub3A_565 = arith.subi %add3A_492, %sub3A_564 : i32
        %mul3A_566 = arith.constant 32 : i32
        %mul3A_567 = arith.muli %add3A, %mul3A_566 : i32
        %mul3A_568 = arith.constant 32 : i32
        %mul3A_569 = arith.muli %add3A, %mul3A_568 : i32
        %dma_wait3A_570 = arith.constant 1 : i32
        %dma_wait3A_571 = arith.constant 0 : i32
        %dma_wait3A_572 = arith.constant 0 : i32
        %dma_wait3A_573 = arith.constant 0 : i32
        %dma_wait3A_574 = tpu.memref_slice %arg8[%dma_wait3A_570, %dma_wait3A_572, %dma_wait3A_573] : memref<2x64x129xf32, #tpu.memory_space<vmem>> -> memref<1x32x128xf32, #tpu.memory_space<vmem>>
        %dma_wait3A_575 = tpu.memref_squeeze %dma_wait3A_574 : memref<1x32x128xf32, #tpu.memory_space<vmem>> -> memref<32x128xf32, #tpu.memory_space<vmem>>
        %dma_wait3A_576 = arith.constant 0 : i32
        %dma_wait3A_577 = tpu.memref_slice %arg4[%sub3A_565, %dma_wait3A_571, %mul3A_567, %dma_wait3A_576] : memref<200x2x1024x128xf32, #tpu.memory_space<hbm>> -> memref<1x1x32x128xf32, #tpu.memory_space<hbm>>
        %dma_wait3A_578 = tpu.memref_squeeze %dma_wait3A_577 : memref<1x1x32x128xf32, #tpu.memory_space<hbm>> -> memref<32x128xf32, #tpu.memory_space<hbm>>
        %dma_wait3A_579 = arith.constant 0 : i32
        %dma_wait3A_580 = tpu.memref_slice %arg4[%sub3A_565, %dma_wait3A_571, %mul3A_567, %dma_wait3A_579] : memref<200x2x1024x128xf32, #tpu.memory_space<hbm>> -> memref<1x1x32x128xf32, #tpu.memory_space<hbm>>
        %dma_wait3A_581 = tpu.memref_squeeze %dma_wait3A_580 : memref<1x1x32x128xf32, #tpu.memory_space<hbm>> -> memref<32x128xf32, #tpu.memory_space<hbm>>
        %dma_wait3A_582 = arith.constant 0 : i32
        %dma_wait3A_583 = arith.constant 0 : i32
        %dma_wait3A_584 = tpu.memref_slice %arg8[%dma_wait3A_570, %dma_wait3A_582, %dma_wait3A_583] : memref<2x64x129xf32, #tpu.memory_space<vmem>> -> memref<1x32x128xf32, #tpu.memory_space<vmem>>
        %dma_wait3A_585 = tpu.memref_squeeze %dma_wait3A_584 : memref<1x32x128xf32, #tpu.memory_space<vmem>> -> memref<32x128xf32, #tpu.memory_space<vmem>>
        tpu.wait_dma2 semaphore(%arg16 : memref<!tpu.dma_semaphore, #tpu.memory_space<semaphore_mem>>) src(%dma_wait3A_585 : memref<32x128xf32, #tpu.memory_space<vmem>>) dst(%dma_wait3A_581 : memref<32x128xf32, #tpu.memory_space<hbm>>)
        %dma_wait3A_586 = arith.constant 1 : i32
        %dma_wait3A_587 = arith.constant 1 : i32
        %dma_wait3A_588 = arith.constant 32 : i32
        %dma_wait3A_589 = arith.constant 0 : i32
        %dma_wait3A_590 = tpu.memref_slice %arg8[%dma_wait3A_586, %dma_wait3A_588, %dma_wait3A_589] : memref<2x64x129xf32, #tpu.memory_space<vmem>> -> memref<1x32x128xf32, #tpu.memory_space<vmem>>
        %dma_wait3A_591 = tpu.memref_squeeze %dma_wait3A_590 : memref<1x32x128xf32, #tpu.memory_space<vmem>> -> memref<32x128xf32, #tpu.memory_space<vmem>>
        %dma_wait3A_592 = arith.constant 0 : i32
        %dma_wait3A_593 = tpu.memref_slice %arg4[%sub3A_565, %dma_wait3A_587, %mul3A_569, %dma_wait3A_592] : memref<200x2x1024x128xf32, #tpu.memory_space<hbm>> -> memref<1x1x32x128xf32, #tpu.memory_space<hbm>>
        %dma_wait3A_594 = tpu.memref_squeeze %dma_wait3A_593 : memref<1x1x32x128xf32, #tpu.memory_space<hbm>> -> memref<32x128xf32, #tpu.memory_space<hbm>>
        %dma_wait3A_595 = arith.constant 0 : i32
        %dma_wait3A_596 = tpu.memref_slice %arg4[%sub3A_565, %dma_wait3A_587, %mul3A_569, %dma_wait3A_595] : memref<200x2x1024x128xf32, #tpu.memory_space<hbm>> -> memref<1x1x32x128xf32, #tpu.memory_space<hbm>>
        %dma_wait3A_597 = tpu.memref_squeeze %dma_wait3A_596 : memref<1x1x32x128xf32, #tpu.memory_space<hbm>> -> memref<32x128xf32, #tpu.memory_space<hbm>>
        %dma_wait3A_598 = arith.constant 32 : i32
        %dma_wait3A_599 = arith.constant 0 : i32
        %dma_wait3A_600 = tpu.memref_slice %arg8[%dma_wait3A_586, %dma_wait3A_598, %dma_wait3A_599] : memref<2x64x129xf32, #tpu.memory_space<vmem>> -> memref<1x32x128xf32, #tpu.memory_space<vmem>>
        %dma_wait3A_601 = tpu.memref_squeeze %dma_wait3A_600 : memref<1x32x128xf32, #tpu.memory_space<vmem>> -> memref<32x128xf32, #tpu.memory_space<vmem>>
        tpu.wait_dma2 semaphore(%arg16 : memref<!tpu.dma_semaphore, #tpu.memory_space<semaphore_mem>>) src(%dma_wait3A_601 : memref<32x128xf32, #tpu.memory_space<vmem>>) dst(%dma_wait3A_597 : memref<32x128xf32, #tpu.memory_space<hbm>>)
      } else {
      }
      %parallel_loop3A_524 = arith.constant 0 : i32
      %parallel_loop3A_525 = arith.constant 512 : i32
      %parallel_loop3A_526 = arith.constant 1 : i32
      %parallel_loop3A_527 = scf.for %parallel_loop3A_564 = %parallel_loop3A_524 to %parallel_loop3A_525 step %parallel_loop3A_526 iter_args(%parallel_loop3A_565 = %add3A_90) -> (vector<16xi32>)  : i32 {
        %parallel_loop3A_566 = arith.constant 1 : i32
        %parallel_loop3A_567 = arith.index_cast %parallel_loop3A_566 : i32 to index
        %parallel_loop3A_568 = arith.index_cast %parallel_loop3A_564 : i32 to index
        %parallel_loop3A_569 = arith.constant 0 : index
        %parallel_loop3A_570 = tpu.vector_load %arg7[%parallel_loop3A_567, %parallel_loop3A_568, %parallel_loop3A_569] {strides = array<i32>} : memref<2x512x16xf32, #tpu.memory_space<vmem>>, vector<16xf32>,
        %parallel_loop3A_571 = arith.constant 128 : i32
        %parallel_loop3A_572 = arith.divsi %parallel_loop3A_564, %parallel_loop3A_571 : i32
        %parallel_loop3A_573 = arith.constant 0 : i32
        %parallel_loop3A_574 = arith.cmpi sgt, %parallel_loop3A_564, %parallel_loop3A_573 : i32
        %parallel_loop3A_575 = arith.extui %parallel_loop3A_574 : i1 to i32
        %parallel_loop3A_576 = arith.constant 0 : i32
        %parallel_loop3A_577 = arith.cmpi slt, %parallel_loop3A_564, %parallel_loop3A_576 : i32
        %parallel_loop3A_578 = arith.extui %parallel_loop3A_577 : i1 to i32
        %parallel_loop3A_579 = arith.subi %parallel_loop3A_575, %parallel_loop3A_578 : i32
        %parallel_loop3A_580 = arith.constant 0 : i32
        %parallel_loop3A_581 = arith.cmpi sgt, %parallel_loop3A_571, %parallel_loop3A_580 : i32
        %parallel_loop3A_582 = arith.extui %parallel_loop3A_581 : i1 to i32
        %parallel_loop3A_583 = arith.constant 0 : i32
        %parallel_loop3A_584 = arith.cmpi slt, %parallel_loop3A_571, %parallel_loop3A_583 : i32
        %parallel_loop3A_585 = arith.extui %parallel_loop3A_584 : i1 to i32
        %parallel_loop3A_586 = arith.subi %parallel_loop3A_582, %parallel_loop3A_585 : i32
        %parallel_loop3A_587 = arith.cmpi ne, %parallel_loop3A_579, %parallel_loop3A_586 : i32
        %parallel_loop3A_588 = arith.remsi %parallel_loop3A_564, %parallel_loop3A_571 : i32
        %parallel_loop3A_589 = arith.constant 0 : i32
        %parallel_loop3A_590 = arith.cmpi ne, %parallel_loop3A_588, %parallel_loop3A_589 : i32
        %parallel_loop3A_591 = arith.andi %parallel_loop3A_587, %parallel_loop3A_590 : i1
        %parallel_loop3A_592 = arith.constant 1 : i32
        %parallel_loop3A_593 = arith.subi %parallel_loop3A_572, %parallel_loop3A_592 : i32
        %parallel_loop3A_594 = arith.select %parallel_loop3A_591, %parallel_loop3A_593, %parallel_loop3A_572 : i32
        %parallel_loop3A_595 = arith.constant 8 : i32
        %parallel_loop3A_596 = arith.muli %parallel_loop3A_594, %parallel_loop3A_595 : i32
        %parallel_loop3A_597 = vector.broadcast %parallel_loop3A_596 : i32 to vector<16xi32>
        %parallel_loop3A_598 = arith.addi %parallel_loop3A_565, %parallel_loop3A_597 : vector<16xi32>
        %parallel_loop3A_599 = arith.constant 0 : i32
        %parallel_loop3A_600 = vector.broadcast %parallel_loop3A_599 : i32 to vector<16xi32>
        %parallel_loop3A_601 = arith.constant 128 : i32
        %parallel_loop3A_602 = arith.constant 0 : i32
        %parallel_loop3A_603 = arith.cmpi eq, %parallel_loop3A_601, %parallel_loop3A_602 : i32
        %parallel_loop3A_604 = arith.constant 1 : i32
        %parallel_loop3A_605 = arith.select %parallel_loop3A_603, %parallel_loop3A_604, %parallel_loop3A_601 : i32
        %parallel_loop3A_606 = arith.remsi %parallel_loop3A_564, %parallel_loop3A_605 : i32
        %parallel_loop3A_607 = arith.constant 0 : i32
        %parallel_loop3A_608 = arith.cmpi ne, %parallel_loop3A_606, %parallel_loop3A_607 : i32
        %parallel_loop3A_609 = arith.constant 0 : i32
        %parallel_loop3A_610 = arith.cmpi slt, %parallel_loop3A_606, %parallel_loop3A_609 : i32
        %parallel_loop3A_611 = arith.constant 0 : i32
        %parallel_loop3A_612 = arith.cmpi slt, %parallel_loop3A_605, %parallel_loop3A_611 : i32
        %parallel_loop3A_613 = arith.xori %parallel_loop3A_610, %parallel_loop3A_612 : i1
        %parallel_loop3A_614 = arith.andi %parallel_loop3A_613, %parallel_loop3A_608 : i1
        %parallel_loop3A_615 = arith.addi %parallel_loop3A_606, %parallel_loop3A_605 : i32
        %parallel_loop3A_616 = arith.select %parallel_loop3A_614, %parallel_loop3A_615, %parallel_loop3A_606 : i32
        %parallel_loop3A_617 = vector.broadcast %parallel_loop3A_616 : i32 to vector<16xi32>
        %parallel_loop3A_618 = arith.addi %parallel_loop3A_600, %parallel_loop3A_617 : vector<16xi32>
        %parallel_loop3A_619 = arith.constant 1 : i32
        %parallel_loop3A_620 = arith.constant 0 : i32
        %parallel_loop3A_621 = arith.constant 0 : i32
        %parallel_loop3A_622 = tpu.memref_slice %arg8[%parallel_loop3A_619, %parallel_loop3A_620, %parallel_loop3A_621] : memref<2x64x129xf32, #tpu.memory_space<vmem>> -> memref<1x64x129xf32, #tpu.memory_space<vmem>>
        %parallel_loop3A_623 = tpu.memref_squeeze %parallel_loop3A_622 : memref<1x64x129xf32, #tpu.memory_space<vmem>> -> memref<64x129xf32, #tpu.memory_space<vmem>>
        tpu.vector_store_idx %parallel_loop3A_623[%parallel_loop3A_598, %parallel_loop3A_618], %parallel_loop3A_570 : memref<64x129xf32, #tpu.memory_space<vmem>>[vector<16xi32>, vector<16xi32>], vector<16xf32>,
        scf.yield %parallel_loop3A_565 : vector<16xi32>
      } {sc.loop_unroll_factor = 8 : i64, sc.parallel_access}
      %mul3A_528 = arith.constant 32 : i32
      %mul3A_529 = arith.muli %add3A, %mul3A_528 : i32
      %mul3A_530 = arith.constant 32 : i32
      %mul3A_531 = arith.muli %add3A, %mul3A_530 : i32
      %dma_start3A_532 = arith.constant 1 : i32
      %dma_start3A_533 = arith.constant 0 : i32
      %dma_start3A_534 = arith.constant 0 : i32
      %dma_start3A_535 = arith.constant 0 : i32
      %dma_start3A_536 = tpu.memref_slice %arg8[%dma_start3A_532, %dma_start3A_534, %dma_start3A_535] : memref<2x64x129xf32, #tpu.memory_space<vmem>> -> memref<1x32x128xf32, #tpu.memory_space<vmem>>
      %dma_start3A_537 = tpu.memref_squeeze %dma_start3A_536 : memref<1x32x128xf32, #tpu.memory_space<vmem>> -> memref<32x128xf32, #tpu.memory_space<vmem>>
      %dma_start3A_538 = arith.constant 0 : i32
      %dma_start3A_539 = tpu.memref_slice %arg4[%add3A_492, %dma_start3A_533, %mul3A_529, %dma_start3A_538] : memref<200x2x1024x128xf32, #tpu.memory_space<hbm>> -> memref<1x1x32x128xf32, #tpu.memory_space<hbm>>
      %dma_start3A_540 = tpu.memref_squeeze %dma_start3A_539 : memref<1x1x32x128xf32, #tpu.memory_space<hbm>> -> memref<32x128xf32, #tpu.memory_space<hbm>>
      %dma_start3A_541 = arith.constant 0 : i32
      %dma_start3A_542 = tpu.memref_slice %arg4[%add3A_492, %dma_start3A_533, %mul3A_529, %dma_start3A_541] : memref<200x2x1024x128xf32, #tpu.memory_space<hbm>> -> memref<1x1x32x128xf32, #tpu.memory_space<hbm>>
      %dma_start3A_543 = tpu.memref_squeeze %dma_start3A_542 : memref<1x1x32x128xf32, #tpu.memory_space<hbm>> -> memref<32x128xf32, #tpu.memory_space<hbm>>
      %dma_start3A_544 = arith.constant 0 : i32
      %dma_start3A_545 = arith.constant 0 : i32
      %dma_start3A_546 = tpu.memref_slice %arg8[%dma_start3A_532, %dma_start3A_544, %dma_start3A_545] : memref<2x64x129xf32, #tpu.memory_space<vmem>> -> memref<1x32x128xf32, #tpu.memory_space<vmem>>
      %dma_start3A_547 = tpu.memref_squeeze %dma_start3A_546 : memref<1x32x128xf32, #tpu.memory_space<vmem>> -> memref<32x128xf32, #tpu.memory_space<vmem>>
      tpu.enqueue_dma source(%dma_start3A_547 : memref<32x128xf32, #tpu.memory_space<vmem>>) target(%dma_start3A_543 : memref<32x128xf32, #tpu.memory_space<hbm>>) target_semaphore(%arg16 : memref<!tpu.dma_semaphore, #tpu.memory_space<semaphore_mem>>)
      %dma_start3A_548 = arith.constant 1 : i32
      %dma_start3A_549 = arith.constant 1 : i32
      %dma_start3A_550 = arith.constant 32 : i32
      %dma_start3A_551 = arith.constant 0 : i32
      %dma_start3A_552 = tpu.memref_slice %arg8[%dma_start3A_548, %dma_start3A_550, %dma_start3A_551] : memref<2x64x129xf32, #tpu.memory_space<vmem>> -> memref<1x32x128xf32, #tpu.memory_space<vmem>>
      %dma_start3A_553 = tpu.memref_squeeze %dma_start3A_552 : memref<1x32x128xf32, #tpu.memory_space<vmem>> -> memref<32x128xf32, #tpu.memory_space<vmem>>
      %dma_start3A_554 = arith.constant 0 : i32
      %dma_start3A_555 = tpu.memref_slice %arg4[%add3A_492, %dma_start3A_549, %mul3A_531, %dma_start3A_554] : memref<200x2x1024x128xf32, #tpu.memory_space<hbm>> -> memref<1x1x32x128xf32, #tpu.memory_space<hbm>>
      %dma_start3A_556 = tpu.memref_squeeze %dma_start3A_555 : memref<1x1x32x128xf32, #tpu.memory_space<hbm>> -> memref<32x128xf32, #tpu.memory_space<hbm>>
      %dma_start3A_557 = arith.constant 0 : i32
      %dma_start3A_558 = tpu.memref_slice %arg4[%add3A_492, %dma_start3A_549, %mul3A_531, %dma_start3A_557] : memref<200x2x1024x128xf32, #tpu.memory_space<hbm>> -> memref<1x1x32x128xf32, #tpu.memory_space<hbm>>
      %dma_start3A_559 = tpu.memref_squeeze %dma_start3A_558 : memref<1x1x32x128xf32, #tpu.memory_space<hbm>> -> memref<32x128xf32, #tpu.memory_space<hbm>>
      %dma_start3A_560 = arith.constant 32 : i32
      %dma_start3A_561 = arith.constant 0 : i32
      %dma_start3A_562 = tpu.memref_slice %arg8[%dma_start3A_548, %dma_start3A_560, %dma_start3A_561] : memref<2x64x129xf32, #tpu.memory_space<vmem>> -> memref<1x32x128xf32, #tpu.memory_space<vmem>>
      %dma_start3A_563 = tpu.memref_squeeze %dma_start3A_562 : memref<1x32x128xf32, #tpu.memory_space<vmem>> -> memref<32x128xf32, #tpu.memory_space<vmem>>
      tpu.enqueue_dma source(%dma_start3A_563 : memref<32x128xf32, #tpu.memory_space<vmem>>) target(%dma_start3A_559 : memref<32x128xf32, #tpu.memory_space<hbm>>) target_semaphore(%arg16 : memref<!tpu.dma_semaphore, #tpu.memory_space<semaphore_mem>>)
    }
    %scan3A_337 = arith.constant 100 : i32
    %mul3A_338 = arith.constant 32 : i32
    %mul3A_339 = arith.muli %add3A, %mul3A_338 : i32
    %mul3A_340 = arith.constant 32 : i32
    %mul3A_341 = arith.muli %add3A, %mul3A_340 : i32
    %dma_wait3A_342 = arith.constant 0 : i32
    %dma_wait3A_343 = arith.constant 198 : i32
    %dma_wait3A_344 = arith.constant 0 : i32
    %dma_wait3A_345 = arith.constant 0 : i32
    %dma_wait3A_346 = arith.constant 0 : i32
    %dma_wait3A_347 = tpu.memref_slice %arg8[%dma_wait3A_342, %dma_wait3A_345, %dma_wait3A_346] : memref<2x64x129xf32, #tpu.memory_space<vmem>> -> memref<1x32x128xf32, #tpu.memory_space<vmem>>
    %dma_wait3A_348 = tpu.memref_squeeze %dma_wait3A_347 : memref<1x32x128xf32, #tpu.memory_space<vmem>> -> memref<32x128xf32, #tpu.memory_space<vmem>>
    %dma_wait3A_349 = arith.constant 0 : i32
    %dma_wait3A_350 = tpu.memref_slice %arg4[%dma_wait3A_343, %dma_wait3A_344, %mul3A_339, %dma_wait3A_349] : memref<200x2x1024x128xf32, #tpu.memory_space<hbm>> -> memref<1x1x32x128xf32, #tpu.memory_space<hbm>>
    %dma_wait3A_351 = tpu.memref_squeeze %dma_wait3A_350 : memref<1x1x32x128xf32, #tpu.memory_space<hbm>> -> memref<32x128xf32, #tpu.memory_space<hbm>>
    %dma_wait3A_352 = arith.constant 0 : i32
    %dma_wait3A_353 = tpu.memref_slice %arg4[%dma_wait3A_343, %dma_wait3A_344, %mul3A_339, %dma_wait3A_352] : memref<200x2x1024x128xf32, #tpu.memory_space<hbm>> -> memref<1x1x32x128xf32, #tpu.memory_space<hbm>>
    %dma_wait3A_354 = tpu.memref_squeeze %dma_wait3A_353 : memref<1x1x32x128xf32, #tpu.memory_space<hbm>> -> memref<32x128xf32, #tpu.memory_space<hbm>>
    %dma_wait3A_355 = arith.constant 0 : i32
    %dma_wait3A_356 = arith.constant 0 : i32
    %dma_wait3A_357 = tpu.memref_slice %arg8[%dma_wait3A_342, %dma_wait3A_355, %dma_wait3A_356] : memref<2x64x129xf32, #tpu.memory_space<vmem>> -> memref<1x32x128xf32, #tpu.memory_space<vmem>>
    %dma_wait3A_358 = tpu.memref_squeeze %dma_wait3A_357 : memref<1x32x128xf32, #tpu.memory_space<vmem>> -> memref<32x128xf32, #tpu.memory_space<vmem>>
    tpu.wait_dma2 semaphore(%arg15 : memref<!tpu.dma_semaphore, #tpu.memory_space<semaphore_mem>>) src(%dma_wait3A_358 : memref<32x128xf32, #tpu.memory_space<vmem>>) dst(%dma_wait3A_354 : memref<32x128xf32, #tpu.memory_space<hbm>>)
    %dma_wait3A_359 = arith.constant 0 : i32
    %dma_wait3A_360 = arith.constant 198 : i32
    %dma_wait3A_361 = arith.constant 1 : i32
    %dma_wait3A_362 = arith.constant 32 : i32
    %dma_wait3A_363 = arith.constant 0 : i32
    %dma_wait3A_364 = tpu.memref_slice %arg8[%dma_wait3A_359, %dma_wait3A_362, %dma_wait3A_363] : memref<2x64x129xf32, #tpu.memory_space<vmem>> -> memref<1x32x128xf32, #tpu.memory_space<vmem>>
    %dma_wait3A_365 = tpu.memref_squeeze %dma_wait3A_364 : memref<1x32x128xf32, #tpu.memory_space<vmem>> -> memref<32x128xf32, #tpu.memory_space<vmem>>
    %dma_wait3A_366 = arith.constant 0 : i32
    %dma_wait3A_367 = tpu.memref_slice %arg4[%dma_wait3A_360, %dma_wait3A_361, %mul3A_341, %dma_wait3A_366] : memref<200x2x1024x128xf32, #tpu.memory_space<hbm>> -> memref<1x1x32x128xf32, #tpu.memory_space<hbm>>
    %dma_wait3A_368 = tpu.memref_squeeze %dma_wait3A_367 : memref<1x1x32x128xf32, #tpu.memory_space<hbm>> -> memref<32x128xf32, #tpu.memory_space<hbm>>
    %dma_wait3A_369 = arith.constant 0 : i32
    %dma_wait3A_370 = tpu.memref_slice %arg4[%dma_wait3A_360, %dma_wait3A_361, %mul3A_341, %dma_wait3A_369] : memref<200x2x1024x128xf32, #tpu.memory_space<hbm>> -> memref<1x1x32x128xf32, #tpu.memory_space<hbm>>
    %dma_wait3A_371 = tpu.memref_squeeze %dma_wait3A_370 : memref<1x1x32x128xf32, #tpu.memory_space<hbm>> -> memref<32x128xf32, #tpu.memory_space<hbm>>
    %dma_wait3A_372 = arith.constant 32 : i32
    %dma_wait3A_373 = arith.constant 0 : i32
    %dma_wait3A_374 = tpu.memref_slice %arg8[%dma_wait3A_359, %dma_wait3A_372, %dma_wait3A_373] : memref<2x64x129xf32, #tpu.memory_space<vmem>> -> memref<1x32x128xf32, #tpu.memory_space<vmem>>
    %dma_wait3A_375 = tpu.memref_squeeze %dma_wait3A_374 : memref<1x32x128xf32, #tpu.memory_space<vmem>> -> memref<32x128xf32, #tpu.memory_space<vmem>>
    tpu.wait_dma2 semaphore(%arg15 : memref<!tpu.dma_semaphore, #tpu.memory_space<semaphore_mem>>) src(%dma_wait3A_375 : memref<32x128xf32, #tpu.memory_space<vmem>>) dst(%dma_wait3A_371 : memref<32x128xf32, #tpu.memory_space<hbm>>)
    %mul3A_376 = arith.constant 32 : i32
    %mul3A_377 = arith.muli %add3A, %mul3A_376 : i32
    %mul3A_378 = arith.constant 32 : i32
    %mul3A_379 = arith.muli %add3A, %mul3A_378 : i32
    %dma_wait3A_380 = arith.constant 1 : i32
    %dma_wait3A_381 = arith.constant 199 : i32
    %dma_wait3A_382 = arith.constant 0 : i32
    %dma_wait3A_383 = arith.constant 0 : i32
    %dma_wait3A_384 = arith.constant 0 : i32
    %dma_wait3A_385 = tpu.memref_slice %arg8[%dma_wait3A_380, %dma_wait3A_383, %dma_wait3A_384] : memref<2x64x129xf32, #tpu.memory_space<vmem>> -> memref<1x32x128xf32, #tpu.memory_space<vmem>>
    %dma_wait3A_386 = tpu.memref_squeeze %dma_wait3A_385 : memref<1x32x128xf32, #tpu.memory_space<vmem>> -> memref<32x128xf32, #tpu.memory_space<vmem>>
    %dma_wait3A_387 = arith.constant 0 : i32
    %dma_wait3A_388 = tpu.memref_slice %arg4[%dma_wait3A_381, %dma_wait3A_382, %mul3A_377, %dma_wait3A_387] : memref<200x2x1024x128xf32, #tpu.memory_space<hbm>> -> memref<1x1x32x128xf32, #tpu.memory_space<hbm>>
    %dma_wait3A_389 = tpu.memref_squeeze %dma_wait3A_388 : memref<1x1x32x128xf32, #tpu.memory_space<hbm>> -> memref<32x128xf32, #tpu.memory_space<hbm>>
    %dma_wait3A_390 = arith.constant 0 : i32
    %dma_wait3A_391 = tpu.memref_slice %arg4[%dma_wait3A_381, %dma_wait3A_382, %mul3A_377, %dma_wait3A_390] : memref<200x2x1024x128xf32, #tpu.memory_space<hbm>> -> memref<1x1x32x128xf32, #tpu.memory_space<hbm>>
    %dma_wait3A_392 = tpu.memref_squeeze %dma_wait3A_391 : memref<1x1x32x128xf32, #tpu.memory_space<hbm>> -> memref<32x128xf32, #tpu.memory_space<hbm>>
    %dma_wait3A_393 = arith.constant 0 : i32
    %dma_wait3A_394 = arith.constant 0 : i32
    %dma_wait3A_395 = tpu.memref_slice %arg8[%dma_wait3A_380, %dma_wait3A_393, %dma_wait3A_394] : memref<2x64x129xf32, #tpu.memory_space<vmem>> -> memref<1x32x128xf32, #tpu.memory_space<vmem>>
    %dma_wait3A_396 = tpu.memref_squeeze %dma_wait3A_395 : memref<1x32x128xf32, #tpu.memory_space<vmem>> -> memref<32x128xf32, #tpu.memory_space<vmem>>
    tpu.wait_dma2 semaphore(%arg16 : memref<!tpu.dma_semaphore, #tpu.memory_space<semaphore_mem>>) src(%dma_wait3A_396 : memref<32x128xf32, #tpu.memory_space<vmem>>) dst(%dma_wait3A_392 : memref<32x128xf32, #tpu.memory_space<hbm>>)
    %dma_wait3A_397 = arith.constant 1 : i32
    %dma_wait3A_398 = arith.constant 199 : i32
    %dma_wait3A_399 = arith.constant 1 : i32
    %dma_wait3A_400 = arith.constant 32 : i32
    %dma_wait3A_401 = arith.constant 0 : i32
    %dma_wait3A_402 = tpu.memref_slice %arg8[%dma_wait3A_397, %dma_wait3A_400, %dma_wait3A_401] : memref<2x64x129xf32, #tpu.memory_space<vmem>> -> memref<1x32x128xf32, #tpu.memory_space<vmem>>
    %dma_wait3A_403 = tpu.memref_squeeze %dma_wait3A_402 : memref<1x32x128xf32, #tpu.memory_space<vmem>> -> memref<32x128xf32, #tpu.memory_space<vmem>>
    %dma_wait3A_404 = arith.constant 0 : i32
    %dma_wait3A_405 = tpu.memref_slice %arg4[%dma_wait3A_398, %dma_wait3A_399, %mul3A_379, %dma_wait3A_404] : memref<200x2x1024x128xf32, #tpu.memory_space<hbm>> -> memref<1x1x32x128xf32, #tpu.memory_space<hbm>>
    %dma_wait3A_406 = tpu.memref_squeeze %dma_wait3A_405 : memref<1x1x32x128xf32, #tpu.memory_space<hbm>> -> memref<32x128xf32, #tpu.memory_space<hbm>>
    %dma_wait3A_407 = arith.constant 0 : i32
    %dma_wait3A_408 = tpu.memref_slice %arg4[%dma_wait3A_398, %dma_wait3A_399, %mul3A_379, %dma_wait3A_407] : memref<200x2x1024x128xf32, #tpu.memory_space<hbm>> -> memref<1x1x32x128xf32, #tpu.memory_space<hbm>>
    %dma_wait3A_409 = tpu.memref_squeeze %dma_wait3A_408 : memref<1x1x32x128xf32, #tpu.memory_space<hbm>> -> memref<32x128xf32, #tpu.memory_space<hbm>>
    %dma_wait3A_410 = arith.constant 32 : i32
    %dma_wait3A_411 = arith.constant 0 : i32
    %dma_wait3A_412 = tpu.memref_slice %arg8[%dma_wait3A_397, %dma_wait3A_410, %dma_wait3A_411] : memref<2x64x129xf32, #tpu.memory_space<vmem>> -> memref<1x32x128xf32, #tpu.memory_space<vmem>>
    %dma_wait3A_413 = tpu.memref_squeeze %dma_wait3A_412 : memref<1x32x128xf32, #tpu.memory_space<vmem>> -> memref<32x128xf32, #tpu.memory_space<vmem>>
    tpu.wait_dma2 semaphore(%arg16 : memref<!tpu.dma_semaphore, #tpu.memory_space<semaphore_mem>>) src(%dma_wait3A_413 : memref<32x128xf32, #tpu.memory_space<vmem>>) dst(%dma_wait3A_409 : memref<32x128xf32, #tpu.memory_space<hbm>>)
    return
  }
}

</mosaic_0001>

<sc_bundles>
// kernel: kernel.3.cloned.1.call-start
scs
__scs_entry_jumppad:
0x0: {  	(pc) =	sbr.rel $0x88, $3  }
0x1: {  	(tag) =	ssettag $0x0;
	lr =	simm.s32 $0x1  }
0x2: {  	[smem:$0x3F9F] =	sst lr;
	_ =	strace $0xD0000000  }
0x3: {  	_ = 	snop  }
0x4: {  	_ = 	snop  }
0x5: {  	_ = 	snop  }
0x6: {  	_ = 	snop  }
0x7: {  	_ = 	snop  }
__scs_overlays_trampoline_lowered:
0x8: {  	[smem:$0x3FAE] =	sst s0  }
0x9: {  	[smem:$0x3FAF] =	sst s1  }
0xa: {  	[smem:$0x3FB0] =	sst s2  }
0xb: {  	[smem:$0x3FB1] =	sst s3  }
0xc: {  	[smem:$0x3FB2] =	sst s4  }
0xd: {  	[smem:$0x3FB3] =	sst s5  }
0xe: {  	[smem:$0x3FB4] =	sst s6  }
0xf: {  	[smem:$0x3FB5] =	sst s7  }
0x10: {  	[smem:$0x3FB6] =	sst s8  }
0x11: {  	[smem:$0x3FB7] =	sst s9;
	s0 =	simm.s32 @!p0 $0x0  }
0x12: {  	s1 =	sld [smem:$0x3F9D];
	s0 =	simm.s32 @p0 $0x1  }
0x13: {  	[smem:$0x3FB8] =	sst s0;
	s0 =	simm.s32 @!p1 $0x0  }
0x14: {  	s2 =	sld [smem:$0x3F9C];
	s0 =	simm.s32 @p1 $0x1  }
0x15: {  	[smem:$0x3FB9] =	sst s0;
	s0 =	simm.s32 @!p2 $0x0  }
0x16: {  	s3 =	sld [smem:$0x3FDB];
	s0 =	simm.s32 @p2 $0x1  }
0x17: {  	s4 =	simm.s32 $0x1BF5;
	[smem:$0x3FBB] =	sst s0  }
0x18: {  	s0 =	sld [smem:$0x3F9E];
	_ =	swait.ge [sflag:s4], $0x0  }
0x19: {  	s7 =	sld [smem:$0x3F9F]  }
0x1a: {  	s8 =	sadd.s32 $0xFFFFE003, lr  }
0x1b: {  	s9 =	sadd.s32 $0xFFFFFEF7, lr;
	s5 =	simm.s32 $0xFFFFFFFF;
	p2 =	slt.u32 s8, $0xFFFFF086  }
0x1c: {  	p1 =	slt.u32 s9, $0xF7A;
	s5 =	simm.s32 @!p2 $0x0  }
0x1d: {  	s5 =	simm.s32 @p1 $0x1;
	p0 =	seq.s32 s7, s2  }
0x1e: {  	s7 =	smul.u32 @!p0 $0xF7A, s2;
	p2 =	seq.s32 @!p0 s5, $0x0  }
0x1f: {  	s9 =	smul.u32 $0xF7A, s1;
	s8 =	simm.s32 @!p0 $0x1BF5;
	p2 =	por !p2, p0  }
0x20: {  	[sflag:s8] =	ssyncset.s32 @!p0 $0xFFFFF086;
	s6 =	sadd.s32 @!p0 s3, s7;
	s7 =	simm.s32 @!p0 $0x108  }
0x21: {  	s3 =	sadd.s32 s3, s9;
	s6 =	sadd.s32 @!p0 $0x88, s6;
	s7 =	simm.s32 @p2 $0x1082  }
0x22: {  	[simem:s7], [sflag:s8] =	dma.local @!p0 [hbm:s6], $0xF7A  }
0x23: {  	s9 =	sor.u32 $0xD0000000, s2;
	s6 =	simm.s32 $0x108;
	_ =	swait.ge @!p0 [sflag:s8], $0x0  }
0x24: {  	s3 =	sadd.s32 $0x88, s3;
	s6 =	simm.s32 @!p1 $0x1082;
	[sflag:s4] =	ssyncset.s32 $0xFFFFF086  }
0x25: {  	[simem:s6], [sflag:s4] =	dma.local [hbm:s3], $0xF7A  }
0x26: {  	[smem:$0x3F9F] =	sst s1;
	(tag) =	ssettag s2;
	_ =	strace s9  }
0x27: {  	s1 =	sld [smem:$0x3FAF]  }
0x28: {  	s2 =	sld [smem:$0x3FB0]  }
0x29: {  	s4 =	sld [smem:$0x3FB2]  }
0x2a: {  	p0 =	seq.s32 s5, $0x0;
	s5 =	sld [smem:$0x3FB3]  }
0x2b: {  	s6 =	sld [smem:$0x3FB4]  }
0x2c: {  	s7 =	sld [smem:$0x3FB5]  }
0x2d: {  	s3 =	simm.s32 $0x108;
	s8 =	sld [smem:$0x3FB6]  }
0x2e: {  	s3 =	simm.s32 @!p0 $0x1082;
	s9 =	sld [smem:$0x3FB7]  }
0x2f: {  	lr =	sadd.s32 s0, s3;
	s0 =	sld [smem:$0x3FAE]  }
0x30: {  	s3 =	sld [smem:$0x3FB1]  }
0x31: {  	[smem:$0x3FBA] =	sst s10  }
0x32: {  	s10 =	sld [smem:$0x3FB8];
	_ =	sdelay $0x3  }
0x33: {  	p0 =	seq.s32 s10, $0x1;
	s10 =	sld [smem:$0x3FBA];
	_ =	sdelay $0x3  }
0x34: {  	[smem:$0x3FBA] =	sst s10  }
0x35: {  	s10 =	sld [smem:$0x3FB9];
	_ =	sdelay $0x3  }
0x36: {  	p1 =	seq.s32 s10, $0x1;
	s10 =	sld [smem:$0x3FBA];
	_ =	sdelay $0x3  }
0x37: {  	[smem:$0x3FBA] =	sst s10  }
0x38: {  	s10 =	sld [smem:$0x3FBB]  }
0x39: {  	_ = 	snop;
	(pc) =	sbr.ind lr, $3  }
0x3a: {  	_ = 	snop  }
0x3b: {  	_ = 	snop  }
0x3c: {  	p2 =	seq.s32 s10, $0x1;
	s10 =	sld [smem:$0x3FBA]  }
0x3d: {  	_ =	shalt  }
0x3e: {  	_ =	shalt  }
0x3f: {  	_ =	shalt  }
0x40: {  	_ =	shalt  }
0x41: {  	_ =	shalt  }
0x42: {  	_ =	shalt  }
0x43: {  	_ =	shalt  }
0x44: {  	_ =	shalt  }
0x45: {  	_ =	shalt  }
0x46: {  	_ =	shalt  }
0x47: {  	_ =	shalt  }
0x48: {  	_ =	shalt  }
0x49: {  	_ =	shalt  }
0x4a: {  	_ =	shalt  }
0x4b: {  	_ =	shalt  }
0x4c: {  	_ =	shalt  }
0x4d: {  	_ =	shalt  }
0x4e: {  	_ =	shalt  }
0x4f: {  	_ =	shalt  }
0x50: {  	_ =	shalt  }
0x51: {  	_ =	shalt  }
0x52: {  	_ =	shalt  }
0x53: {  	_ =	shalt  }
0x54: {  	_ =	shalt  }
0x55: {  	_ =	shalt  }
0x56: {  	_ =	shalt  }
0x57: {  	_ =	shalt  }
0x58: {  	_ =	shalt  }
0x59: {  	_ =	shalt  }
0x5a: {  	_ =	shalt  }
0x5b: {  	_ =	shalt  }
0x5c: {  	_ =	shalt  }
0x5d: {  	_ =	shalt  }
0x5e: {  	_ =	shalt  }
0x5f: {  	_ =	shalt  }
0x60: {  	_ =	shalt  }
0x61: {  	_ =	shalt  }
0x62: {  	_ =	shalt  }
0x63: {  	_ =	shalt  }
0x64: {  	_ =	shalt  }
0x65: {  	_ =	shalt  }
0x66: {  	_ =	shalt  }
0x67: {  	_ =	shalt  }
0x68: {  	_ =	shalt  }
0x69: {  	_ =	shalt  }
0x6a: {  	_ =	shalt  }
0x6b: {  	_ =	shalt  }
0x6c: {  	_ =	shalt  }
0x6d: {  	_ =	shalt  }
0x6e: {  	_ =	shalt  }
0x6f: {  	_ =	shalt  }
0x70: {  	_ =	shalt  }
0x71: {  	_ =	shalt  }
0x72: {  	_ =	shalt  }
0x73: {  	_ =	shalt  }
0x74: {  	_ =	shalt  }
0x75: {  	_ =	shalt  }
0x76: {  	_ =	shalt  }
0x77: {  	_ =	shalt  }
0x78: {  	_ =	shalt  }
0x79: {  	_ =	shalt  }
0x7a: {  	_ =	shalt  }
0x7b: {  	_ =	shalt  }
0x7c: {  	_ =	shalt  }
0x7d: {  	_ =	shalt  }
0x7e: {  	_ =	shalt  }
0x7f: {  	_ =	shalt  }
0x80: {  	_ =	shalt  }
0x81: {  	_ =	shalt  }
0x82: {  	_ =	shalt  }
0x83: {  	_ =	shalt  }
0x84: {  	_ =	shalt  }
0x85: {  	_ =	shalt  }
0x86: {  	_ =	shalt  }
0x87: {  	_ =	shalt  }
.Lfunc_end0:
.L_simem_size_0:
called_computation_lowered:
.L_overlay_start_0:
0x88: {  	s2 =	sld [smem:$0x3FD9]  }
0x89: {  	s3 =	sld [smem:$0x3FFE];
	_ =	sdelay $0x1  }
0x8a: {  	s1 =	srdreg.scid  }
0x8b: {  	s0 =	sand.u32 $0x1, s1  }
0x8c: {  	s17 =	sshll.u32 s0, $0xA;
	s2 =	sadd.s32 s3, s2  }
0x8d: {  	s2 =	sadd.s32 s2, s17  }
0x8e: {  	[smem:$0x3FC6] =	sst s2  }
0x8f: {  	_ = 	snop  }
0x90: {  	s2 =	sld [smem:$0x3FC9]  }
0x91: {  	s18 =	sld [smem:$0x3FD0];
	(tm) =	ssettm $0x1  }
0x92: {  	s4 =	sld [smem:$0x3FFB];
	_ =	sdelay $0x3  }
0x93: {  	_ =	strace s4  }
0x94: {  	s4 =	sld [smem:$0x3FFC];
	_ =	sdelay $0x3  }
0x95: {  	_ =	strace s4  }
0x96: {  	s4 =	sld [smem:$0x3FFD];
	_ =	sdelay $0x3  }
0x97: {  	_ =	strace s4  }
0x98: {  	_ =	strace $0x8FFFFFFF  }
0x99: {  	s19 =	sld [smem:$0x3FDB];
	_ =	sdelay $0x1  }
0x9a: {  	s5 =	simm.s32 $_scs_section_size  }
0x9b: {  	s6 =	simm.s32 $_size__tile_overlayer_lowered;
	s7 =	simm.s32 $_tile_overlayer_lowered  }
0x9c: {  	s22 =	simm.s32 $0x1BFF;
	s21 =	sshll.u32 s7, $0x1;
	s4 =	sadd.s32 s5, s19  }
0x9d: {  	s8 =	simm.s32 $0x0;
	s20 =	sshll.u32 s6, $0x1;
	s6 =	sadd.s32 s21, s4  }
0x9e: {  	[timem:s8], [sflag:s22] =	dma.local [hbm:s6], s20  }
0x9f: {  	_ =	swait.ge [sflag:s22], s20  }
0xa0: {  	s5 =	ssub.s32 $0x0, s20;
	[sflag:s22] =	ssyncset.done $0x0  }
0xa1: {  	[sflag:s22] =	ssyncadd.s32 s5;
	_ =	sdelay $0x1  }
0xa2: {  	s23 =	simm.s32 $0x1B8B  }
0xa3: {  	_ =	swait.ge [sflag:s23], $0x1  }
0xa4: {  	[sflag:s23] =	ssyncset.done $0x0  }
0xa5: {  	s25 =	simm.s32 $0x1B8E;
	s24 =	sld [smem:$0x3FFE];
	[sflag:s23] =	ssyncadd.s32 $0xFFFFFFFF  }
0xa6: {  	s26 =	simm.s32 $execute0_lowered;
	[smem:$0x3FD2] =	sst s25  }
0xa7: {  	s6 =	sshll.u32 s26, $0x1;
	_ =	strace $0x80000046;
	[dreg:$0x1] =	wrdreg $0xFFFFFFFF  }
0xa8: {  	s28 =	simm.s32 $_size_execute0_lowered;
	s4 =	sadd.s32 s4, s6;
	[dreg:$0x0] =	wrdreg $0x0  }
0xa9: {  	s6 =	sshll.u32 s28, $0x1;
	[dreg:$0x2] =	wrdreg s4  }
0xaa: {  	[dreg:$0x3] =	wrdreg s6  }
0xab: {  	[dreg:$0x4] =	wrdreg $0xC0  }
0xac: {  	_ =	task [dreg:s8], $0x5FFFF  }
0xad: {  	[dreg:$0x1] =	wrdreg $0xFFFFFFFF  }
0xae: {  	[dreg:$0x0] =	wrdreg $0x60  }
0xaf: {  	[dreg:$0x2] =	wrdreg s2  }
0xb0: {  	[dreg:$0x3] =	wrdreg s24  }
0xb1: {  	[dreg:$0x4] =	wrdreg s18  }
0xb2: {  	[dreg:$0x5] =	wrdreg $0x9  }
0xb3: {  	_ =	task.clear_ibuf [dreg:s8], $0x6FFFF;
	_ =	strace $0x90000046  }
0xb4: {  	s29 =	simm.s32 $0x9;
	_ =	strace $0x80000048  }
0xb5: {  	_ =	swait.ge [sflag:s29], $0x1  }
0xb6: {  	[sflag:s29] =	ssyncadd.s32 $0xFFFFFFFF  }
0xb7: {  	_ =	strace $0x90000048  }
0xb8: {  	_ =	sfence  }
0xb9: {  	s30 =	sld [smem:$0x0];
	_ =	sdelay $0x2  }
0xba: {  	s31 =	sshll.u32 s1, $0xD;
	s1 =	sshrl.u32 s1, $0x2  }
0xbb: {  	s3 =	sand.u32 $0x4000, s31;
	s1 =	sadd.s32 s1, s30  }
0xbc: {  	s0 =	sor.u32 s3, s0;
	s1 =	sshll.u32 s1, $0x11  }
0xbd: {  	s0 =	sor.u32 s1, s0  }
0xbe: {  	s0 =	sadd.s32 $0x8F2B, s0  }
0xbf: {  	[sflag:s0] =	ssyncadd.remote.s32 $0x1  }
0xc0: {  	_ =	sfence.sel $0xFFFF  }
0xc1: {  	[dreg:$0x0] =	wrdreg $0xFFFFFFFF;
	(pc) =	sbr.abs _section_cstart, $3  }
0xc2: {  	[dreg:$0x1] =	wrdreg $0xFFFFFFFF  }
0xc3: {  	_ =	task.clear_ibuf [dreg:s8], $0x2FFFF;
	_ =	strace $0x9FFFFFFF  }
0xc4: {  	(tm) =	ssettm $0x7FFFFFFF  }
0xc5: {  	_ =	shalt  }
tec
execute0_lowered:
.L_overlay_start_1:
0x0: {  	(tag) =	ssettag $0x1  }
0x1: {  	vm14 =	vcmask $0x300  }
0x2: {  	v0 =	vimm.s32 $0x27F0;
	vm13 =	vcmask $0x704;
	vm12 =	vcmask $0xB08  }
0x3: {  	vm11 =	vcmask $0xF0C;
	vm10 =	vcmask $0x1310;
	vm9 =	vcmask $0x1714  }
0x4: {  	vm8 =	vcmask $0x1B18;
	vm7 =	vcmask $0x1F1C;
	vm6 =	vcmask $0x2320  }
0x5: {  	vm5 =	vcmask $0x2724;
	vm4 =	vcmask $0x2B28;
	vm3 =	vcmask $0x2F2C  }
0x6: {  	vm2 =	vcmask $0x3330;
	vm1 =	vcmask $0x3734;
	v1 =	vimm.s32 $0x0  }
0x7: {  	vm0 =	vcmask $0x3B38;
	v3 =	vimm.s32 $0x27F1;
	v4 =	vimm.s32 $0x27F2  }
0x8: {  	v5 =	vimm.s32 $0x27F3;
	v6 =	vimm.s32 $0x27F4;
	v7 =	vimm.s32 $0x27F5  }
0x9: {  	v8 =	vimm.s32 $0x27F6;
	v9 =	vimm.s32 $0x27F7;
	v10 =	vimm.s32 $0x14B8  }
0xa: {  	v11 =	vimm.s32 $0x14B9;
	v12 =	vimm.s32 $0x14BA;
	v13 =	vimm.s32 $0x14BB  }
0xb: {  	v14 =	vimm.s32 $0x14BC;
	v15 =	vimm.s32 $0x14BD;
	v16 =	vimm.s32 $0x14BE  }
0xc: {  	v17 =	vimm.s32 $0x14BF;
	v0 =	vsel vm14, $0x0, v0;
	v1 =	vsel vm14, $0x3, v1  }
0xd: {  	v3 =	vsel vm14, $0x1, v3;
	v4 =	vsel vm14, $0x2, v4;
	v5 =	vsel vm14, $0x3, v5  }
0xe: {  	v6 =	vsel vm14, $0x4, v6;
	v7 =	vsel vm14, $0x5, v7;
	v8 =	vsel vm14, $0x6, v8  }
0xf: {  	v9 =	vsel vm14, $0x7, v9;
	v10 =	vsel vm14, $0x0, v10;
	v11 =	vsel vm14, $0x1, v11  }
0x10: {  	v12 =	vsel vm14, $0x2, v12;
	v13 =	vsel vm14, $0x3, v13;
	v14 =	vsel vm14, $0x4, v14  }
0x11: {  	v15 =	vsel vm14, $0x5, v15;
	v16 =	vsel vm14, $0x6, v16;
	v17 =	vsel vm14, $0x7, v17  }
0x12: {  	v0 =	vsel vm13, $0x90, v0;
	v3 =	vsel vm13, $0x91, v3;
	v4 =	vsel vm13, $0x92, v4  }
0x13: {  	v5 =	vsel vm13, $0x93, v5;
	v6 =	vsel vm13, $0x94, v6;
	v7 =	vsel vm13, $0x95, v7  }
0x14: {  	v8 =	vsel vm13, $0x96, v8;
	v9 =	vsel vm13, $0x97, v9;
	v10 =	vsel vm13, $0x88, v10  }
0x15: {  	v11 =	vsel vm13, $0x89, v11;
	v12 =	vsel vm13, $0x8A, v12;
	v13 =	vsel vm13, $0x8B, v13  }
0x16: {  	v14 =	vsel vm13, $0x8C, v14;
	v15 =	vsel vm13, $0x8D, v15;
	v16 =	vsel vm13, $0x8E, v16  }
0x17: {  	v17 =	vsel vm13, $0x8F, v17;
	v0 =	vsel vm12, $0x120, v0;
	v3 =	vsel vm12, $0x121, v3  }
0x18: {  	v4 =	vsel vm12, $0x122, v4;
	v5 =	vsel vm12, $0x123, v5;
	v6 =	vsel vm12, $0x124, v6  }
0x19: {  	v7 =	vsel vm12, $0x125, v7;
	v8 =	vsel vm12, $0x126, v8;
	v9 =	vsel vm12, $0x127, v9  }
0x1a: {  	v10 =	vsel vm12, $0x110, v10;
	v11 =	vsel vm12, $0x111, v11;
	v12 =	vsel vm12, $0x112, v12  }
0x1b: {  	v13 =	vsel vm12, $0x113, v13;
	v14 =	vsel vm12, $0x114, v14;
	v15 =	vsel vm12, $0x115, v15  }
0x1c: {  	v16 =	vsel vm12, $0x116, v16;
	v17 =	vsel vm12, $0x117, v17;
	v0 =	vsel vm11, $0x1B0, v0  }
0x1d: {  	v3 =	vsel vm11, $0x1B1, v3;
	v4 =	vsel vm11, $0x1B2, v4;
	v5 =	vsel vm11, $0x1B3, v5  }
0x1e: {  	v6 =	vsel vm11, $0x1B4, v6;
	v7 =	vsel vm11, $0x1B5, v7;
	v8 =	vsel vm11, $0x1B6, v8  }
0x1f: {  	v9 =	vsel vm11, $0x1B7, v9;
	v10 =	vsel vm11, $0x198, v10;
	v11 =	vsel vm11, $0x199, v11  }
0x20: {  	v12 =	vsel vm11, $0x19A, v12;
	v13 =	vsel vm11, $0x19B, v13;
	v14 =	vsel vm11, $0x19C, v14  }
0x21: {  	v15 =	vsel vm11, $0x19D, v15;
	v16 =	vsel vm11, $0x19E, v16;
	v17 =	vsel vm11, $0x19F, v17  }
0x22: {  	v0 =	vsel vm10, $0x240, v0;
	v3 =	vsel vm10, $0x241, v3;
	v4 =	vsel vm10, $0x242, v4  }
0x23: {  	v5 =	vsel vm10, $0x243, v5;
	v6 =	vsel vm10, $0x244, v6;
	v7 =	vsel vm10, $0x245, v7  }
0x24: {  	v8 =	vsel vm10, $0x246, v8;
	v9 =	vsel vm10, $0x247, v9;
	v10 =	vsel vm10, $0x220, v10  }
0x25: {  	v11 =	vsel vm10, $0x221, v11;
	v12 =	vsel vm10, $0x222, v12;
	v13 =	vsel vm10, $0x223, v13  }
0x26: {  	v14 =	vsel vm10, $0x224, v14;
	v15 =	vsel vm10, $0x225, v15;
	v16 =	vsel vm10, $0x226, v16  }
0x27: {  	v17 =	vsel vm10, $0x227, v17;
	v0 =	vsel vm9, $0x2D0, v0;
	v3 =	vsel vm9, $0x2D1, v3  }
0x28: {  	v4 =	vsel vm9, $0x2D2, v4;
	v5 =	vsel vm9, $0x2D3, v5;
	v6 =	vsel vm9, $0x2D4, v6  }
0x29: {  	v7 =	vsel vm9, $0x2D5, v7;
	v8 =	vsel vm9, $0x2D6, v8;
	v9 =	vsel vm9, $0x2D7, v9  }
0x2a: {  	v10 =	vsel vm9, $0x2A8, v10;
	v11 =	vsel vm9, $0x2A9, v11;
	v12 =	vsel vm9, $0x2AA, v12  }
0x2b: {  	v13 =	vsel vm9, $0x2AB, v13;
	v14 =	vsel vm9, $0x2AC, v14;
	v15 =	vsel vm9, $0x2AD, v15  }
0x2c: {  	v16 =	vsel vm9, $0x2AE, v16;
	v17 =	vsel vm9, $0x2AF, v17;
	v0 =	vsel vm8, $0x360, v0  }
0x2d: {  	v3 =	vsel vm8, $0x361, v3;
	v4 =	vsel vm8, $0x362, v4;
	v5 =	vsel vm8, $0x363, v5  }
0x2e: {  	v6 =	vsel vm8, $0x364, v6;
	v7 =	vsel vm8, $0x365, v7;
	v8 =	vsel vm8, $0x366, v8  }
0x2f: {  	v9 =	vsel vm8, $0x367, v9;
	v10 =	vsel vm8, $0x330, v10;
	v11 =	vsel vm8, $0x331, v11  }
0x30: {  	v12 =	vsel vm8, $0x332, v12;
	v13 =	vsel vm8, $0x333, v13;
	v14 =	vsel vm8, $0x334, v14  }
0x31: {  	v15 =	vsel vm8, $0x335, v15;
	v16 =	vsel vm8, $0x336, v16;
	v17 =	vsel vm8, $0x337, v17  }
0x32: {  	v0 =	vsel vm7, $0x3F0, v0;
	v3 =	vsel vm7, $0x3F1, v3;
	v4 =	vsel vm7, $0x3F2, v4  }
0x33: {  	v5 =	vsel vm7, $0x3F3, v5;
	v6 =	vsel vm7, $0x3F4, v6;
	v7 =	vsel vm7, $0x3F5, v7  }
0x34: {  	v8 =	vsel vm7, $0x3F6, v8;
	v9 =	vsel vm7, $0x3F7, v9;
	v10 =	vsel vm7, $0x3B8, v10  }
0x35: {  	v11 =	vsel vm7, $0x3B9, v11;
	v12 =	vsel vm7, $0x3BA, v12;
	v13 =	vsel vm7, $0x3BB, v13  }
0x36: {  	v14 =	vsel vm7, $0x3BC, v14;
	v15 =	vsel vm7, $0x3BD, v15;
	v16 =	vsel vm7, $0x3BE, v16  }
0x37: {  	v17 =	vsel vm7, $0x3BF, v17;
	v0 =	vsel vm6, $0x2400, v0;
	v3 =	vsel vm6, $0x2401, v3  }
0x38: {  	v4 =	vsel vm6, $0x2402, v4;
	v5 =	vsel vm6, $0x2403, v5;
	v6 =	vsel vm6, $0x2404, v6  }
0x39: {  	v7 =	vsel vm6, $0x2405, v7;
	v8 =	vsel vm6, $0x2406, v8;
	v9 =	vsel vm6, $0x2407, v9  }
0x3a: {  	v10 =	vsel vm6, $0x1100, v10;
	v11 =	vsel vm6, $0x1101, v11;
	v12 =	vsel vm6, $0x1102, v12  }
0x3b: {  	v13 =	vsel vm6, $0x1103, v13;
	v14 =	vsel vm6, $0x1104, v14;
	v15 =	vsel vm6, $0x1105, v15  }
0x3c: {  	v16 =	vsel vm6, $0x1106, v16;
	v17 =	vsel vm6, $0x1107, v17;
	v0 =	vsel vm5, $0x2490, v0  }
0x3d: {  	v3 =	vsel vm5, $0x2491, v3;
	v4 =	vsel vm5, $0x2492, v4;
	v5 =	vsel vm5, $0x2493, v5  }
0x3e: {  	v6 =	vsel vm5, $0x2494, v6;
	v7 =	vsel vm5, $0x2495, v7;
	v8 =	vsel vm5, $0x2496, v8  }
0x3f: {  	v9 =	vsel vm5, $0x2497, v9;
	v10 =	vsel vm5, $0x1188, v10;
	v11 =	vsel vm5, $0x1189, v11  }
0x40: {  	v12 =	vsel vm5, $0x118A, v12;
	v13 =	vsel vm5, $0x118B, v13;
	v14 =	vsel vm5, $0x118C, v14  }
0x41: {  	v15 =	vsel vm5, $0x118D, v15;
	v16 =	vsel vm5, $0x118E, v16;
	v17 =	vsel vm5, $0x118F, v17  }
0x42: {  	v0 =	vsel vm4, $0x2520, v0;
	v3 =	vsel vm4, $0x2521, v3;
	v4 =	vsel vm4, $0x2522, v4  }
0x43: {  	s2 =	rddreg [dreg:$0x1];
	v5 =	vsel vm4, $0x2523, v5;
	v6 =	vsel vm4, $0x2524, v6;
	v7 =	vsel vm4, $0x2525, v7  }
0x44: {  	s0 =	srdreg.scid;
	s9 =	rddreg [dreg:$0x2];
	v8 =	vsel vm4, $0x2526, v8;
	v9 =	vsel vm4, $0x2527, v9;
	v10 =	vsel vm4, $0x1210, v10  }
0x45: {  	s3 =	simm.s32 $0x0;
	s10 =	stileid.u32;
	s28 =	simm.s32 $0x1;
	v11 =	vsel vm4, $0x1211, v11;
	v12 =	vsel vm4, $0x1212, v12;
	v13 =	vsel vm4, $0x1213, v13  }
0x46: {  	s29 =	simm.s32 $0x8800;
	s31 =	simm.s32 $0x2;
	s1 =	sand.u32 $0x1, s0;
	v14 =	vsel vm4, $0x1214, v14;
	v15 =	vsel vm4, $0x1215, v15;
	v16 =	vsel vm4, $0x1216, v16  }
0x47: {  	[smem:$0x7FF] =	sst s3;
	s7 =	sadd.s32 $0x800, s2;
	s6 =	sadd.s32 $0x200800, s2;
	v17 =	vsel vm4, $0x1217, v17;
	v0 =	vsel vm3, $0x25B0, v0;
	v3 =	vsel vm3, $0x25B1, v3  }
0x48: {  	s5 =	sshll.u32 s10, $0x1;
	s26 =	sshll.u32 s10, $0xA;
	s30 =	sor.u32 $0x20, s10;
	v4 =	vsel vm3, $0x25B2, v4;
	v5 =	vsel vm3, $0x25B3, v5;
	v6 =	vsel vm3, $0x25B4, v6  }
0x49: {  	p0 =	sne.s32 s10, $0x0;
	s0 =	sshll.u32 s1, $0x14;
	s4 =	ssub.s32 $0x2, s1;
	v7 =	vsel vm3, $0x25B5, v7;
	v8 =	vsel vm3, $0x25B6, v8;
	v9 =	vsel vm3, $0x25B7, v9  }
0x4a: {  	s25 =	sor.u32 s1, s5;
	s1 =	sshll.u32 s1, $0x15;
	s13 =	smov.u32 s6;
	v10 =	vsel vm3, $0x1298, v10;
	v11 =	vsel vm3, $0x1299, v11;
	v0 =	vsel vm2, $0x2640, v0  }
0x4b: {  	s24 =	sshrl.u32 s4, $0x1;
	s8 =	sshll.u32 s25, $0xC;
	v12 =	vsel vm3, $0x129A, v12;
	v2 =	vsel vm1, $0x26D0, v0;
	v0 =	vmov s0;
	s0 =	rddreg [dreg:$0x0]  }
0x4c: {  	s1 =	sadd.s32 s6, s1;
	v13 =	vsel vm3, $0x129B, v13;
	v14 =	vsel vm3, $0x129C, v14;
	v15 =	vsel vm3, $0x129D, v15;
	_ =	strace $0x80000047;
	[dreg:$0x4] =	wrdreg s7  }
0x4d: {  	s14 =	sshll.u32 s25, $0x9;
	s25 =	sadd.s32 $0x8000, s9;
	v16 =	vsel vm3, $0x129E, v16;
	v17 =	vsel vm3, $0x129F, v17;
	v3 =	vsel vm2, $0x2641, v3;
	[dreg:$0x5] =	wrdreg s30  }
0x4e: {  	s2 =	ssub.s32 s4, s24;
	s15 =	sor.u32 $0x400, s8;
	v4 =	vsel vm2, $0x2642, v4;
	v5 =	vsel vm2, $0x2643, v5;
	v6 =	vsel vm2, $0x2644, v6;
	[dreg:$0x6] =	wrdreg s1  }
0x4f: {  	s6 =	sor.u32 $0xC00, s8;
	s11 =	sor.u32 $0x800, s8;
	v7 =	vsel vm2, $0x2645, v7;
	v8 =	vsel vm2, $0x2646, v8;
	v9 =	vsel vm2, $0x2647, v9;
	[dreg:$0x7] =	wrdreg s15  }
0x50: {  	s24 =	sadd.s32 $0x4000, s9;
	s4 =	simm.s32 $0x0;
	v10 =	vsel vm2, $0x1320, v10;
	v11 =	vsel vm2, $0x1321, v11;
	v12 =	vsel vm2, $0x1322, v12;
	[dreg:$0x14] =	wrdreg s11  }
0x51: {  	s16 =	sshrl.u32 s15, $0x3;
	s17 =	sshrl.u32 s11, $0x3;
	v13 =	vsel vm2, $0x1323, v13;
	v14 =	vsel vm2, $0x1324, v14;
	v15 =	vsel vm2, $0x1325, v15;
	[dreg:$0x10] =	wrdreg s24  }
0x52: {  	v16 =	vsel vm2, $0x1326, v16;
	v17 =	vsel vm2, $0x1327, v17;
	v3 =	vsel vm1, $0x26D1, v3;
	s7 =	sadd.s32 s7, s26;
	[dreg:$0x11] =	wrdreg s25;
	s26 =	sadd.s32 $0xC000, s9  }
0x53: {  	s12 =	smov.u32 s6;
	v4 =	vsel vm1, $0x26D2, v4;
	v5 =	vsel vm1, $0x26D3, v5;
	v6 =	vsel vm1, $0x26D4, v6;
	s30 =	smax.u32 s2, $0x1;
	[dreg:$0x12] =	wrdreg s26  }
0x54: {  	s19 =	sshrl.u32 s6, $0x3;
	v7 =	vsel vm1, $0x26D5, v7;
	v8 =	vsel vm1, $0x26D6, v8;
	v9 =	vsel vm1, $0x26D7, v9;
	s1 =	sadd.s32 s0, s16;
	[dreg:$0x13] =	wrdreg s30  }
0x55: {  	s6 =	simm.s32 $0x200;
	v10 =	vsel vm1, $0x13A8, v10;
	v11 =	vsel vm1, $0x13A9, v11;
	v12 =	vsel vm1, $0x13AA, v12;
	s18 =	sadd.s32 s0, s17;
	[dreg:$0x9] =	wrdreg s1  }
0x56: {  	v13 =	vsel vm1, $0x13AB, v13;
	v14 =	vsel vm1, $0x13AC, v14;
	v15 =	vsel vm1, $0x13AD, v15;
	s15 =	simm.s32 $0x4400;
	s14 =	sadd.s32 s0, s14;
	[dreg:$0xa] =	wrdreg s18  }
0x57: {  	v16 =	vsel vm1, $0x13AE, v16;
	v17 =	vsel vm1, $0x13AF, v17;
	v2 =	vsel vm0, $0x2760, v2;
	s26 =	sadd.s32 $0x100000, s7;
	s1 =	sadd.s32 s0, s19;
	[dreg:$0x8] =	wrdreg s14  }
0x58: {  	v3 =	vsel vm0, $0x2761, v3;
	v4 =	vsel vm0, $0x2762, v4;
	v5 =	vsel vm0, $0x2763, v5;
	s16 =	simm.s32 $0x5;
	s20 =	sadd.s32 $0x10, s14;
	[dreg:$0xb] =	wrdreg s1  }
0x59: {  	v6 =	vsel vm0, $0x2764, v6;
	v7 =	vsel vm0, $0x2765, v7;
	v8 =	vsel vm0, $0x2766, v8;
	s21 =	sadd.s32 $0x90, s14;
	s22 =	sadd.s32 $0x110, s14;
	[dreg:$0xc] =	wrdreg s20  }
0x5a: {  	v9 =	vsel vm0, $0x2767, v9;
	v10 =	vsel vm0, $0x1430, v10;
	v11 =	vsel vm0, $0x1431, v11;
	s23 =	sadd.s32 $0x190, s14;
	s14 =	simm.s32 $0x3;
	[dreg:$0xd] =	wrdreg s21  }
0x5b: {  	v12 =	vsel vm0, $0x1432, v12;
	v13 =	vsel vm0, $0x1433, v13;
	v14 =	vsel vm0, $0x1434, v14;
	s18 =	simm.s32 $0x4;
	s19 =	simm.s32 $0x6;
	[dreg:$0xe] =	wrdreg s22  }
0x5c: {  	v15 =	vsel vm0, $0x1435, v15;
	v16 =	vsel vm0, $0x1436, v16;
	v17 =	vsel vm0, $0x1437, v17;
	[dreg:$0xf] =	wrdreg s23;
	s1 =	simm.s32 $0xD000;
	s20 =	simm.s32 $0x6600  }
.LBB2_1:
0x5d: {  	[dreg:$0x15] =	wrdreg s4;
	s2 =	simm.s32 $0x10  }
0x5e: {  	s9 =	sadd.s32 $0x0, s7;
	s4 =	simm.s32 $0x8890;
	s5 =	simm.s32 $0x8800  }
.LBB2_2:
0x5f: {  	[tilespmem:s5], [sflag:$0x1] =	stream.linear.gather [hbm4b:s9+s3], $0x80, $0x38;
	[tilespmem:$0x19800] =	vst v63  }
0x60: {  	s9 =	smov.u32 s2;
	s5 =	smov.u32 s4;
	p1 =	sne.s32 s2, $0x3F0  }
.Ltmp0:
0x61: {  	s2 =	sadd.s32 $0x10, s2;
	(pc) =	sbr.rel @p1 .LBB2_2-.Ltmp0, $2  }
0x62: {  	_ =	sdelay $0x2  }
0x63: {  	s4 =	sadd.s32 $0x90, s4;
	s9 =	sadd.s32 s9, s7  }
0x64: {  	[tilespmem:s5], [sflag:$0x1] =	stream.linear.gather [hbm4b:s9+s3], $0x80, $0x38;
	[tilespmem:$0x19800] =	vst v63  }
0x65: {  	s21 =	simm.s32 $0x0;
	s2 =	simm.s32 $0xAC00  }
0x66: {  	s4 =	simm.s32 $0x10;
	s9 =	sadd.s32 $0x0, s26;
	s5 =	simm.s32 $0xAC90  }
.LBB2_4:
0x67: {  	[tilespmem:s2], [sflag:$0x1] =	stream.linear.gather [hbm4b:s9+s21], $0x80, $0x38;
	[tilespmem:$0x19800] =	vst v63  }
0x68: {  	s9 =	smov.u32 s4;
	s2 =	smov.u32 s5;
	p1 =	sne.s32 s4, $0x3F0  }
.Ltmp1:
0x69: {  	s4 =	sadd.s32 $0x10, s4;
	(pc) =	sbr.rel @p1 .LBB2_4-.Ltmp1, $2  }
0x6a: {  	_ =	sdelay $0x2  }
0x6b: {  	s5 =	sadd.s32 $0x90, s5;
	s9 =	sadd.s32 s9, s26  }
.Ltmp2:
0x6c: {  	(pc) =	sbr.rel .LBB2_6-.Ltmp2, $2  }
0x6d: {  	_ =	sdelay $0x2  }
0x6e: {  	[tilespmem:s2], [sflag:$0x1] =	stream.linear.gather [hbm4b:s9+s21], $0x80, $0x38;
	[tilespmem:$0x19800] =	vst v63  }
.LBB2_24:
0x6f: {  	s21 =	sadd.s32 $0x1, s21  }
0x70: {  	p1 =	sne.s32 s21, $0x1F  }
.Ltmp3:
0x71: {  	_ = 	snop;
	(pc) =	sbr.rel @!p1 .LBB2_25-.Ltmp3, $1  }
0x72: {  	_ =	sdelay $0x3  }
.LBB2_6:
0x73: {  	s5 =	sshll.u32 s21, $0x5;
	s2 =	stileid.u32  }
0x74: {  	s9 =	sor.u32 s2, s5  }
0x75: {  	s2 =	sor.u32 $0x10, s9  }
0x76: {  	p2 =	sgt.u32 s2, $0x3D0  }
.Ltmp4:
0x77: {  	_ = 	snop;
	(pc) =	sbr.rel @p2 .LBB2_12-.Ltmp4, $4  }
0x78: {  	_ = 	snop  }
0x79: {  	_ =	swait.ge [sflag:s28], $0x4000  }
0x7a: {  	[sflag:s28] =	ssyncset.done $0x0  }
0x7b: {  	[sflag:s28] =	ssyncadd.s32 $0xFFFFC000  }
0x7c: {  	s4 =	sshll.u32 s2, $0xA;
	s10 =	rddreg [dreg:$0x4]  }
0x7d: {  	s25 =	simm.s32 $0xD000;
	s4 =	sadd.s32 s10, s4  }
0x7e: {  	s30 =	simm.s32 $0x10;
	s22 =	simm.s32 $0xD090;
	s23 =	sadd.s32 $0x0, s4  }
.LBB2_8:
0x7f: {  	[tilespmem:s25], [sflag:$0x2] =	stream.linear.gather [hbm4b:s23+s3], $0x80, $0x38;
	[tilespmem:$0x19800] =	vst v63  }
0x80: {  	s23 =	smov.u32 s30;
	s25 =	smov.u32 s22;
	p1 =	sne.s32 s30, $0x3F0  }
.Ltmp5:
0x81: {  	s30 =	sadd.s32 $0x10, s30;
	(pc) =	sbr.rel @p1 .LBB2_8-.Ltmp5, $2  }
0x82: {  	_ =	sdelay $0x2  }
0x83: {  	s22 =	sadd.s32 $0x90, s22;
	s23 =	sadd.s32 s23, s4  }
0x84: {  	[tilespmem:s25], [sflag:$0x2] =	stream.linear.gather [hbm4b:s23+s3], $0x80, $0x38;
	[tilespmem:$0x19800] =	vst v63  }
0x85: {  	s4 =	sadd.s32 $0x100000, s4;
	s25 =	simm.s32 $0xF400  }
0x86: {  	s30 =	simm.s32 $0x10;
	s22 =	simm.s32 $0xF490;
	s23 =	sadd.s32 $0x0, s4  }
.LBB2_10:
0x87: {  	[tilespmem:s25], [sflag:$0x2] =	stream.linear.gather [hbm4b:s23+s3], $0x80, $0x38;
	[tilespmem:$0x19800] =	vst v63  }
0x88: {  	s23 =	smov.u32 s30;
	s25 =	smov.u32 s22;
	p1 =	sne.s32 s30, $0x3F0  }
.Ltmp6:
0x89: {  	s30 =	sadd.s32 $0x10, s30;
	(pc) =	sbr.rel @p1 .LBB2_10-.Ltmp6, $2  }
0x8a: {  	_ =	sdelay $0x2  }
0x8b: {  	s22 =	sadd.s32 $0x90, s22;
	s23 =	sadd.s32 s23, s4  }
0x8c: {  	[tilespmem:s25], [sflag:$0x2] =	stream.linear.gather [hbm4b:s23+s3], $0x80, $0x38;
	[tilespmem:$0x19800] =	vst v63  }
.LBB2_12:
0x8d: {  	s4 =	simm.s32 $0x0  }
0x8e: {  	s22 =	simm.s32 $0x0;
	s23 =	simm.s32 $0x3;
	s25 =	simm.s32 $0x6  }
0x8f: {  	s30 =	simm.s32 $0x7;
	s17 =	simm.s32 $0x2;
	s23 =	sand.u32 $0x7B, s23  }
0x90: {  	v18 =	vmov s22;
	s25 =	sand.u32 $0x7E, s25;
	s11 =	sand.u32 $0x7F, s30;
	s4 =	sand.u32 $0x78, s4;
	v19 =	vmov s23  }
0x91: {  	s10 =	simm.s32 $0x5;
	s22 =	sand.u32 $0x7A, s17;
	v20 =	vmov s25;
	v21 =	vmov s11;
	v22 =	vmov s4  }
0x92: {  	s23 =	sand.u32 $0x7D, s10;
	v18 =	vmul.u32 $0x480, v18;
	v24 =	vmov s22;
	v19 =	vshrl.u32 v19, $0x3  }
0x93: {  	v23 =	vmov s23;
	v21 =	vshrl.u32 v21, $0x3;
	v20 =	vshrl.u32 v20, $0x3  }
0x94: {  	s25 =	simm.s32 $0x1;
	v24 =	vshrl.u32 v24, $0x3;
	v22 =	vshrl.u32 v22, $0x3;
	v19 =	vshll.u32 v19, v1  }
0x95: {  	s30 =	simm.s32 $0x8;
	s17 =	simm.s32 $0xE;
	s4 =	sand.u32 $0x79, s25;
	v23 =	vshrl.u32 v23, $0x3;
	v21 =	vshll.u32 v21, v1;
	v24 =	vshll.u32 v24, v1  }
0x96: {  	s23 =	simm.s32 $0x4;
	s25 =	sand.u32 $0x7E, s17;
	s17 =	sand.u32 $0x78, s30;
	v22 =	vshll.u32 v22, v1;
	v26 =	vmov s4;
	v20 =	vshll.u32 v20, v1  }
0x97: {  	s24 =	sand.u32 $0x7C, s23;
	v29 =	vmov s25;
	v31 =	vmov s17;
	v23 =	vshll.u32 v23, v1  }
0x98: {  	v19 =	vor.u32 v18, v19;
	v25 =	vmov s24;
	v24 =	vor.u32 v18, v24  }
0x99: {  	v22 =	vor.u32 v18, v22;
	v26 =	vshrl.u32 v26, $0x3;
	v20 =	vor.u32 v18, v20  }
0x9a: {  	v29 =	vshrl.u32 v29, $0x3;
	v25 =	vshrl.u32 v25, $0x3;
	v24 =	vbroadcast v24, $0x0  }
0x9b: {  	v22 =	vbroadcast v22, $0x0;
	v26 =	vshll.u32 v26, v1;
	v20 =	vbroadcast v20, $0x0  }
0x9c: {  	v23 =	vor.u32 v18, v23;
	v19 =	vbroadcast v19, $0x0;
	v25 =	vshll.u32 v25, v1  }
0x9d: {  	p1 =	seq.s32 s21, $0x0;
	v29 =	vshll.u32 v29, v1;
	v25 =	vor.u32 v18, v25;
	v24 =	vadd.s32 v4, v24  }
0x9e: {  	s11 =	simm.s32 $0xB;
	s4 =	simm.s32 @!p1 $0x5;
	v26 =	vor.u32 v18, v26;
	v22 =	vadd.s32 v2, v22;
	v25 =	vbroadcast v25, $0x0  }
0x9f: {  	_ =	swait.ge @!p1 [sflag:s4], $0x4000;
	s24 =	sand.u32 $0x7B, s11;
	v23 =	vbroadcast v23, $0x0;
	v18 =	vor.u32 v18, v21;
	v27 =	vadd.s32 v5, v19  }
0xa0: {  	[sflag:s4] =	ssyncset.done @!p1 $0x0;
	v19 =	vmov s24;
	v18 =	vbroadcast v18, $0x0;
	v21 =	vadd.s32 v6, v25  }
0xa1: {  	s10 =	simm.s32 $0x0;
	s11 =	simm.s32 $0xD;
	[sflag:s4] =	ssyncadd.s32 @!p1 $0xFFFFC000;
	v26 =	vbroadcast v26, $0x0;
	v19 =	vshrl.u32 v19, $0x3;
	v25 =	vadd.s32 v8, v20  }
0xa2: {  	s22 =	sand.u32 $0x7D, s11;
	v23 =	vadd.s32 v7, v23;
	v20 =	vmov s10;
	s10 =	simm.s32 $0xF;
	v28 =	vadd.s32 v9, v18;
	v24 =	vld.idx.msk [tilespmem:v24+s29+$0x0], $0xffff  }
0xa3: {  	v32 =	vshll.u32 v19, v1;
	s23 =	sand.u32 $0x7F, s10;
	v18 =	vmul.u32 $0x480, v20;
	v20 =	vmov s22;
	s22 =	simm.s32 $0xA;
	v22 =	vld.idx.msk [tilespmem:v22+s29+$0x0], $0xffff  }
0xa4: {  	v26 =	vadd.s32 v3, v26;
	v30 =	vmov s23;
	v19 =	vshrl.u32 v20, $0x3;
	s4 =	sand.u32 $0x7A, s22;
	v34 =	vld.idx.msk [tilespmem:v27+s29+$0x0], $0xffff  }
0xa5: {  	s23 =	simm.s32 $0xC;
	v20 =	vshrl.u32 v30, $0x3;
	v30 =	vshll.u32 v19, v1;
	v33 =	vmov s4;
	v21 =	vld.idx.msk [tilespmem:v21+s29+$0x0], $0xffff  }
0xa6: {  	s25 =	simm.s32 $0x11840;
	s22 =	sand.u32 $0x7C, s23;
	v29 =	vor.u32 v18, v29;
	v19 =	vshll.u32 v20, v1;
	v20 =	vor.u32 v18, v32;
	v25 =	vld.idx.msk [tilespmem:v25+s29+$0x0], $0xffff  }
0xa7: {  	v62 =	vshrl.u32 v33, $0x3;
	v63 =	vmov s22;
	v28 =	vld.idx.msk [tilespmem:v28+s29+$0x0], $0xffff;
	[tilespmem:s25+$0xFFFFFFE0] =	vst v24;
	v24 =	vshrl.u32 v31, $0x3  }
0xa8: {  	s24 =	simm.s32 $0x9;
	v27 =	vshll.u32 v62, v1;
	v31 =	vshrl.u32 v63, $0x3;
	[tilespmem:s25+$0xFFFFFFC0] =	vst v22;
	v24 =	vshll.u32 v24, v1  }
0xa9: {  	s4 =	sand.u32 $0x79, s24;
	v27 =	vor.u32 v18, v27;
	[tilespmem:s25+$0xFFFFFFF0] =	vst v34;
	v31 =	vshll.u32 v31, v1;
	v22 =	vor.u32 v18, v24  }
0xaa: {  	v24 =	vbroadcast v27, $0x0;
	v27 =	vor.u32 v18, v31;
	v31 =	vmov s4;
	[tilespmem:s25+$0x0] =	vst v21  }
0xab: {  	v22 =	vbroadcast v22, $0x0;
	v21 =	vld.idx.msk [tilespmem:v23+s29+$0x0], $0xffff;
	[tilespmem:s25+$0x20] =	vst v25;
	v25 =	vshrl.u32 v31, $0x3;
	v27 =	vbroadcast v27, $0x0  }
0xac: {  	[tilespmem:s25+$0x30] =	vst v28;
	v28 =	vbroadcast v29, $0x0;
	v24 =	vadd.s32 v4, v24;
	v25 =	vshll.u32 v25, v1  }
0xad: {  	s4 =	simm.s32 $0x118C0;
	v23 =	vadd.s32 v2, v22;
	v22 =	vld.idx.msk [tilespmem:v26+s29+$0x0], $0xffff;
	v25 =	vor.u32 v18, v25;
	v26 =	vor.u32 v18, v30  }
.LBB2_13:
0xae: {  	s22 =	sadd.s32 $0x9, s30  }
0xaf: {  	s23 =	sadd.s32 $0xA, s30;
	v20 =	vbroadcast v20, $0x0;
	v27 =	vadd.s32 v6, v27;
	v18 =	vor.u32 v18, v19;
	s24 =	smov.u32 s30;
	s30 =	sadd.s32 $0x8, s30  }
0xb0: {  	s17 =	sshrl.u32 s30, $0x7;
	s10 =	sadd.s32 $0xB, s24;
	s11 =	sadd.s32 $0xE, s24;
	v19 =	vadd.s32 v8, v28;
	v18 =	vbroadcast v18, $0x0;
	[tilespmem:s25+$0x10] =	vst v21  }
0xb1: {  	v26 =	vbroadcast v26, $0x0;
	v21 =	vmov s17;
	s10 =	sand.u32 $0x7B, s10;
	s11 =	sand.u32 $0x7E, s11;
	s17 =	sadd.s32 $0xF, s24;
	v24 =	vld.idx.msk [tilespmem:v24+s29+$0x0], $0xffff;
	v20 =	vadd.s32 v5, v20  }
0xb2: {  	v25 =	vbroadcast v25, $0x0;
	v28 =	vmov s10;
	s10 =	sadd.s32 $0xC, s24;
	s24 =	sadd.s32 $0xD, s24;
	s17 =	sand.u32 $0x7F, s17;
	v23 =	vld.idx.msk [tilespmem:v23+s29+$0x0], $0xffff;
	v29 =	vadd.s32 v9, v18;
	[tilespmem:s25+$0xFFFFFFD0] =	vst v22  }
0xb3: {  	s23 =	sand.u32 $0x7A, s23;
	s25 =	sand.u32 $0x78, s30;
	v22 =	vshrl.u32 v28, $0x3;
	s24 =	sand.u32 $0x7D, s24;
	v28 =	vmov s11;
	v30 =	vmov s17  }
0xb4: {  	p3 =	slt.u32 s30, $0x3F8;
	v18 =	vmul.u32 $0x480, v21;
	v31 =	vmov s25;
	s11 =	sand.u32 $0x79, s22;
	s25 =	smov.u32 s4;
	v21 =	vmov s24;
	v27 =	vld.idx.msk [tilespmem:v27+s29+$0x0], $0xffff  }
0xb5: {  	v22 =	vshll.u32 v22, v1;
	v30 =	vshrl.u32 v30, $0x3;
	v21 =	vshrl.u32 v21, $0x3;
	v32 =	vld.idx.msk [tilespmem:v19+s29+$0x0], $0xffff  }
0xb6: {  	s10 =	sand.u32 $0x7C, s10;
	v19 =	vshll.u32 v30, v1;
	v33 =	vshll.u32 v21, v1;
	v30 =	vld.idx.msk [tilespmem:v20+s29+$0x0], $0xffff;
	v21 =	vadd.s32 v7, v26  }
0xb7: {  	v26 =	vmov s23;
	v20 =	vor.u32 v18, v22;
	v22 =	vshrl.u32 v28, $0x3;
	[tilespmem:s4+$0xFFFFFFE0] =	vst v24;
	v28 =	vld.idx.msk [tilespmem:v29+s29+$0x0], $0xffff  }
0xb8: {  	v24 =	vshrl.u32 v26, $0x3;
	v26 =	vmov s10;
	[tilespmem:s4+$0xFFFFFFC0] =	vst v23;
	v23 =	vadd.s32 v3, v25  }
0xb9: {  	v25 =	vshrl.u32 v31, $0x3;
	v24 =	vshll.u32 v24, v1;
	v26 =	vshrl.u32 v26, $0x3  }
0xba: {  	v25 =	vshll.u32 v25, v1;
	v24 =	vor.u32 v18, v24;
	v26 =	vshll.u32 v26, v1;
	[tilespmem:s4+$0x0] =	vst v27  }
.Ltmp7:
0xbb: {  	v25 =	vor.u32 v18, v25;
	v24 =	vbroadcast v24, $0x0;
	v26 =	vor.u32 v18, v26;
	v21 =	vld.idx.msk [tilespmem:v21+s29+$0x0], $0xffff;
	[tilespmem:s4+$0x20] =	vst v32;
	(pc) =	sbr.rel @p3 .LBB2_13-.Ltmp7, $4  }
0xbc: {  	v29 =	vshll.u32 v22, v1;
	v27 =	vmov s11;
	v25 =	vbroadcast v25, $0x0;
	[tilespmem:s4+$0xFFFFFFF0] =	vst v30  }
0xbd: {  	v30 =	vshrl.u32 v27, $0x3;
	v24 =	vadd.s32 v4, v24;
	v27 =	vbroadcast v26, $0x0;
	v22 =	vld.idx.msk [tilespmem:v23+s29+$0x0], $0xffff;
	[tilespmem:s4+$0x30] =	vst v28  }
0xbe: {  	v23 =	vadd.s32 v2, v25;
	v25 =	vshll.u32 v30, v1;
	v28 =	vor.u32 v18, v29  }
0xbf: {  	v26 =	vor.u32 v18, v33;
	s4 =	sadd.s32 $0x80, s4;
	v25 =	vor.u32 v18, v25;
	v28 =	vbroadcast v28, $0x0  }
0xc0: {  	_ = 	snop  }
0xc1: {  	v20 =	vbroadcast v20, $0x0;
	v27 =	vadd.s32 v6, v27  }
0xc2: {  	v18 =	vor.u32 v18, v19;
	v26 =	vbroadcast v26, $0x0;
	v19 =	vadd.s32 v8, v28  }
0xc3: {  	v25 =	vbroadcast v25, $0x0;
	v20 =	vadd.s32 v5, v20  }
0xc4: {  	v24 =	vld.idx.msk [tilespmem:v24+s29+$0x0], $0xffff;
	v18 =	vbroadcast v18, $0x0;
	v26 =	vadd.s32 v7, v26  }
0xc5: {  	v23 =	vld.idx.msk [tilespmem:v23+s29+$0x0], $0xffff;
	v25 =	vadd.s32 v3, v25  }
0xc6: {  	v18 =	vadd.s32 v9, v18;
	v27 =	vld.idx.msk [tilespmem:v27+s29+$0x0], $0xffff  }
0xc7: {  	[tilespmem:s25+$0x10] =	vst v21;
	v19 =	vld.idx.msk [tilespmem:v19+s29+$0x0], $0xffff  }
0xc8: {  	[tilespmem:s25+$0xFFFFFFD0] =	vst v22;
	v20 =	vld.idx.msk [tilespmem:v20+s29+$0x0], $0xffff  }
0xc9: {  	[tilespmem:s4+$0xFFFFFFE0] =	vst v24;
	v62 =	vld.idx.msk [tilespmem:v26+s29+$0x0], $0xffff  }
0xca: {  	[tilespmem:s4+$0xFFFFFFC0] =	vst v23;
	v63 =	vld.idx.msk [tilespmem:v25+s29+$0x0], $0xffff  }
0xcb: {  	v18 =	vld.idx.msk [tilespmem:v18+s29+$0x0], $0xffff;
	[tilespmem:s4+$0x0] =	vst v27  }
0xcc: {  	[tilespmem:s4+$0x20] =	vst v19  }
0xcd: {  	[tilespmem:s4+$0xFFFFFFF0] =	vst v20  }
0xce: {  	[tilespmem:s4+$0x10] =	vst v62  }
.Ltmp8:
0xcf: {  	[tilespmem:s4+$0xFFFFFFD0] =	vst v63;
	(pc) =	sbr.rel @p2 .LBB2_24-.Ltmp8, $4  }
0xd0: {  	[tilespmem:s4+$0x30] =	vst v18  }
0xd1: {  	s9 =	sshll.u32 s9, $0xB;
	s4 =	rddreg [dreg:$0x6]  }
0xd2: {  	s30 =	simm.s32 $0x11800;
	s4 =	sadd.s32 s9, s4  }
0xd3: {  	[hbm4b:s4+s3] =	stream.linear.scatter [tilespmem:s30], [sflag:$0x5], $0x4000, $0x38;
	[tilespmem:$0x19800] =	vst v63  }
0xd4: {  	_ =	swait.ge [sflag:s31], $0x4000  }
0xd5: {  	s4 =	rddreg [dreg:$0x5]  }
0xd6: {  	s4 =	sadd.s32 s4, s5  }
0xd7: {  	p2 =	sgt.u32 s4, $0x3D0  }
.Ltmp9:
0xd8: {  	_ = 	snop;
	(pc) =	sbr.rel @p2 .LBB2_21-.Ltmp9, $3  }
0xd9: {  	_ =	sdelay $0x1  }
0xda: {  	[sflag:s31] =	ssyncset.done $0x0  }
0xdb: {  	[sflag:s31] =	ssyncadd.s32 $0xFFFFC000  }
0xdc: {  	s4 =	sshll.u32 s4, $0xA;
	s5 =	rddreg [dreg:$0x4]  }
0xdd: {  	s9 =	simm.s32 $0x10;
	s4 =	sadd.s32 s5, s4  }
0xde: {  	s22 =	simm.s32 $0x8890;
	s5 =	simm.s32 $0x8800;
	s23 =	sadd.s32 $0x0, s4  }
.LBB2_17:
0xdf: {  	[tilespmem:s5], [sflag:$0x1] =	stream.linear.gather [hbm4b:s23+s3], $0x80, $0x38;
	[tilespmem:$0x19800] =	vst v63  }
0xe0: {  	s10 =	smov.u32 s9;
	s5 =	smov.u32 s22;
	p2 =	sne.s32 s9, $0x3F0  }
.Ltmp10:
0xe1: {  	s9 =	sadd.s32 $0x10, s9;
	(pc) =	sbr.rel @p2 .LBB2_17-.Ltmp10, $2  }
0xe2: {  	_ =	sdelay $0x2  }
0xe3: {  	s22 =	sadd.s32 $0x90, s22;
	s23 =	sadd.s32 s10, s4  }
0xe4: {  	[tilespmem:s5], [sflag:$0x1] =	stream.linear.gather [hbm4b:s23+s3], $0x80, $0x38;
	[tilespmem:$0x19800] =	vst v63  }
0xe5: {  	s4 =	sadd.s32 $0x100000, s4;
	s5 =	simm.s32 $0xAC00  }
0xe6: {  	s9 =	simm.s32 $0x10;
	s22 =	simm.s32 $0xAC90;
	s23 =	sadd.s32 $0x0, s4  }
.LBB2_19:
0xe7: {  	[tilespmem:s5], [sflag:$0x1] =	stream.linear.gather [hbm4b:s23+s3], $0x80, $0x38;
	[tilespmem:$0x19800] =	vst v63  }
0xe8: {  	s10 =	smov.u32 s9;
	s5 =	smov.u32 s22;
	p2 =	sne.s32 s9, $0x3F0  }
.Ltmp11:
0xe9: {  	s9 =	sadd.s32 $0x10, s9;
	(pc) =	sbr.rel @p2 .LBB2_19-.Ltmp11, $2  }
0xea: {  	_ =	sdelay $0x2  }
0xeb: {  	s22 =	sadd.s32 $0x90, s22;
	s23 =	sadd.s32 s10, s4  }
0xec: {  	[tilespmem:s5], [sflag:$0x1] =	stream.linear.gather [hbm4b:s23+s3], $0x80, $0x38;
	[tilespmem:$0x19800] =	vst v63  }
.LBB2_21:
0xed: {  	s4 =	simm.s32 $0x0  }
0xee: {  	s5 =	simm.s32 $0x0;
	s9 =	simm.s32 $0x3;
	s10 =	simm.s32 $0x6  }
0xef: {  	s11 =	simm.s32 $0x7;
	s24 =	simm.s32 $0x5;
	s9 =	sand.u32 $0x7B, s9  }
0xf0: {  	v18 =	vmov s5;
	s23 =	sand.u32 $0x7E, s10;
	s25 =	sand.u32 $0x7F, s11;
	s4 =	sand.u32 $0x78, s4;
	v19 =	vmov s9  }
0xf1: {  	s10 =	simm.s32 $0x4;
	s9 =	sand.u32 $0x7D, s24;
	v20 =	vmov s23;
	v21 =	vmov s25;
	v22 =	vmov s4  }
0xf2: {  	s17 =	simm.s32 $0x1;
	v18 =	vmul.u32 $0x480, v18;
	s11 =	sand.u32 $0x7C, s10;
	v19 =	vshrl.u32 v19, $0x3;
	v23 =	vmov s9  }
0xf3: {  	s30 =	simm.s32 $0x2;
	s4 =	sand.u32 $0x79, s17;
	v21 =	vshrl.u32 v21, $0x3;
	v20 =	vshrl.u32 v20, $0x3;
	v25 =	vmov s11  }
0xf4: {  	s9 =	sand.u32 $0x7A, s30;
	v22 =	vshrl.u32 v22, $0x3;
	v26 =	vmov s4;
	v19 =	vshll.u32 v19, v1  }
0xf5: {  	s24 =	simm.s32 $0xE;
	v23 =	vshrl.u32 v23, $0x3;
	v21 =	vshll.u32 v21, v1;
	v24 =	vmov s9  }
0xf6: {  	s11 =	sand.u32 $0x7E, s24;
	v25 =	vshrl.u32 v25, $0x3;
	v22 =	vshll.u32 v22, v1;
	v20 =	vshll.u32 v20, v1  }
0xf7: {  	v26 =	vshrl.u32 v26, $0x3;
	v29 =	vmov s11;
	v23 =	vshll.u32 v23, v1  }
0xf8: {  	s30 =	simm.s32 $0xF;
	v19 =	vor.u32 v18, v19;
	v24 =	vshrl.u32 v24, $0x3;
	v25 =	vshll.u32 v25, v1  }
0xf9: {  	s10 =	sand.u32 $0x7F, s30;
	v22 =	vor.u32 v18, v22;
	v26 =	vshll.u32 v26, v1;
	v24 =	vshll.u32 v24, v1  }
0xfa: {  	v20 =	vor.u32 v18, v20;
	v30 =	vmov s10;
	v24 =	vor.u32 v18, v24  }
0xfb: {  	v29 =	vshrl.u32 v29, $0x3;
	v25 =	vor.u32 v18, v25;
	v24 =	vbroadcast v24, $0x0  }
0xfc: {  	v22 =	vbroadcast v22, $0x0;
	v26 =	vor.u32 v18, v26;
	v20 =	vbroadcast v20, $0x0  }
0xfd: {  	s4 =	simm.s32 @!p1 $0x6;
	v23 =	vor.u32 v18, v23;
	v25 =	vbroadcast v25, $0x0;
	v24 =	vadd.s32 v4, v24  }
0xfe: {  	s23 =	simm.s32 $0xB;
	_ =	swait.ge @!p1 [sflag:s4], $0x4000;
	v19 =	vbroadcast v19, $0x0;
	v18 =	vor.u32 v18, v21;
	v22 =	vadd.s32 v2, v22  }
0xff: {  	s25 =	sand.u32 $0x7B, s23;
	s23 =	simm.s32 $0xA;
	[sflag:s4] =	ssyncset.done @!p1 $0x0;
	v29 =	vshll.u32 v29, v1;
	v18 =	vbroadcast v18, $0x0;
	v21 =	vadd.s32 v6, v25  }
0x100: {  	[sflag:s4] =	ssyncadd.s32 @!p1 $0xFFFFC000;
	s4 =	sand.u32 $0x7A, s23;
	v23 =	vbroadcast v23, $0x0;
	v26 =	vbroadcast v26, $0x0;
	v25 =	vadd.s32 v8, v20  }
0x101: {  	s22 =	simm.s32 $0x0;
	s24 =	simm.s32 $0xC;
	v33 =	vmov s4;
	v27 =	vadd.s32 v5, v19;
	v28 =	vadd.s32 v9, v18  }
0x102: {  	s17 =	simm.s32 $0xD;
	v19 =	vmov s25;
	s25 =	sand.u32 $0x7C, s24;
	v62 =	vshrl.u32 v33, $0x3;
	v20 =	vmov s22;
	v24 =	vld.idx.msk [tilespmem:v24+s1+$0x0], $0xffff  }
0x103: {  	s9 =	sand.u32 $0x7D, s17;
	v19 =	vshrl.u32 v19, $0x3;
	v23 =	vadd.s32 v7, v23;
	v63 =	vmov s25;
	v22 =	vld.idx.msk [tilespmem:v22+s1+$0x0], $0xffff  }
0x104: {  	s5 =	simm.s32 $0x8;
	v26 =	vadd.s32 v3, v26;
	v18 =	vmul.u32 $0x480, v20;
	v20 =	vmov s9;
	v21 =	vld.idx.msk [tilespmem:v21+s1+$0x0], $0xffff  }
0x105: {  	s22 =	sand.u32 $0x78, s5;
	v32 =	vshll.u32 v19, v1;
	v19 =	vshrl.u32 v20, $0x3;
	v20 =	vshrl.u32 v30, $0x3;
	v25 =	vld.idx.msk [tilespmem:v25+s1+$0x0], $0xffff  }
0x106: {  	v31 =	vmov s22;
	s9 =	simm.s32 $0x15870;
	v30 =	vshll.u32 v19, v1;
	v19 =	vshll.u32 v20, v1;
	v28 =	vld.idx.msk [tilespmem:v28+s1+$0x0], $0xffff  }
0x107: {  	v20 =	vor.u32 v18, v32;
	v29 =	vor.u32 v18, v29;
	v34 =	vld.idx.msk [tilespmem:v27+s1+$0x0], $0xffff;
	[tilespmem:s9+$0xFFFFFFB0] =	vst v24;
	v24 =	vshrl.u32 v31, $0x3  }
0x108: {  	s30 =	simm.s32 $0x9;
	v27 =	vshll.u32 v62, v1;
	[tilespmem:s9+$0xFFFFFF90] =	vst v22;
	v31 =	vshrl.u32 v63, $0x3;
	v24 =	vshll.u32 v24, v1  }
0x109: {  	s4 =	sand.u32 $0x79, s30;
	v27 =	vor.u32 v18, v27;
	[tilespmem:s9+$0xFFFFFFD0] =	vst v21;
	v31 =	vshll.u32 v31, v1;
	v22 =	vor.u32 v18, v24  }
0x10a: {  	[tilespmem:s9+$0xFFFFFFF0] =	vst v25;
	v24 =	vbroadcast v27, $0x0;
	v27 =	vor.u32 v18, v31;
	v31 =	vmov s4  }
0x10b: {  	v21 =	vld.idx.msk [tilespmem:v23+s1+$0x0], $0xffff;
	[tilespmem:s9+$0x0] =	vst v28;
	v28 =	vbroadcast v29, $0x0;
	v22 =	vbroadcast v22, $0x0;
	v25 =	vshrl.u32 v31, $0x3  }
0x10c: {  	[tilespmem:s9+$0xFFFFFFC0] =	vst v34;
	v27 =	vbroadcast v27, $0x0;
	v24 =	vadd.s32 v4, v24;
	v25 =	vshll.u32 v25, v1  }
0x10d: {  	s4 =	simm.s32 $0x158F0;
	v23 =	vadd.s32 v2, v22;
	v22 =	vld.idx.msk [tilespmem:v26+s1+$0x0], $0xffff;
	v25 =	vor.u32 v18, v25;
	v26 =	vor.u32 v18, v30  }
.LBB2_22:
0x10e: {  	s10 =	sadd.s32 $0x9, s5  }
0x10f: {  	s11 =	sadd.s32 $0xA, s5;
	v20 =	vbroadcast v20, $0x0;
	v27 =	vadd.s32 v6, v27;
	v18 =	vor.u32 v18, v19;
	s17 =	smov.u32 s5;
	s5 =	sadd.s32 $0x8, s5  }
0x110: {  	s22 =	sshrl.u32 s5, $0x7;
	s23 =	sadd.s32 $0xB, s17;
	s24 =	sadd.s32 $0xE, s17;
	v19 =	vadd.s32 v8, v28;
	v18 =	vbroadcast v18, $0x0;
	[tilespmem:s9+$0xFFFFFFE0] =	vst v21  }
0x111: {  	v26 =	vbroadcast v26, $0x0;
	v21 =	vmov s22;
	s22 =	sand.u32 $0x7B, s23;
	s23 =	sand.u32 $0x7E, s24;
	s24 =	sadd.s32 $0xF, s17;
	v24 =	vld.idx.msk [tilespmem:v24+s1+$0x0], $0xffff;
	v20 =	vadd.s32 v5, v20  }
0x112: {  	v25 =	vbroadcast v25, $0x0;
	v28 =	vmov s22;
	s22 =	sadd.s32 $0xC, s17;
	s17 =	sadd.s32 $0xD, s17;
	s24 =	sand.u32 $0x7F, s24;
	v23 =	vld.idx.msk [tilespmem:v23+s1+$0x0], $0xffff;
	v29 =	vadd.s32 v9, v18;
	[tilespmem:s9+$0xFFFFFFA0] =	vst v22  }
0x113: {  	s11 =	sand.u32 $0x7A, s11;
	s9 =	sand.u32 $0x78, s5;
	v22 =	vshrl.u32 v28, $0x3;
	s17 =	sand.u32 $0x7D, s17;
	v28 =	vmov s23;
	v30 =	vmov s24  }
0x114: {  	s10 =	sand.u32 $0x79, s10;
	p1 =	slt.u32 s5, $0x3F8;
	v18 =	vmul.u32 $0x480, v21;
	v31 =	vmov s9;
	s9 =	smov.u32 s4;
	v21 =	vmov s17;
	v27 =	vld.idx.msk [tilespmem:v27+s1+$0x0], $0xffff  }
0x115: {  	v22 =	vshll.u32 v22, v1;
	v30 =	vshrl.u32 v30, $0x3;
	v21 =	vshrl.u32 v21, $0x3;
	v32 =	vld.idx.msk [tilespmem:v19+s1+$0x0], $0xffff  }
0x116: {  	s17 =	sand.u32 $0x7C, s22;
	v19 =	vshll.u32 v30, v1;
	v33 =	vshll.u32 v21, v1;
	v30 =	vld.idx.msk [tilespmem:v20+s1+$0x0], $0xffff;
	v21 =	vadd.s32 v7, v26  }
0x117: {  	v26 =	vmov s11;
	v20 =	vor.u32 v18, v22;
	v22 =	vshrl.u32 v28, $0x3;
	[tilespmem:s4+$0xFFFFFFB0] =	vst v24;
	v28 =	vld.idx.msk [tilespmem:v29+s1+$0x0], $0xffff  }
0x118: {  	v24 =	vshrl.u32 v26, $0x3;
	v26 =	vmov s17;
	[tilespmem:s4+$0xFFFFFF90] =	vst v23;
	v23 =	vadd.s32 v3, v25  }
0x119: {  	v25 =	vshrl.u32 v31, $0x3;
	v24 =	vshll.u32 v24, v1;
	v26 =	vshrl.u32 v26, $0x3  }
0x11a: {  	v25 =	vshll.u32 v25, v1;
	v24 =	vor.u32 v18, v24;
	v26 =	vshll.u32 v26, v1;
	[tilespmem:s4+$0xFFFFFFD0] =	vst v27  }
.Ltmp12:
0x11b: {  	v25 =	vor.u32 v18, v25;
	v24 =	vbroadcast v24, $0x0;
	v26 =	vor.u32 v18, v26;
	v21 =	vld.idx.msk [tilespmem:v21+s1+$0x0], $0xffff;
	[tilespmem:s4+$0xFFFFFFF0] =	vst v32;
	(pc) =	sbr.rel @p1 .LBB2_22-.Ltmp12, $4  }
0x11c: {  	v29 =	vshll.u32 v22, v1;
	v27 =	vmov s10;
	v25 =	vbroadcast v25, $0x0;
	[tilespmem:s4+$0xFFFFFFC0] =	vst v30  }
0x11d: {  	v30 =	vshrl.u32 v27, $0x3;
	v24 =	vadd.s32 v4, v24;
	v27 =	vbroadcast v26, $0x0;
	v22 =	vld.idx.msk [tilespmem:v23+s1+$0x0], $0xffff;
	[tilespmem:s4+$0x0] =	vst v28  }
0x11e: {  	v23 =	vadd.s32 v2, v25;
	v25 =	vshll.u32 v30, v1;
	v28 =	vor.u32 v18, v29  }
0x11f: {  	v26 =	vor.u32 v18, v33;
	s4 =	sadd.s32 $0x80, s4;
	v25 =	vor.u32 v18, v25;
	v28 =	vbroadcast v28, $0x0  }
0x120: {  	_ = 	snop  }
0x121: {  	v20 =	vbroadcast v20, $0x0;
	v27 =	vadd.s32 v6, v27  }
0x122: {  	v18 =	vor.u32 v18, v19;
	v26 =	vbroadcast v26, $0x0;
	v19 =	vadd.s32 v8, v28  }
0x123: {  	v25 =	vbroadcast v25, $0x0;
	v20 =	vadd.s32 v5, v20  }
0x124: {  	v24 =	vld.idx.msk [tilespmem:v24+s1+$0x0], $0xffff;
	v18 =	vbroadcast v18, $0x0;
	v26 =	vadd.s32 v7, v26  }
0x125: {  	v23 =	vld.idx.msk [tilespmem:v23+s1+$0x0], $0xffff;
	v25 =	vadd.s32 v3, v25  }
0x126: {  	v18 =	vadd.s32 v9, v18;
	v27 =	vld.idx.msk [tilespmem:v27+s1+$0x0], $0xffff  }
0x127: {  	[tilespmem:s9+$0xFFFFFFE0] =	vst v21;
	v19 =	vld.idx.msk [tilespmem:v19+s1+$0x0], $0xffff  }
0x128: {  	[tilespmem:s9+$0xFFFFFFA0] =	vst v22;
	v20 =	vld.idx.msk [tilespmem:v20+s1+$0x0], $0xffff  }
0x129: {  	[tilespmem:s4+$0xFFFFFFB0] =	vst v24;
	v62 =	vld.idx.msk [tilespmem:v26+s1+$0x0], $0xffff  }
0x12a: {  	[tilespmem:s4+$0xFFFFFF90] =	vst v23;
	v63 =	vld.idx.msk [tilespmem:v25+s1+$0x0], $0xffff  }
0x12b: {  	v18 =	vld.idx.msk [tilespmem:v18+s1+$0x0], $0xffff;
	[tilespmem:s4+$0xFFFFFFD0] =	vst v27  }
0x12c: {  	[tilespmem:s4+$0xFFFFFFF0] =	vst v19  }
0x12d: {  	[tilespmem:s4+$0xFFFFFFC0] =	vst v20  }
0x12e: {  	[tilespmem:s4+$0xFFFFFFE0] =	vst v62  }
.Ltmp13:
0x12f: {  	[tilespmem:s4+$0xFFFFFFA0] =	vst v63;
	(pc) =	sbr.rel .LBB2_24-.Ltmp13, $4  }
0x130: {  	[tilespmem:s4+$0x0] =	vst v18  }
0x131: {  	s2 =	sshll.u32 s2, $0xB;
	s4 =	rddreg [dreg:$0x6]  }
0x132: {  	s30 =	simm.s32 $0x15800;
	s2 =	sadd.s32 s2, s4  }
0x133: {  	[hbm4b:s2+s3] =	stream.linear.scatter [tilespmem:s30], [sflag:$0x6], $0x4000, $0x38;
	[tilespmem:$0x19800] =	vst v63  }
.LBB2_25:
0x134: {  	_ =	swait.ge [sflag:s16], $0x4000  }
0x135: {  	[sflag:s16] =	ssyncset.done $0x0  }
0x136: {  	s2 =	simm.s32 @!p0 $0x6;
	[sflag:s16] =	ssyncadd.s32 $0xFFFFC000  }
0x137: {  	_ =	swait.ge @!p0 [sflag:s2], $0x4000  }
0x138: {  	[sflag:s2] =	ssyncset.done @!p0 $0x0  }
0x139: {  	[sflag:s2] =	ssyncadd.s32 @!p0 $0xFFFFC000  }
0x13a: {  	[bflag:$0x0] =	sbarrier.arrive $0xFFFF  }
0x13b: {  	s25 =	rddreg [dreg:$0x8]  }
0x13c: {  	[tilespmem:s3], [sflag:$0x1] =	stream.linear.gather [hbm4b:s25+s3], $0x80, $0x38;
	[tilespmem:$0x19800] =	vst v63  }
0x13d: {  	s4 =	simm.s32 $0x80;
	s30 =	rddreg [dreg:$0x9]  }
0x13e: {  	[tilespmem:s4], [sflag:$0x1] =	stream.linear.gather [hbm4b:s30+s3], $0x80, $0x38;
	[tilespmem:$0x19800] =	vst v63  }
0x13f: {  	s9 =	simm.s32 $0x100;
	s5 =	rddreg [dreg:$0xa]  }
0x140: {  	[tilespmem:s9], [sflag:$0x1] =	stream.linear.gather [hbm4b:s5+s3], $0x80, $0x38;
	[tilespmem:$0x19800] =	vst v63  }
0x141: {  	s11 =	simm.s32 $0x180;
	s10 =	rddreg [dreg:$0xb]  }
0x142: {  	[tilespmem:s11], [sflag:$0x1] =	stream.linear.gather [hbm4b:s10+s3], $0x80, $0x38;
	[tilespmem:$0x19800] =	vst v63  }
0x143: {  	s17 =	rddreg [dreg:$0xc]  }
0x144: {  	[tilespmem:s6], [sflag:$0x2] =	stream.linear.gather [hbm4b:s17+s3], $0x80, $0x38;
	[tilespmem:$0x19800] =	vst v63  }
0x145: {  	s22 =	simm.s32 $0x280;
	s21 =	rddreg [dreg:$0xd]  }
0x146: {  	[tilespmem:s22], [sflag:$0x2] =	stream.linear.gather [hbm4b:s21+s3], $0x80, $0x38;
	[tilespmem:$0x19800] =	vst v63  }
0x147: {  	s24 =	simm.s32 $0x300;
	s23 =	rddreg [dreg:$0xe]  }
0x148: {  	[tilespmem:s24], [sflag:$0x2] =	stream.linear.gather [hbm4b:s23+s3], $0x80, $0x38;
	[tilespmem:$0x19800] =	vst v63  }
0x149: {  	s25 =	rddreg [dreg:$0xf];
	s30 =	simm.s32 $0x380  }
0x14a: {  	[tilespmem:s30], [sflag:$0x2] =	stream.linear.gather [hbm4b:s25+s3], $0x80, $0x38;
	[tilespmem:$0x19800] =	vst v63  }
0x14b: {  	_ =	swait.ge [sflag:s28], $0x80  }
0x14c: {  	[sflag:s28] =	ssyncset.done $0x0  }
0x14d: {  	[sflag:s28] =	ssyncadd.s32 $0xFFFFFF80  }
0x14e: {  	_ =	swait.ge [sflag:s28], $0x80  }
0x14f: {  	[sflag:s28] =	ssyncset.done $0x0  }
0x150: {  	[sflag:s28] =	ssyncadd.s32 $0xFFFFFF80  }
0x151: {  	_ =	swait.ge [sflag:s28], $0x80  }
0x152: {  	[sflag:s28] =	ssyncset.done $0x0  }
0x153: {  	[sflag:s28] =	ssyncadd.s32 $0xFFFFFF80  }
0x154: {  	_ =	swait.ge [sflag:s28], $0x80  }
0x155: {  	[sflag:s28] =	ssyncset.done $0x0  }
0x156: {  	s2 =	simm.s32 $0x40;
	[sflag:s28] =	ssyncadd.s32 $0xFFFFFF80  }
0x157: {  	v21 =	vld [tilespmem:s2+$0x30]  }
0x158: {  	v22 =	vld [tilespmem:s2+$0xFFFFFFD0]  }
0x159: {  	v23 =	vld [tilespmem:s2+$0xFFFFFFE0]  }
0x15a: {  	v20 =	vld [tilespmem:s2+$0xFFFFFFF0]  }
0x15b: {  	v19 =	vld [tilespmem:s2+$0x0]  }
0x15c: {  	v18 =	vld [tilespmem:s2+$0x10];
	v24 =	vadd.s32 v0, v21  }
0x15d: {  	v25 =	vadd.s32 v0, v22;
	v21 =	vld [tilespmem:s2+$0x20];
	[tilespmem:s2+$0x30] =	vst v24  }
0x15e: {  	s4 =	simm.s32 $0x0;
	s5 =	simm.s32 $0xC0;
	v22 =	vld [tilespmem:s2+$0xFFFFFFC0];
	v23 =	vadd.s32 v0, v23;
	[tilespmem:s2+$0xFFFFFFD0] =	vst v25  }
.LBB2_26:
0x15f: {  	v24 =	vld [tilespmem:s5+$0x30];
	s4 =	sadd.s32 $0x8, s4;
	[tilespmem:s2+$0xFFFFFFE0] =	vst v23;
	v20 =	vadd.s32 v0, v20  }
0x160: {  	v23 =	vld [tilespmem:s5+$0xFFFFFFD0];
	p1 =	slt.u32 s4, $0x18;
	[tilespmem:s2+$0xFFFFFFF0] =	vst v20;
	v19 =	vadd.s32 v0, v19  }
0x161: {  	v25 =	vld [tilespmem:s5+$0xFFFFFFE0];
	[tilespmem:s2+$0x0] =	vst v19;
	v18 =	vadd.s32 v0, v18  }
.Ltmp14:
0x162: {  	v20 =	vld [tilespmem:s5+$0xFFFFFFF0];
	[tilespmem:s2+$0x10] =	vst v18;
	v18 =	vadd.s32 v0, v21;
	(pc) =	sbr.rel @p1 .LBB2_26-.Ltmp14, $4  }
0x163: {  	v19 =	vld [tilespmem:s5+$0x0];
	v21 =	vadd.s32 v0, v22;
	[tilespmem:s2+$0x20] =	vst v18  }
0x164: {  	v18 =	vld [tilespmem:s5+$0x10];
	v22 =	vadd.s32 v0, v24;
	[tilespmem:s2+$0xFFFFFFC0] =	vst v21;
	s2 =	smov.u32 s5  }
0x165: {  	v23 =	vadd.s32 v0, v23;
	v21 =	vld [tilespmem:s5+$0x20];
	[tilespmem:s5+$0x30] =	vst v22  }
0x166: {  	s5 =	sadd.s32 $0x80, s5;
	v22 =	vld [tilespmem:s2+$0xFFFFFFC0];
	[tilespmem:s2+$0xFFFFFFD0] =	vst v23;
	v23 =	vadd.s32 v0, v25  }
0x167: {  	[tilespmem:s2+$0xFFFFFFE0] =	vst v23;
	v20 =	vadd.s32 v0, v20  }
0x168: {  	[tilespmem:s2+$0xFFFFFFF0] =	vst v20;
	v19 =	vadd.s32 v0, v19  }
0x169: {  	[tilespmem:s2+$0x0] =	vst v19;
	v18 =	vadd.s32 v0, v18  }
0x16a: {  	[tilespmem:s2+$0x10] =	vst v18;
	v18 =	vadd.s32 v0, v21  }
0x16b: {  	v19 =	vadd.s32 v0, v22;
	[tilespmem:s2+$0x20] =	vst v18  }
0x16c: {  	s21 =	simm.s32 $0x0;
	s30 =	simm.s32 $0x400;
	[tilespmem:s2+$0xFFFFFFC0] =	vst v19  }
0x16d: {  	[tilespmem:s30], [sflag:$0x3] =	stream.indirect.gather [hbm4b:s13+s6], $0x10, s21, s6, $0xb8;
	[tilespmem:$0x19800] =	vst v63  }
.LBB2_28:
0x16e: {  	_ =	swait.ge [sflag:s31], $0x80  }
0x16f: {  	[sflag:s31] =	ssyncset.done $0x0  }
0x170: {  	[sflag:s31] =	ssyncadd.s32 $0xFFFFFF80  }
0x171: {  	_ =	swait.ge [sflag:s31], $0x80  }
0x172: {  	[sflag:s31] =	ssyncset.done $0x0  }
0x173: {  	[sflag:s31] =	ssyncadd.s32 $0xFFFFFF80  }
0x174: {  	_ =	swait.ge [sflag:s31], $0x80  }
0x175: {  	[sflag:s31] =	ssyncset.done $0x0  }
0x176: {  	[sflag:s31] =	ssyncadd.s32 $0xFFFFFF80  }
0x177: {  	_ =	swait.ge [sflag:s31], $0x80  }
0x178: {  	[sflag:s31] =	ssyncset.done $0x0  }
0x179: {  	s2 =	simm.s32 $0x270;
	[sflag:s31] =	ssyncadd.s32 $0xFFFFFF80  }
0x17a: {  	v21 =	vld [tilespmem:s2+$0x0]  }
0x17b: {  	v22 =	vld [tilespmem:s2+$0xFFFFFFA0]  }
0x17c: {  	v23 =	vld [tilespmem:s2+$0xFFFFFFB0]  }
0x17d: {  	v20 =	vld [tilespmem:s2+$0xFFFFFFC0]  }
0x17e: {  	v19 =	vld [tilespmem:s2+$0xFFFFFFD0]  }
0x17f: {  	v18 =	vld [tilespmem:s2+$0xFFFFFFE0];
	v24 =	vadd.s32 v0, v21  }
0x180: {  	v25 =	vadd.s32 v0, v22;
	v21 =	vld [tilespmem:s2+$0xFFFFFFF0];
	[tilespmem:s2+$0x0] =	vst v24  }
0x181: {  	s4 =	simm.s32 $0x0;
	s5 =	simm.s32 $0x2F0;
	v22 =	vld [tilespmem:s2+$0xFFFFFF90];
	v23 =	vadd.s32 v0, v23;
	[tilespmem:s2+$0xFFFFFFA0] =	vst v25  }
.LBB2_29:
0x182: {  	v24 =	vld [tilespmem:s5+$0x0];
	s4 =	sadd.s32 $0x8, s4;
	[tilespmem:s2+$0xFFFFFFB0] =	vst v23;
	v20 =	vadd.s32 v0, v20  }
0x183: {  	v23 =	vld [tilespmem:s5+$0xFFFFFFA0];
	p1 =	slt.u32 s4, $0x18;
	[tilespmem:s2+$0xFFFFFFC0] =	vst v20;
	v19 =	vadd.s32 v0, v19  }
0x184: {  	v25 =	vld [tilespmem:s5+$0xFFFFFFB0];
	[tilespmem:s2+$0xFFFFFFD0] =	vst v19;
	v18 =	vadd.s32 v0, v18  }
.Ltmp15:
0x185: {  	v20 =	vld [tilespmem:s5+$0xFFFFFFC0];
	[tilespmem:s2+$0xFFFFFFE0] =	vst v18;
	v18 =	vadd.s32 v0, v21;
	(pc) =	sbr.rel @p1 .LBB2_29-.Ltmp15, $4  }
0x186: {  	v19 =	vld [tilespmem:s5+$0xFFFFFFD0];
	v21 =	vadd.s32 v0, v22;
	[tilespmem:s2+$0xFFFFFFF0] =	vst v18  }
0x187: {  	v18 =	vld [tilespmem:s5+$0xFFFFFFE0];
	v22 =	vadd.s32 v0, v24;
	[tilespmem:s2+$0xFFFFFF90] =	vst v21;
	s2 =	smov.u32 s5  }
0x188: {  	v23 =	vadd.s32 v0, v23;
	v21 =	vld [tilespmem:s5+$0xFFFFFFF0];
	[tilespmem:s5+$0x0] =	vst v22  }
0x189: {  	s5 =	sadd.s32 $0x80, s5;
	v22 =	vld [tilespmem:s2+$0xFFFFFF90];
	[tilespmem:s2+$0xFFFFFFA0] =	vst v23;
	v23 =	vadd.s32 v0, v25  }
0x18a: {  	[tilespmem:s2+$0xFFFFFFB0] =	vst v23;
	v20 =	vadd.s32 v0, v20  }
0x18b: {  	[tilespmem:s2+$0xFFFFFFC0] =	vst v20;
	v19 =	vadd.s32 v0, v19  }
0x18c: {  	[tilespmem:s2+$0xFFFFFFD0] =	vst v19;
	v18 =	vadd.s32 v0, v18  }
0x18d: {  	[tilespmem:s2+$0xFFFFFFE0] =	vst v18;
	v18 =	vadd.s32 v0, v21  }
0x18e: {  	s5 =	sshll.u32 s21, $0x1;
	p1 =	seq.s32 s21, $0x63;
	v19 =	vadd.s32 v0, v22;
	[tilespmem:s2+$0xFFFFFFF0] =	vst v18  }
0x18f: {  	s30 =	simm.s32 $0x2400;
	[tilespmem:s2+$0xFFFFFF90] =	vst v19;
	s2 =	sadd.s32 @!p1 $0x2, s5  }
0x190: {  	[tilespmem:s30], [sflag:$0x4] =	stream.indirect.gather [hbm4b:s13+s6], $0x10, s6, s6, $0xb8;
	[tilespmem:$0x19800] =	vst v63  }
0x191: {  	s4 =	sshll.u32 @!p1 s2, $0xE;
	s2 =	sshll.u32 @!p1 s2, $0x7  }
0x192: {  	s4 =	sand.u32 @!p1 $0x7E0000, s4;
	s2 =	sand.u32 @!p1 $0x300, s2  }
0x193: {  	s2 =	sor.u32 @!p1 s4, s2  }
0x194: {  	_ =	swait.ge [sflag:s14], $0x2000;
	s4 =	sor.u32 @!p1 s8, s2  }
0x195: {  	[sflag:s14] =	ssyncset.done $0x0;
	s4 =	sshrl.u32 @!p1 s4, $0x3  }
0x196: {  	s9 =	simm.s32 @!p1 $0x0;
	[sflag:s14] =	ssyncadd.s32 $0xFFFFE000;
	s4 =	sadd.s32 @!p1 s0, s4  }
0x197: {  	[tilespmem:s9], [sflag:$0x1] =	stream.linear.gather @!p1 [hbm4b:s4+s9], $0x80, $0x38;
	[tilespmem:$0x19800] =	vst v63  }
0x198: {  	s4 =	rddreg [dreg:$0x7]  }
0x199: {  	s4 =	sor.u32 @!p1 s4, s2  }
0x19a: {  	s4 =	sshrl.u32 @!p1 s4, $0x3  }
0x19b: {  	s10 =	simm.s32 @!p1 $0x80;
	s4 =	sadd.s32 @!p1 s0, s4  }
0x19c: {  	[tilespmem:s10], [sflag:$0x1] =	stream.linear.gather @!p1 [hbm4b:s4+s9], $0x80, $0x38;
	[tilespmem:$0x19800] =	vst v63  }
0x19d: {  	p2 =	seq.s32 @!p1 s21, $0x0;
	s4 =	rddreg [dreg:$0x14]  }
0x19e: {  	p2 =	por p1, !p2;
	s4 =	sor.u32 @!p1 s4, s2  }
.Ltmp16:
0x19f: {  	s2 =	sor.u32 @!p1 s12, s2;
	s4 =	sshrl.u32 @!p1 s4, $0x3;
	(pc) =	sbr.rel @!p2 .LBB2_31-.Ltmp16, $4  }
0x1a0: {  	s10 =	simm.s32 @!p1 $0x100;
	s2 =	sshrl.u32 @!p1 s2, $0x3;
	s4 =	sadd.s32 @!p1 s0, s4  }
0x1a1: {  	[tilespmem:s10], [sflag:$0x1] =	stream.linear.gather @!p1 [hbm4b:s4+s9], $0x80, $0x38;
	[tilespmem:$0x19800] =	vst v63  }
0x1a2: {  	s2 =	sadd.s32 @!p1 s0, s2;
	s4 =	simm.s32 @!p1 $0x180  }
0x1a3: {  	[tilespmem:s4], [sflag:$0x1] =	stream.linear.gather @!p1 [hbm4b:s2+s9], $0x80, $0x38;
	[tilespmem:$0x19800] =	vst v63  }
0x1a4: {  	_ =	swait.ge [sflag:s16], $0x1000  }
.Ltmp17:
0x1a5: {  	[sflag:s16] =	ssyncset.done $0x0;
	(pc) =	sbr.rel .LBB2_33-.Ltmp17, $4  }
0x1a6: {  	[sflag:s16] =	ssyncadd.s32 $0xFFFFF000  }
0x1a7: {  	_ =	swait.ge [sflag:s16], $0x1000  }
0x1a8: {  	[sflag:s16] =	ssyncset.done $0x0  }
0x1a9: {  	p1 =	por $0x0, $0x0;
	[sflag:s16] =	ssyncadd.s32 $0xFFFFF000  }
.LBB2_31:
0x1aa: {  	p1 =	por @!p1 $0x1, $0x1  }
.LBB2_33:
0x1ab: {  	s2 =	simm.s32 $0x0;
	s4 =	simm.s32 $0x2  }
0x1ac: {  	s9 =	simm.s32 $0x1;
	s10 =	simm.s32 $0x3;
	s11 =	simm.s32 $0x5  }
0x1ad: {  	s2 =	sand.u32 $0x18, s2;
	s4 =	sand.u32 $0x7A, s4;
	s9 =	sand.u32 $0x79, s9  }
0x1ae: {  	s17 =	sand.u32 $0x7B, s10;
	s23 =	sand.u32 $0x7D, s11;
	v18 =	vmov s2;
	v19 =	vmov s4;
	v20 =	vmov s9  }
0x1af: {  	s22 =	simm.s32 $0x7;
	v21 =	vmov s17;
	v22 =	vmov s23;
	v18 =	vmul.u32 $0x88, v18  }
0x1b0: {  	s24 =	simm.s32 $0x6;
	s4 =	sand.u32 $0x7F, s22;
	v20 =	vshrl.u32 v20, $0x3;
	v19 =	vshrl.u32 v19, $0x3;
	v21 =	vshrl.u32 v21, $0x3  }
0x1b1: {  	s2 =	sand.u32 $0x7E, s24;
	v23 =	vmov s4;
	v19 =	vshll.u32 v19, v1;
	v21 =	vshll.u32 v21, v1  }
0x1b2: {  	s25 =	simm.s32 $0x4;
	s9 =	simm.s32 $0x0;
	v26 =	vmov s2;
	v19 =	vadd.s32 v18, v19;
	v21 =	vadd.s32 v18, v21  }
0x1b3: {  	s30 =	sand.u32 $0x78, s9;
	s4 =	sand.u32 $0x7C, s25;
	v22 =	vshrl.u32 v22, $0x3;
	v19 =	vbroadcast v19, $0x0;
	v21 =	vbroadcast v21, $0x0  }
0x1b4: {  	s2 =	simm.s32 $0x440;
	v23 =	vshrl.u32 v23, $0x3;
	v24 =	vmov s4;
	v25 =	vmov s30  }
0x1b5: {  	v27 =	vld [tilespmem:s2+$0xFFFFFFE0];
	v28 =	vadd.s32 v12, v19;
	v19 =	vadd.s32 v13, v21;
	v21 =	vshrl.u32 v24, $0x3  }
0x1b6: {  	v20 =	vshll.u32 v20, v1;
	v22 =	vshll.u32 v22, v1;
	v21 =	vshll.u32 v21, v1  }
0x1b7: {  	v29 =	vadd.s32 v18, v20;
	v20 =	vadd.s32 v18, v22;
	v30 =	vadd.s32 v18, v21;
	v21 =	vld [tilespmem:s2+$0xFFFFFFF0]  }
0x1b8: {  	v26 =	vshrl.u32 v26, $0x3;
	v20 =	vbroadcast v20, $0x0;
	v24 =	vshrl.u32 v25, $0x3  }
0x1b9: {  	v22 =	vbroadcast v29, $0x0;
	v25 =	vshll.u32 v23, v1;
	v23 =	vshll.u32 v24, v1  }
0x1ba: {  	s4 =	simm.s32 $0x4C0;
	v24 =	vadd.s32 v18, v25;
	v23 =	vadd.s32 v18, v23;
	v25 =	vbroadcast v30, $0x0;
	[tilespmem:v28+s15+$0x0] =	vst.idx.msk $0xffff, v27  }
.LBB2_34:
0x1bb: {  	s10 =	sadd.s32 $0xA, s9  }
0x1bc: {  	s11 =	sadd.s32 $0xD, s9;
	v23 =	vbroadcast v23, $0x0;
	[tilespmem:v19+s15+$0x0] =	vst.idx.msk $0xffff, v21;
	v19 =	vld [tilespmem:s2+$0x20];
	v21 =	vshll.u32 v26, v1;
	v24 =	vbroadcast v24, $0x0;
	s17 =	smov.u32 s9;
	s9 =	sadd.s32 $0x8, s9  }
0x1bd: {  	v20 =	vadd.s32 v15, v20;
	s22 =	sshrl.u32 s9, $0x4;
	s23 =	sadd.s32 $0x9, s17;
	s24 =	sadd.s32 $0xC, s17;
	v26 =	vld [tilespmem:s2+$0x0];
	v25 =	vadd.s32 v14, v25;
	v18 =	vadd.s32 v18, v21  }
0x1be: {  	s10 =	sand.u32 $0x7A, s10;
	s25 =	sadd.s32 $0xB, s17;
	v22 =	vadd.s32 v11, v22;
	s22 =	sand.u32 $0x18, s22;
	v21 =	vld [tilespmem:s2+$0xFFFFFFC0];
	v23 =	vadd.s32 v10, v23;
	v27 =	vbroadcast v18, $0x0  }
0x1bf: {  	s30 =	sand.u32 $0x78, s9;
	v28 =	vmov s10;
	s10 =	sadd.s32 $0xF, s17;
	v24 =	vadd.s32 v17, v24;
	v18 =	vmov s22;
	s22 =	sand.u32 $0x79, s23;
	v29 =	vld [tilespmem:s2+$0xFFFFFFD0]  }
0x1c0: {  	s11 =	sand.u32 $0x7D, s11;
	s17 =	sadd.s32 $0xE, s17;
	v18 =	vmul.u32 $0x88, v18;
	v30 =	vmov s22;
	s22 =	sand.u32 $0x7B, s25;
	v27 =	vadd.s32 v16, v27;
	v31 =	vld [tilespmem:s2+$0x30]  }
0x1c1: {  	p2 =	slt.u32 s9, $0x1F8;
	v33 =	vmov s11;
	s10 =	sand.u32 $0x7F, s10;
	v30 =	vshrl.u32 v30, $0x3;
	v32 =	vmov s22;
	s22 =	sand.u32 $0x7C, s24;
	v34 =	vld [tilespmem:s2+$0x10]  }
0x1c2: {  	v28 =	vshrl.u32 v28, $0x3;
	s11 =	sand.u32 $0x7E, s17;
	v35 =	vmov s10;
	s2 =	smov.u32 s4;
	v32 =	vshrl.u32 v32, $0x3;
	[tilespmem:v25+s15+$0x0] =	vst.idx.msk $0xffff, v26  }
0x1c3: {  	v25 =	vshll.u32 v28, v1;
	v28 =	vmov s11;
	v26 =	vshll.u32 v32, v1;
	[tilespmem:v23+s15+$0x0] =	vst.idx.msk $0xffff, v21  }
0x1c4: {  	v21 =	vadd.s32 v18, v25;
	v25 =	vshrl.u32 v35, $0x3;
	v23 =	vadd.s32 v18, v26;
	[tilespmem:v22+s15+$0x0] =	vst.idx.msk $0xffff, v29  }
0x1c5: {  	v21 =	vbroadcast v21, $0x0;
	v22 =	vbroadcast v23, $0x0;
	v23 =	vmov s22;
	[tilespmem:v24+s15+$0x0] =	vst.idx.msk $0xffff, v31  }
0x1c6: {  	v26 =	vshll.u32 v30, v1;
	v24 =	vmov s30;
	[tilespmem:v27+s15+$0x0] =	vst.idx.msk $0xffff, v19  }
0x1c7: {  	v29 =	vadd.s32 v12, v21;
	v27 =	vld [tilespmem:s4+$0xFFFFFFE0];
	v19 =	vadd.s32 v13, v22;
	v22 =	vshrl.u32 v23, $0x3;
	[tilespmem:v20+s15+$0x0] =	vst.idx.msk $0xffff, v34  }
.Ltmp18:
0x1c8: {  	v20 =	vshrl.u32 v24, $0x3;
	v23 =	vshrl.u32 v33, $0x3;
	v24 =	vshll.u32 v25, v1;
	v21 =	vld [tilespmem:s4+$0xFFFFFFF0];
	(pc) =	sbr.rel @p2 .LBB2_34-.Ltmp18, $4  }
0x1c9: {  	v20 =	vshll.u32 v20, v1;
	v22 =	vshll.u32 v22, v1;
	v25 =	vshll.u32 v23, v1  }
0x1ca: {  	v26 =	vadd.s32 v18, v26;
	v23 =	vadd.s32 v18, v20;
	v20 =	vadd.s32 v18, v25  }
0x1cb: {  	v24 =	vadd.s32 v18, v24;
	v25 =	vadd.s32 v18, v22;
	v20 =	vbroadcast v20, $0x0  }
0x1cc: {  	s4 =	sadd.s32 $0x80, s4;
	v22 =	vbroadcast v26, $0x0;
	v26 =	vshrl.u32 v28, $0x3;
	v25 =	vbroadcast v25, $0x0;
	[tilespmem:v29+s15+$0x0] =	vst.idx.msk $0xffff, v27  }
0x1cd: {  	v20 =	vadd.s32 v15, v20;
	v63 =	vld [tilespmem:s2+$0x10]  }
0x1ce: {  	v23 =	vbroadcast v23, $0x0;
	v26 =	vshll.u32 v26, v1;
	v27 =	vld [tilespmem:s2+$0x0];
	v25 =	vadd.s32 v14, v25  }
0x1cf: {  	v24 =	vbroadcast v24, $0x0;
	v28 =	vld [tilespmem:s2+$0xFFFFFFD0];
	v18 =	vadd.s32 v18, v26;
	v22 =	vadd.s32 v11, v22  }
0x1d0: {  	v62 =	vld [tilespmem:s2+$0xFFFFFFC0];
	v23 =	vadd.s32 v10, v23;
	v18 =	vbroadcast v18, $0x0  }
0x1d1: {  	v29 =	vld [tilespmem:s2+$0x30];
	[tilespmem:v19+s15+$0x0] =	vst.idx.msk $0xffff, v21;
	v24 =	vadd.s32 v17, v24  }
0x1d2: {  	v19 =	vld [tilespmem:s2+$0x20];
	v18 =	vadd.s32 v16, v18;
	[tilespmem:v20+s15+$0x0] =	vst.idx.msk $0xffff, v63  }
0x1d3: {  	s30 =	sshll.u32 s21, $0x13;
	[tilespmem:v25+s15+$0x0] =	vst.idx.msk $0xffff, v27  }
0x1d4: {  	s2 =	sor.u32 s8, s30;
	[tilespmem:v22+s15+$0x0] =	vst.idx.msk $0xffff, v28  }
0x1d5: {  	s4 =	rddreg [dreg:$0x2];
	s2 =	sshrl.u32 s2, $0x3;
	[tilespmem:v23+s15+$0x0] =	vst.idx.msk $0xffff, v62  }
0x1d6: {  	s9 =	simm.s32 $0x4400;
	s4 =	sadd.s32 s4, s2;
	[tilespmem:v24+s15+$0x0] =	vst.idx.msk $0xffff, v29  }
0x1d7: {  	s25 =	simm.s32 $0x10;
	s22 =	simm.s32 $0x4488;
	s23 =	sadd.s32 $0x0, s4;
	[tilespmem:v18+s15+$0x0] =	vst.idx.msk $0xffff, v19  }
.LBB2_36:
0x1d8: {  	[hbm4b:s23+s3] =	stream.linear.scatter [tilespmem:s9], [sflag:$0x5], $0x80, $0x38;
	[tilespmem:$0x19800] =	vst v63  }
0x1d9: {  	s10 =	smov.u32 s25;
	s9 =	smov.u32 s22;
	p2 =	sne.s32 s25, $0x1F0  }
.Ltmp19:
0x1da: {  	s25 =	sadd.s32 $0x10, s25;
	(pc) =	sbr.rel @p2 .LBB2_36-.Ltmp19, $2  }
0x1db: {  	_ =	sdelay $0x2  }
0x1dc: {  	s22 =	sadd.s32 $0x88, s22;
	s23 =	sadd.s32 s10, s4  }
0x1dd: {  	[hbm4b:s23+s3] =	stream.linear.scatter [tilespmem:s9], [sflag:$0x5], $0x80, $0x38;
	[tilespmem:$0x19800] =	vst v63  }
0x1de: {  	s4 =	rddreg [dreg:$0x10]  }
0x1df: {  	s9 =	simm.s32 $0x5500;
	s4 =	sadd.s32 s2, s4  }
0x1e0: {  	s25 =	simm.s32 $0x10;
	s22 =	simm.s32 $0x5588;
	s23 =	sadd.s32 $0x0, s4  }
.LBB2_38:
0x1e1: {  	[hbm4b:s23+s3] =	stream.linear.scatter [tilespmem:s9], [sflag:$0x5], $0x80, $0x38;
	[tilespmem:$0x19800] =	vst v63  }
0x1e2: {  	s10 =	smov.u32 s25;
	s9 =	smov.u32 s22;
	p2 =	sne.s32 s25, $0x1F0  }
.Ltmp20:
0x1e3: {  	s25 =	sadd.s32 $0x10, s25;
	(pc) =	sbr.rel @p2 .LBB2_38-.Ltmp20, $2  }
0x1e4: {  	_ =	sdelay $0x2  }
0x1e5: {  	s22 =	sadd.s32 $0x88, s22;
	s23 =	sadd.s32 s10, s4  }
0x1e6: {  	p2 =	sne.s32 s21, $0x63  }
.Ltmp21:
0x1e7: {  	_ = 	snop;
	(pc) =	sbr.rel @p2 .LBB2_41-.Ltmp21, $2  }
0x1e8: {  	_ =	sdelay $0x2  }
0x1e9: {  	[hbm4b:s23+s3] =	stream.linear.scatter [tilespmem:s9], [sflag:$0x5], $0x80, $0x38;
	[tilespmem:$0x19800] =	vst v63  }
.Ltmp22:
0x1ea: {  	(pc) =	sbr.rel .LBB2_44-.Ltmp22, $4  }
0x1eb: {  	_ = 	snop  }
0x1ec: {  	_ =	swait.ge [sflag:s18], $0x2000  }
0x1ed: {  	[sflag:s18] =	ssyncset.done $0x0  }
0x1ee: {  	[sflag:s18] =	ssyncadd.s32 $0xFFFFE000  }
.LBB2_41:
0x1ef: {  	_ =	swait.ge [sflag:s28], $0x80  }
0x1f0: {  	[sflag:s28] =	ssyncset.done $0x0  }
0x1f1: {  	[sflag:s28] =	ssyncadd.s32 $0xFFFFFF80  }
0x1f2: {  	_ =	swait.ge [sflag:s28], $0x80  }
0x1f3: {  	[sflag:s28] =	ssyncset.done $0x0  }
0x1f4: {  	[sflag:s28] =	ssyncadd.s32 $0xFFFFFF80  }
0x1f5: {  	_ =	swait.ge [sflag:s28], $0x80  }
0x1f6: {  	[sflag:s28] =	ssyncset.done $0x0  }
0x1f7: {  	[sflag:s28] =	ssyncadd.s32 $0xFFFFFF80  }
0x1f8: {  	_ =	swait.ge [sflag:s28], $0x80  }
0x1f9: {  	[sflag:s28] =	ssyncset.done $0x0  }
0x1fa: {  	s4 =	simm.s32 $0x40;
	[sflag:s28] =	ssyncadd.s32 $0xFFFFFF80  }
0x1fb: {  	v21 =	vld [tilespmem:s4+$0x30]  }
0x1fc: {  	v22 =	vld [tilespmem:s4+$0xFFFFFFD0]  }
0x1fd: {  	v23 =	vld [tilespmem:s4+$0xFFFFFFE0]  }
0x1fe: {  	v20 =	vld [tilespmem:s4+$0xFFFFFFF0]  }
0x1ff: {  	v19 =	vld [tilespmem:s4+$0x0]  }
0x200: {  	v18 =	vld [tilespmem:s4+$0x10];
	v24 =	vadd.s32 v0, v21  }
0x201: {  	v25 =	vadd.s32 v0, v22;
	v21 =	vld [tilespmem:s4+$0x20];
	[tilespmem:s4+$0x30] =	vst v24  }
0x202: {  	s9 =	simm.s32 $0x0;
	s25 =	simm.s32 $0xC0;
	v22 =	vld [tilespmem:s4+$0xFFFFFFC0];
	v23 =	vadd.s32 v0, v23;
	[tilespmem:s4+$0xFFFFFFD0] =	vst v25  }
.LBB2_42:
0x203: {  	v24 =	vld [tilespmem:s25+$0x30];
	s9 =	sadd.s32 $0x8, s9;
	[tilespmem:s4+$0xFFFFFFE0] =	vst v23;
	v20 =	vadd.s32 v0, v20  }
0x204: {  	v23 =	vld [tilespmem:s25+$0xFFFFFFD0];
	p2 =	slt.u32 s9, $0x18;
	[tilespmem:s4+$0xFFFFFFF0] =	vst v20;
	v19 =	vadd.s32 v0, v19  }
0x205: {  	v25 =	vld [tilespmem:s25+$0xFFFFFFE0];
	[tilespmem:s4+$0x0] =	vst v19;
	v18 =	vadd.s32 v0, v18  }
.Ltmp23:
0x206: {  	v20 =	vld [tilespmem:s25+$0xFFFFFFF0];
	[tilespmem:s4+$0x10] =	vst v18;
	v18 =	vadd.s32 v0, v21;
	(pc) =	sbr.rel @p2 .LBB2_42-.Ltmp23, $4  }
0x207: {  	v19 =	vld [tilespmem:s25+$0x0];
	v21 =	vadd.s32 v0, v22;
	[tilespmem:s4+$0x20] =	vst v18  }
0x208: {  	v18 =	vld [tilespmem:s25+$0x10];
	v22 =	vadd.s32 v0, v24;
	[tilespmem:s4+$0xFFFFFFC0] =	vst v21;
	s4 =	smov.u32 s25  }
0x209: {  	v23 =	vadd.s32 v0, v23;
	v21 =	vld [tilespmem:s25+$0x20];
	[tilespmem:s25+$0x30] =	vst v22  }
0x20a: {  	s25 =	sadd.s32 $0x80, s25;
	v22 =	vld [tilespmem:s4+$0xFFFFFFC0];
	[tilespmem:s4+$0xFFFFFFD0] =	vst v23;
	v23 =	vadd.s32 v0, v25  }
0x20b: {  	[tilespmem:s4+$0xFFFFFFE0] =	vst v23;
	v20 =	vadd.s32 v0, v20  }
0x20c: {  	[tilespmem:s4+$0xFFFFFFF0] =	vst v20;
	v19 =	vadd.s32 v0, v19  }
0x20d: {  	[tilespmem:s4+$0x0] =	vst v19;
	v18 =	vadd.s32 v0, v18  }
0x20e: {  	[tilespmem:s4+$0x10] =	vst v18;
	v18 =	vadd.s32 v0, v21  }
0x20f: {  	s9 =	simm.s32 $0x200;
	s17 =	sadd.s32 $0x3, s5;
	v19 =	vadd.s32 v0, v22;
	[tilespmem:s4+$0x20] =	vst v18  }
0x210: {  	s11 =	simm.s32 $0x400;
	s5 =	sshll.u32 s17, $0xE;
	[tilespmem:s4+$0xFFFFFFC0] =	vst v19;
	s4 =	sshll.u32 s17, $0x7  }
0x211: {  	[tilespmem:s11], [sflag:$0x3] =	stream.indirect.gather [hbm4b:s13+s9], $0x10, s3, s9, $0xb8;
	[tilespmem:$0x19800] =	vst v63  }
0x212: {  	s5 =	sand.u32 $0x7E0000, s5;
	s4 =	sand.u32 $0x380, s4  }
0x213: {  	s4 =	sor.u32 s5, s4  }
0x214: {  	_ =	swait.ge [sflag:s18], $0x2000;
	s5 =	sor.u32 s8, s4  }
0x215: {  	[sflag:s18] =	ssyncset.done $0x0;
	s5 =	sshrl.u32 s5, $0x3  }
0x216: {  	s22 =	rddreg [dreg:$0x7];
	[sflag:s18] =	ssyncadd.s32 $0xFFFFE000;
	s5 =	sadd.s32 s0, s5  }
0x217: {  	[tilespmem:s9], [sflag:$0x2] =	stream.linear.gather [hbm4b:s5+s3], $0x80, $0x38;
	[tilespmem:$0x19800] =	vst v63  }
0x218: {  	s5 =	sor.u32 s22, s4  }
0x219: {  	s5 =	sshrl.u32 s5, $0x3  }
0x21a: {  	s23 =	simm.s32 $0x280;
	s24 =	rddreg [dreg:$0x14];
	s5 =	sadd.s32 s0, s5  }
0x21b: {  	[tilespmem:s23], [sflag:$0x2] =	stream.linear.gather [hbm4b:s5+s3], $0x80, $0x38;
	[tilespmem:$0x19800] =	vst v63  }
0x21c: {  	s5 =	sor.u32 s24, s4  }
.Ltmp24:
0x21d: {  	s4 =	sor.u32 s12, s4;
	s5 =	sshrl.u32 s5, $0x3;
	(pc) =	sbr.rel @p1 .LBB2_45-.Ltmp24, $4  }
0x21e: {  	s25 =	simm.s32 $0x300;
	s4 =	sshrl.u32 s4, $0x3;
	s5 =	sadd.s32 s0, s5  }
0x21f: {  	[tilespmem:s25], [sflag:$0x2] =	stream.linear.gather [hbm4b:s5+s3], $0x80, $0x38;
	[tilespmem:$0x19800] =	vst v63  }
0x220: {  	s6 =	simm.s32 $0x200;
	s30 =	simm.s32 $0x380;
	s4 =	sadd.s32 s0, s4  }
0x221: {  	[tilespmem:s30], [sflag:$0x2] =	stream.linear.gather [hbm4b:s4+s3], $0x80, $0x38;
	[tilespmem:$0x19800] =	vst v63  }
.LBB2_44:
0x222: {  	_ =	swait.ge [sflag:s19], $0x1000  }
0x223: {  	[sflag:s19] =	ssyncset.done $0x0  }
0x224: {  	[sflag:s19] =	ssyncadd.s32 $0xFFFFF000  }
0x225: {  	_ =	swait.ge [sflag:s19], $0x1000  }
0x226: {  	[sflag:s19] =	ssyncset.done $0x0  }
0x227: {  	[sflag:s19] =	ssyncadd.s32 $0xFFFFF000  }
.LBB2_45:
0x228: {  	s4 =	simm.s32 $0x0;
	s5 =	simm.s32 $0x2;
	s9 =	simm.s32 $0x1  }
0x229: {  	s10 =	simm.s32 $0x3;
	s11 =	simm.s32 $0x5;
	s24 =	simm.s32 $0x4  }
0x22a: {  	s4 =	sand.u32 $0x18, s4;
	s5 =	sand.u32 $0x7A, s5;
	s9 =	sand.u32 $0x79, s9  }
0x22b: {  	s10 =	sand.u32 $0x7B, s10;
	s22 =	sand.u32 $0x7D, s11;
	s30 =	sand.u32 $0x7C, s24;
	v18 =	vmov s4;
	v19 =	vmov s5;
	v20 =	vmov s9  }
0x22c: {  	v21 =	vmov s10;
	v22 =	vmov s22;
	v24 =	vmov s30  }
0x22d: {  	s17 =	simm.s32 $0x7;
	v18 =	vmul.u32 $0x88, v18;
	v19 =	vshrl.u32 v19, $0x3;
	v21 =	vshrl.u32 v21, $0x3  }
0x22e: {  	s23 =	simm.s32 $0x6;
	s5 =	sand.u32 $0x7F, s17;
	v20 =	vshrl.u32 v20, $0x3;
	v19 =	vshll.u32 v19, v1;
	v21 =	vshll.u32 v21, v1  }
0x22f: {  	s4 =	sand.u32 $0x7E, s23;
	s9 =	simm.s32 $0x0;
	v23 =	vmov s5;
	v19 =	vadd.s32 v18, v19;
	v21 =	vadd.s32 v18, v21  }
0x230: {  	v26 =	vmov s4;
	s25 =	sand.u32 $0x78, s9;
	v19 =	vbroadcast v19, $0x0;
	v21 =	vbroadcast v21, $0x0  }
0x231: {  	s5 =	simm.s32 $0x2470;
	v22 =	vshrl.u32 v22, $0x3;
	v23 =	vshrl.u32 v23, $0x3;
	v25 =	vmov s25  }
0x232: {  	v27 =	vld [tilespmem:s5+$0xFFFFFFB0];
	v28 =	vadd.s32 v12, v19;
	v19 =	vadd.s32 v13, v21;
	v21 =	vshrl.u32 v24, $0x3  }
0x233: {  	v20 =	vshll.u32 v20, v1;
	v22 =	vshll.u32 v22, v1;
	v21 =	vshll.u32 v21, v1  }
0x234: {  	v29 =	vadd.s32 v18, v20;
	v20 =	vadd.s32 v18, v22;
	v30 =	vadd.s32 v18, v21;
	v21 =	vld [tilespmem:s5+$0xFFFFFFC0]  }
0x235: {  	v26 =	vshrl.u32 v26, $0x3;
	v20 =	vbroadcast v20, $0x0;
	v24 =	vshrl.u32 v25, $0x3  }
0x236: {  	v22 =	vbroadcast v29, $0x0;
	v25 =	vshll.u32 v23, v1;
	v23 =	vshll.u32 v24, v1  }
0x237: {  	s4 =	simm.s32 $0x24F0;
	v24 =	vadd.s32 v18, v25;
	v23 =	vadd.s32 v18, v23;
	v25 =	vbroadcast v30, $0x0;
	[tilespmem:v28+s20+$0x0] =	vst.idx.msk $0xffff, v27  }
.LBB2_46:
0x238: {  	s10 =	sadd.s32 $0xA, s9  }
0x239: {  	s11 =	sadd.s32 $0xD, s9;
	v23 =	vbroadcast v23, $0x0;
	[tilespmem:v19+s20+$0x0] =	vst.idx.msk $0xffff, v21;
	v19 =	vld [tilespmem:s5+$0xFFFFFFF0];
	v21 =	vshll.u32 v26, v1;
	v24 =	vbroadcast v24, $0x0;
	s17 =	smov.u32 s9;
	s9 =	sadd.s32 $0x8, s9  }
0x23a: {  	v20 =	vadd.s32 v15, v20;
	s22 =	sshrl.u32 s9, $0x4;
	s23 =	sadd.s32 $0x9, s17;
	s24 =	sadd.s32 $0xC, s17;
	v26 =	vld [tilespmem:s5+$0xFFFFFFD0];
	v25 =	vadd.s32 v14, v25;
	v18 =	vadd.s32 v18, v21  }
0x23b: {  	s10 =	sand.u32 $0x7A, s10;
	s25 =	sadd.s32 $0xB, s17;
	v22 =	vadd.s32 v11, v22;
	s22 =	sand.u32 $0x18, s22;
	v21 =	vld [tilespmem:s5+$0xFFFFFF90];
	v23 =	vadd.s32 v10, v23;
	v27 =	vbroadcast v18, $0x0  }
0x23c: {  	s30 =	sand.u32 $0x78, s9;
	v28 =	vmov s10;
	s10 =	sadd.s32 $0xF, s17;
	v24 =	vadd.s32 v17, v24;
	v18 =	vmov s22;
	s22 =	sand.u32 $0x79, s23;
	v29 =	vld [tilespmem:s5+$0xFFFFFFA0]  }
0x23d: {  	s11 =	sand.u32 $0x7D, s11;
	s17 =	sadd.s32 $0xE, s17;
	v18 =	vmul.u32 $0x88, v18;
	v30 =	vmov s22;
	s22 =	sand.u32 $0x7B, s25;
	v27 =	vadd.s32 v16, v27;
	v31 =	vld [tilespmem:s5+$0x0]  }
0x23e: {  	p1 =	slt.u32 s9, $0x1F8;
	v33 =	vmov s11;
	s10 =	sand.u32 $0x7F, s10;
	v30 =	vshrl.u32 v30, $0x3;
	v32 =	vmov s22;
	s22 =	sand.u32 $0x7C, s24;
	v34 =	vld [tilespmem:s5+$0xFFFFFFE0]  }
0x23f: {  	v28 =	vshrl.u32 v28, $0x3;
	s11 =	sand.u32 $0x7E, s17;
	v35 =	vmov s10;
	s5 =	smov.u32 s4;
	v32 =	vshrl.u32 v32, $0x3;
	[tilespmem:v25+s20+$0x0] =	vst.idx.msk $0xffff, v26  }
0x240: {  	v25 =	vshll.u32 v28, v1;
	v28 =	vmov s11;
	v26 =	vshll.u32 v32, v1;
	[tilespmem:v23+s20+$0x0] =	vst.idx.msk $0xffff, v21  }
0x241: {  	v21 =	vadd.s32 v18, v25;
	v25 =	vshrl.u32 v35, $0x3;
	v23 =	vadd.s32 v18, v26;
	[tilespmem:v22+s20+$0x0] =	vst.idx.msk $0xffff, v29  }
0x242: {  	v21 =	vbroadcast v21, $0x0;
	v22 =	vbroadcast v23, $0x0;
	v23 =	vmov s22;
	[tilespmem:v24+s20+$0x0] =	vst.idx.msk $0xffff, v31  }
0x243: {  	v26 =	vshll.u32 v30, v1;
	v24 =	vmov s30;
	[tilespmem:v27+s20+$0x0] =	vst.idx.msk $0xffff, v19  }
0x244: {  	v29 =	vadd.s32 v12, v21;
	v27 =	vld [tilespmem:s4+$0xFFFFFFB0];
	v19 =	vadd.s32 v13, v22;
	v22 =	vshrl.u32 v23, $0x3;
	[tilespmem:v20+s20+$0x0] =	vst.idx.msk $0xffff, v34  }
.Ltmp25:
0x245: {  	v20 =	vshrl.u32 v24, $0x3;
	v23 =	vshrl.u32 v33, $0x3;
	v24 =	vshll.u32 v25, v1;
	v21 =	vld [tilespmem:s4+$0xFFFFFFC0];
	(pc) =	sbr.rel @p1 .LBB2_46-.Ltmp25, $4  }
0x246: {  	v20 =	vshll.u32 v20, v1;
	v22 =	vshll.u32 v22, v1;
	v25 =	vshll.u32 v23, v1  }
0x247: {  	v26 =	vadd.s32 v18, v26;
	v23 =	vadd.s32 v18, v20;
	v20 =	vadd.s32 v18, v25  }
0x248: {  	v24 =	vadd.s32 v18, v24;
	v25 =	vadd.s32 v18, v22;
	v20 =	vbroadcast v20, $0x0  }
0x249: {  	s4 =	sadd.s32 $0x80, s4;
	v22 =	vbroadcast v26, $0x0;
	v26 =	vshrl.u32 v28, $0x3;
	v25 =	vbroadcast v25, $0x0;
	[tilespmem:v29+s20+$0x0] =	vst.idx.msk $0xffff, v27  }
0x24a: {  	_ = 	snop  }
0x24b: {  	v23 =	vbroadcast v23, $0x0;
	v26 =	vshll.u32 v26, v1;
	v27 =	vld [tilespmem:s5+$0xFFFFFFD0];
	v25 =	vadd.s32 v14, v25  }
0x24c: {  	v24 =	vbroadcast v24, $0x0;
	v28 =	vld [tilespmem:s5+$0xFFFFFFA0];
	v18 =	vadd.s32 v18, v26;
	v22 =	vadd.s32 v11, v22  }
0x24d: {  	v62 =	vld [tilespmem:s5+$0xFFFFFF90];
	v23 =	vadd.s32 v10, v23;
	v18 =	vbroadcast v18, $0x0  }
0x24e: {  	v29 =	vld [tilespmem:s5+$0x0];
	v24 =	vadd.s32 v17, v24  }
0x24f: {  	[tilespmem:v19+s20+$0x0] =	vst.idx.msk $0xffff, v21;
	v19 =	vld [tilespmem:s5+$0xFFFFFFF0];
	v18 =	vadd.s32 v16, v18  }
0x250: {  	[tilespmem:v25+s20+$0x0] =	vst.idx.msk $0xffff, v27  }
0x251: {  	[tilespmem:v22+s20+$0x0] =	vst.idx.msk $0xffff, v28  }
0x252: {  	v20 =	vadd.s32 v15, v20;
	v63 =	vld [tilespmem:s5+$0xFFFFFFE0];
	[tilespmem:v23+s20+$0x0] =	vst.idx.msk $0xffff, v62  }
0x253: {  	[tilespmem:v24+s20+$0x0] =	vst.idx.msk $0xffff, v29  }
0x254: {  	[tilespmem:v18+s20+$0x0] =	vst.idx.msk $0xffff, v19  }
0x255: {  	s4 =	rddreg [dreg:$0x11]  }
0x256: {  	s5 =	simm.s32 $0x6600;
	s4 =	sadd.s32 s2, s4  }
0x257: {  	s9 =	simm.s32 $0x10;
	s22 =	simm.s32 $0x6688;
	[tilespmem:v20+s20+$0x0] =	vst.idx.msk $0xffff, v63;
	s23 =	sadd.s32 $0x0, s4  }
.LBB2_48:
0x258: {  	[hbm4b:s23+s3] =	stream.linear.scatter [tilespmem:s5], [sflag:$0x6], $0x80, $0x38;
	[tilespmem:$0x19800] =	vst v63  }
0x259: {  	s10 =	smov.u32 s9;
	s5 =	smov.u32 s22;
	p1 =	sne.s32 s9, $0x1F0  }
.Ltmp26:
0x25a: {  	s9 =	sadd.s32 $0x10, s9;
	(pc) =	sbr.rel @p1 .LBB2_48-.Ltmp26, $2  }
0x25b: {  	_ =	sdelay $0x2  }
0x25c: {  	s22 =	sadd.s32 $0x88, s22;
	s23 =	sadd.s32 s10, s4  }
0x25d: {  	[hbm4b:s23+s3] =	stream.linear.scatter [tilespmem:s5], [sflag:$0x6], $0x80, $0x38;
	[tilespmem:$0x19800] =	vst v63  }
0x25e: {  	s4 =	rddreg [dreg:$0x12]  }
0x25f: {  	s5 =	simm.s32 $0x10;
	s2 =	sadd.s32 s2, s4  }
0x260: {  	s9 =	simm.s32 $0x7788;
	s4 =	simm.s32 $0x7700;
	s22 =	sadd.s32 $0x0, s2  }
.LBB2_50:
0x261: {  	[hbm4b:s22+s3] =	stream.linear.scatter [tilespmem:s4], [sflag:$0x6], $0x80, $0x38;
	[tilespmem:$0x19800] =	vst v63  }
0x262: {  	s10 =	smov.u32 s5;
	s4 =	smov.u32 s9;
	p1 =	sne.s32 s5, $0x1F0  }
.Ltmp27:
0x263: {  	s5 =	sadd.s32 $0x10, s5;
	(pc) =	sbr.rel @p1 .LBB2_50-.Ltmp27, $2  }
0x264: {  	_ =	sdelay $0x2  }
0x265: {  	s9 =	sadd.s32 $0x88, s9;
	s22 =	sadd.s32 s10, s2  }
0x266: {  	s21 =	sadd.s32 $0x1, s21  }
0x267: {  	p1 =	sne.s32 s21, $0x64  }
.Ltmp28:
0x268: {  	_ = 	snop;
	(pc) =	sbr.rel @p1 .LBB2_28-.Ltmp28, $2  }
0x269: {  	_ =	sdelay $0x2  }
0x26a: {  	[hbm4b:s22+s3] =	stream.linear.scatter [tilespmem:s4], [sflag:$0x6], $0x80, $0x38;
	[tilespmem:$0x19800] =	vst v63  }
0x26b: {  	_ =	swait.ge [sflag:s16], $0x1000  }
0x26c: {  	[sflag:s16] =	ssyncset.done $0x0  }
0x26d: {  	[sflag:s16] =	ssyncadd.s32 $0xFFFFF000  }
0x26e: {  	_ =	swait.ge [sflag:s16], $0x1000  }
0x26f: {  	[sflag:s16] =	ssyncset.done $0x0  }
0x270: {  	[sflag:s16] =	ssyncadd.s32 $0xFFFFF000  }
0x271: {  	_ =	swait.ge [sflag:s19], $0x1000  }
0x272: {  	[sflag:s19] =	ssyncset.done $0x0  }
0x273: {  	[sflag:s19] =	ssyncadd.s32 $0xFFFFF000  }
0x274: {  	_ =	swait.ge [sflag:s19], $0x1000  }
0x275: {  	s4 =	rddreg [dreg:$0x15]  }
0x276: {  	s2 =	rddreg [dreg:$0x13];
	s4 =	sadd.s32 $0x1, s4  }
0x277: {  	p1 =	sne.s32 s4, s2  }
.Ltmp29:
0x278: {  	_ = 	snop;
	(pc) =	sbr.rel @p1 .LBB2_1-.Ltmp29, $3  }
0x279: {  	_ =	sdelay $0x1  }
0x27a: {  	[sflag:s19] =	ssyncset.done $0x0  }
0x27b: {  	[sflag:s19] =	ssyncadd.s32 $0xFFFFF000  }
0x27c: {  	_ =	sfence.sel $0x180000  }
0x27d: {  	[bflag:$0x0] =	sbarrier.arrive $0xFFFF  }
0x27e: {  	_ =	strace $0x90000047  }
0x27f: {  	[bflag:$0x2] =	sbarrier.arrive $0xFFFF  }
0x280: {  	s0 =	rddreg [dreg:$0x3]  }
0x281: {  	s0 =	sadd.s32 @!p0 $0x100000, s0  }
0x282: {  	[sflag:s0] =	ssyncadd.tile.s32 @!p0 $0x1;
	_ =	shalt  }
.Lfunc_end2:
_tile_overlayer_lowered:
.L_overlay_start_2:
0x283: {  	(tag) =	ssettag $0x2  }
0x284: {  	s0 =	rddreg [dreg:$0x0];
	s2 =	stileid.u32  }
0x285: {  	s1 =	rddreg [dreg:$0x1];
	p0 =	sne.s32 s2, $0x0  }
0x286: {  	s3 =	rddreg [dreg:$0x2];
	[bflag:$0x3] =	sbarrier.arrive $0xFFFF;
	s2 =	simm.s32 @!p0 $0x1C07  }
0x287: {  	[timem:s3], [sflag:s2] =	dma.local @!p0 [hbm:s0], s1  }
0x288: {  	s0 =	simm.s32 @!p0 $0x7  }
0x289: {  	_ =	swait.ge @!p0 [sflag:s0], s1  }
0x28a: {  	s1 =	ssub.s32 @!p0 $0x0, s1;
	[sflag:s0] =	ssyncset.done @!p0 $0x0  }
0x28b: {  	[sflag:s0] =	ssyncadd.s32 @!p0 s1  }
0x28c: {  	[bflag:$0x3] =	sbarrier.arrive $0xFFFF  }
0x28d: {  	_ =	shalt  }

</sc_bundles>
